<compile_context>
chip_gen: v7x
topology: tpu7x:2x2x1
jax: 0.10.2.dev20260603
libtpu: 0.0.44.dev20260713+nightly
codegen_flags: <defaults>
</compile_context>

<pallas_src>
import jax
import jax.numpy as jnp
from jax import lax
from jax.experimental import pallas as pl
from jax.experimental.pallas import tpu as pltpu
from jax.experimental.pallas import tpu_sc as plsc

VOCAB = 1000
VPAD = 1024
BT = 4096 * 50
NC, NS, L = 2, 16, 16
NW = NC * NS
PER_W = BT // NW
CHUNK = 32
NBUF = 2
P = 4
SLICE = BT // P
PW_G = SLICE // NW
NCHUNK_G = PW_G // CHUNK


def _logz_body(t_ref, o_ref):
    x = t_ref[...]
    m = jnp.max(x, axis=1)
    s = jnp.sum(jnp.exp(x - m[:, None]), axis=1)
    o_ref[...] = m + jnp.log(s)


def _row_logsumexp(table):
    return pl.pallas_call(
        _logz_body,
        out_shape=jax.ShapeDtypeStruct((VOCAB,), jnp.float32),
    )(table)


def _gather_body(tablep_hbm, idx_hbm, outp_hbm,
                 idx_v, rows0_v, rows1_v, sem0, sem1):
    wid = lax.axis_index("s") * NC + lax.axis_index("c")
    base = wid * PW_G
    rows_bufs = (rows0_v, rows1_v)
    sems = (sem0, sem1)

    pltpu.sync_copy(idx_hbm.at[pl.ds(base, PW_G)], idx_v)

    def gather(c, b):
        return pltpu.async_copy(
            tablep_hbm.at[idx_v.at[pl.ds(c * CHUNK, CHUNK)]],
            rows_bufs[b], sems[b])

    for b in range(NBUF):
        gather(b, b)

    def outer_step(g, carry):
        for b in range(NBUF):
            c = g * NBUF + b
            rows_v = rows_bufs[b]
            pltpu.make_async_copy(
                tablep_hbm.at[idx_v.at[pl.ds(c * CHUNK, CHUNK)]],
                rows_v, sems[b]).wait()
            pltpu.sync_copy(rows_v, outp_hbm.at[pl.ds(base + c * CHUNK, CHUNK)])

            @pl.when(c + NBUF < NCHUNK_G)
            def _():
                gather(c + NBUF, b)
        return carry

    lax.fori_loop(0, NCHUNK_G // NBUF, outer_step, 0)


def _sc_gather(tablep, idx_slice):
    mesh = plsc.VectorSubcoreMesh(core_axis_name="c", subcore_axis_name="s")
    f = pl.kernel(
        _gather_body,
        out_type=jax.ShapeDtypeStruct((SLICE, VPAD), jnp.float32),
        mesh=mesh,
        compiler_params=pltpu.CompilerParams(needs_layout_passes=False),
        scratch_types=[
            pltpu.VMEM((PW_G,), jnp.int32),
            pltpu.VMEM((CHUNK, VPAD), jnp.float32),
            pltpu.VMEM((CHUNK, VPAD), jnp.float32),
            pltpu.SemaphoreType.DMA,
            pltpu.SemaphoreType.DMA,
        ],
    )
    return f(tablep, idx_slice)


GRP = 128
NGRP = PER_W // GRP


def _loss_body(tflat_hbm, idx_hbm, tgt_hbm, logz_hbm, part_hbm,
               idx_v, tgt_v, fi_v, picked_v, logz_v, acc_v, sem):
    wid = lax.axis_index("s") * NC + lax.axis_index("c")
    base = wid * PER_W

    pltpu.sync_copy(idx_hbm.at[pl.ds(base, PER_W)], idx_v)
    pltpu.sync_copy(tgt_hbm.at[pl.ds(base, PER_W)], tgt_v)
    pltpu.sync_copy(logz_hbm, logz_v)

    def fi_step(g, carry):
        iv = idx_v[pl.ds(g * L, L)]
        tv = tgt_v[pl.ds(g * L, L)]
        fi_v[pl.ds(g * L, L)] = iv * VOCAB + tv
        return carry

    lax.fori_loop(0, PER_W // L, fi_step, 0)

    def pick_step(k, carry):
        pltpu.async_copy(
            tflat_hbm.at[fi_v.at[pl.ds(k * GRP, GRP)]],
            picked_v.at[pl.ds(k * GRP, GRP)], sem).wait()
        return carry

    lax.fori_loop(0, NGRP, pick_step, 0)

    def acc_step(g, acc):
        iv = idx_v[pl.ds(g * L, L)]
        lz = plsc.load_gather(logz_v, [iv])
        pk = picked_v[pl.ds(g * L, L)]
        return acc + (lz - pk)

    acc = lax.fori_loop(0, PER_W // L, acc_step, jnp.zeros((L,), jnp.float32))
    acc_v[...] = acc
    pltpu.sync_copy(acc_v, part_hbm.at[wid])


def _sc_loss(table_flat, idx_flat, tgt_flat, logz):
    mesh = plsc.VectorSubcoreMesh(core_axis_name="c", subcore_axis_name="s")
    f = pl.kernel(
        _loss_body,
        out_type=jax.ShapeDtypeStruct((NW, L), jnp.float32),
        mesh=mesh,
        compiler_params=pltpu.CompilerParams(
            needs_layout_passes=False, use_tc_tiling_on_sc=False),
        scratch_types=[
            pltpu.VMEM((PER_W,), jnp.int32),
            pltpu.VMEM((PER_W,), jnp.int32),
            pltpu.VMEM((PER_W,), jnp.int32),
            pltpu.VMEM((PER_W,), jnp.float32),
            pltpu.VMEM((VOCAB,), jnp.float32),
            pltpu.VMEM((L,), jnp.float32),
            pltpu.SemaphoreType.DMA,
        ],
    )
    return f(table_flat, idx_flat, tgt_flat, logz)


TRIM_R = 512


def _trim_body(x_ref, o_ref):
    o_ref[...] = x_ref[...].T[:VOCAB, :]


def _trim_body_acc(x_ref, f_ref, o_ref):
    del f_ref
    o_ref[...] = x_ref[...].T[:VOCAB, :]


NBLK = SLICE // TRIM_R


def _tc_trim_slice(outp_k, full_prev, k):
    out_spec = pl.BlockSpec((VOCAB, TRIM_R), lambda i, k=k: (0, k * NBLK + i))
    out_shape = jax.ShapeDtypeStruct((VOCAB, BT), jnp.float32)
    if full_prev is None:
        return pl.pallas_call(
            _trim_body,
            grid=(NBLK,),
            in_specs=[pl.BlockSpec((TRIM_R, VPAD), lambda i: (i, 0))],
            out_specs=out_spec,
            out_shape=out_shape,
        )(outp_k)
    return pl.pallas_call(
        _trim_body_acc,
        grid=(NBLK,),
        in_specs=[pl.BlockSpec((TRIM_R, VPAD), lambda i: (i, 0)),
                  pl.BlockSpec(memory_space=pl.ANY)],
        out_specs=out_spec,
        out_shape=out_shape,
        input_output_aliases={1: 0},
    )(outp_k, full_prev)


def kernel(idx, targets, table):
    idx_flat = idx.reshape(-1).astype(jnp.int32)
    tgt_flat = targets.reshape(-1).astype(jnp.int32)
    tablep = jnp.pad(table, ((0, 0), (0, VPAD - VOCAB)))
    logz = _row_logsumexp(table)
    full = None
    for k in range(P):
        outp_k = _sc_gather(tablep, idx_flat[k * SLICE:(k + 1) * SLICE])
        full = _tc_trim_slice(outp_k, full, k)
    logits2 = full.T
    partials = _sc_loss(table.reshape(-1), idx_flat, tgt_flat, logz)
    loss = jnp.sum(partials) / BT
    return (logits2, loss)

# --- scband reference (transcript-rebuilt; emitter-appended) ---
"""Pipeline reference for scband-bigram-language-model-8650064134988 (READ-ONLY COPY).

The authoritative reference and input builder live on the scoring server;
editing this copy changes nothing except your own understanding.
"""

import jax, jax.numpy as jnp
import numpy as np

VOCAB = 1000
B = 4096
T = 50

def setup_inputs(seed: int = 0) -> dict:
    key = jax.random.key(seed)
    k1, k2, k3 = jax.random.split(key, 3)
    idx = jax.random.randint(k1, (B, T), 0, VOCAB)
    targets = jax.random.randint(k2, (B, T), 0, VOCAB)
    # Learned parameter: token_embedding_table = Embedding(vocab_size, vocab_size)
    table = jax.random.normal(k3, (VOCAB, VOCAB), dtype=jnp.float32)
    return {"idx": idx, "targets": targets, "table": table}

def reference(idx, targets, table):
    # logits = token_embedding_table(idx)  -> gather rows
    logits = jnp.take(table, idx, axis=0)  # [B, T, C]
    Bn, Tn, C = logits.shape
    logits2 = logits.reshape(Bn * Tn, C)
    t = targets.reshape(-1)
    # torch F.cross_entropy (mean reduction)
    logz = jax.scipy.special.logsumexp(logits2, axis=-1)
    picked = jnp.take_along_axis(logits2, t[:, None], axis=1)[:, 0]
    loss = jnp.mean(logz - picked)
    return (logits2, loss)

if __name__ == "__main__":
    import jax
    _d = setup_inputs()
    print(jax.jit(kernel)(*tuple(_d.values())))

</pallas_src>

<mosaic_0001>
#map = affine_map<(d0, d1) -> (0, 0)>
#map1 = affine_map<(d0, d1) -> (0)>
module attributes {stable_mosaic.version = 14 : i64} {
  func.func @_gather_body(%arg0: i32, %arg1: i32, %arg2: memref<1000x1024xf32, #tpu.memory_space<hbm>>, %arg3: memref<51200xi32, #tpu.memory_space<hbm>>, %arg4: memref<51200x1024xf32, #tpu.memory_space<hbm>>, %arg5: memref<1600xi32, #tpu.memory_space<vmem>>, %arg6: memref<32x1024xf32, #tpu.memory_space<vmem>>, %arg7: memref<32x1024xf32, #tpu.memory_space<vmem>>, %arg8: memref<!tpu.dma_semaphore, #tpu.memory_space<semaphore_mem>>, %arg9: memref<!tpu.dma_semaphore, #tpu.memory_space<semaphore_mem>>) attributes {dimension_semantics = [#tpu.dimension_semantics<core_parallel>, #tpu.dimension_semantics<subcore_parallel>], iteration_bounds = array<i64: 2, 16>, scalar_prefetch = 0 : i64, scratch_operands = 5 : i64, tpu.core_type = #tpu.core_type<sc_vector_subcore>, window_params = [{transform_indices = #map}, {transform_indices = #map1}, {transform_indices = #map}]} {
    %mul3A = arith.constant 2 : i32
    %mul3A_0 = arith.muli %arg1, %mul3A : i32
    %add3A = arith.addi %mul3A_0, %arg0 : i32
    %mul3A_1 = arith.constant 1600 : i32
    %mul3A_2 = arith.muli %add3A, %mul3A_1 : i32
    "tpu.region"() ({
      %run_scoped3A = tpu.sem_alloc : memref<!tpu.dma_semaphore, #tpu.memory_space<semaphore_mem>>
      %dma_start3A_17 = tpu.memref_slice %arg3[%mul3A_2] : memref<51200xi32, #tpu.memory_space<hbm>> -> memref<1600xi32, #tpu.memory_space<hbm>>
      %dma_start3A_18 = tpu.memref_slice %arg3[%mul3A_2] : memref<51200xi32, #tpu.memory_space<hbm>> -> memref<1600xi32, #tpu.memory_space<hbm>>
      tpu.enqueue_dma source(%dma_start3A_18 : memref<1600xi32, #tpu.memory_space<hbm>>) target(%arg5 : memref<1600xi32, #tpu.memory_space<vmem>>) target_semaphore(%run_scoped3A : memref<!tpu.dma_semaphore, #tpu.memory_space<semaphore_mem>>)
      %dma_wait3A = tpu.memref_slice %arg3[%mul3A_2] : memref<51200xi32, #tpu.memory_space<hbm>> -> memref<1600xi32, #tpu.memory_space<hbm>>
      %dma_wait3A_19 = tpu.memref_slice %arg3[%mul3A_2] : memref<51200xi32, #tpu.memory_space<hbm>> -> memref<1600xi32, #tpu.memory_space<hbm>>
      tpu.wait_dma2 semaphore(%run_scoped3A : memref<!tpu.dma_semaphore, #tpu.memory_space<semaphore_mem>>) src(%dma_wait3A_19 : memref<1600xi32, #tpu.memory_space<hbm>>) dst(%arg5 : memref<1600xi32, #tpu.memory_space<vmem>>)
      tpu.yield
    }) : () -> ()
    %dma_start3A = arith.constant 0 : i32
    %dma_start3A_3 = tpu.memref_slice %arg5[%dma_start3A] : memref<1600xi32, #tpu.memory_space<vmem>> -> memref<32xi32, #tpu.memory_space<vmem>>
    %dma_start3A_4 = arith.constant 0 : i32
    %dma_start3A_5 = arith.constant 0 : i32
    %dma_start3A_6 = tpu.memref_slice %arg2[%dma_start3A_4, %dma_start3A_5] : memref<1000x1024xf32, #tpu.memory_space<hbm>> -> memref<1000x1024xf32, #tpu.memory_space<hbm>>
    tpu.enqueue_indirect_dma source(%dma_start3A_6 : memref<1000x1024xf32, #tpu.memory_space<hbm>>) target(%arg6 : memref<32x1024xf32, #tpu.memory_space<vmem>>) offsets(%dma_start3A_3 : memref<32xi32, #tpu.memory_space<vmem>>) semaphore(%arg8 : memref<!tpu.dma_semaphore, #tpu.memory_space<semaphore_mem>>)
    %dma_start3A_7 = arith.constant 32 : i32
    %dma_start3A_8 = tpu.memref_slice %arg5[%dma_start3A_7] : memref<1600xi32, #tpu.memory_space<vmem>> -> memref<32xi32, #tpu.memory_space<vmem>>
    %dma_start3A_9 = arith.constant 0 : i32
    %dma_start3A_10 = arith.constant 0 : i32
    %dma_start3A_11 = tpu.memref_slice %arg2[%dma_start3A_9, %dma_start3A_10] : memref<1000x1024xf32, #tpu.memory_space<hbm>> -> memref<1000x1024xf32, #tpu.memory_space<hbm>>
    tpu.enqueue_indirect_dma source(%dma_start3A_11 : memref<1000x1024xf32, #tpu.memory_space<hbm>>) target(%arg7 : memref<32x1024xf32, #tpu.memory_space<vmem>>) offsets(%dma_start3A_8 : memref<32xi32, #tpu.memory_space<vmem>>) semaphore(%arg9 : memref<!tpu.dma_semaphore, #tpu.memory_space<semaphore_mem>>)
    %scan3A = arith.constant 0 : i32
    %scan3A_12 = arith.constant 0 : i32
    %scan3A_13 = arith.constant 25 : i32
    %scan3A_14 = arith.addi %scan3A_12, %scan3A_13 : i32
    %scan3A_15 = arith.constant 1 : i32
    scf.for %scan3A_17 = %scan3A_12 to %scan3A_14 step %scan3A_15  : i32 {
      %mul3A_18 = arith.constant 2 : i32
      %mul3A_19 = arith.muli %scan3A_17, %mul3A_18 : i32
      %add3A_20 = arith.constant 0 : i32
      %add3A_21 = arith.addi %mul3A_19, %add3A_20 : i32
      %mul3A_22 = arith.constant 32 : i32
      %mul3A_23 = arith.muli %add3A_21, %mul3A_22 : i32
      %dma_wait3A = tpu.memref_slice %arg5[%mul3A_23] : memref<1600xi32, #tpu.memory_space<vmem>> -> memref<32xi32, #tpu.memory_space<vmem>>
      %dma_wait3A_24 = arith.constant 0 : i32
      %dma_wait3A_25 = arith.constant 0 : i32
      %dma_wait3A_26 = tpu.memref_slice %arg2[%dma_wait3A_24, %dma_wait3A_25] : memref<1000x1024xf32, #tpu.memory_space<hbm>> -> memref<1000x1024xf32, #tpu.memory_space<hbm>>
      tpu.wait_indirect_dma semaphore(%arg8 : memref<!tpu.dma_semaphore, #tpu.memory_space<semaphore_mem>>) src(%dma_wait3A_26 : memref<1000x1024xf32, #tpu.memory_space<hbm>>) dst(%arg6 : memref<32x1024xf32, #tpu.memory_space<vmem>>)
      %mul3A_27 = arith.constant 32 : i32
      %mul3A_28 = arith.muli %add3A_21, %mul3A_27 : i32
      %add3A_29 = arith.addi %mul3A_2, %mul3A_28 : i32
      "tpu.region"() ({
        %run_scoped3A = tpu.sem_alloc : memref<!tpu.dma_semaphore, #tpu.memory_space<semaphore_mem>>
        %dma_start3A_54 = arith.constant 0 : i32
        %dma_start3A_55 = tpu.memref_slice %arg4[%add3A_29, %dma_start3A_54] : memref<51200x1024xf32, #tpu.memory_space<hbm>> -> memref<32x1024xf32, #tpu.memory_space<hbm>>
        %dma_start3A_56 = arith.constant 0 : i32
        %dma_start3A_57 = tpu.memref_slice %arg4[%add3A_29, %dma_start3A_56] : memref<51200x1024xf32, #tpu.memory_space<hbm>> -> memref<32x1024xf32, #tpu.memory_space<hbm>>
        tpu.enqueue_dma source(%arg6 : memref<32x1024xf32, #tpu.memory_space<vmem>>) target(%dma_start3A_57 : memref<32x1024xf32, #tpu.memory_space<hbm>>) target_semaphore(%run_scoped3A : memref<!tpu.dma_semaphore, #tpu.memory_space<semaphore_mem>>)
        %dma_wait3A_58 = arith.constant 0 : i32
        %dma_wait3A_59 = tpu.memref_slice %arg4[%add3A_29, %dma_wait3A_58] : memref<51200x1024xf32, #tpu.memory_space<hbm>> -> memref<32x1024xf32, #tpu.memory_space<hbm>>
        %dma_wait3A_60 = arith.constant 0 : i32
        %dma_wait3A_61 = tpu.memref_slice %arg4[%add3A_29, %dma_wait3A_60] : memref<51200x1024xf32, #tpu.memory_space<hbm>> -> memref<32x1024xf32, #tpu.memory_space<hbm>>
        tpu.wait_dma2 semaphore(%run_scoped3A : memref<!tpu.dma_semaphore, #tpu.memory_space<semaphore_mem>>) src(%arg6 : memref<32x1024xf32, #tpu.memory_space<vmem>>) dst(%dma_wait3A_61 : memref<32x1024xf32, #tpu.memory_space<hbm>>)
        tpu.yield
      }) : () -> ()
      %add3A_30 = arith.constant 2 : i32
      %add3A_31 = arith.addi %add3A_21, %add3A_30 : i32
      %lt3A = arith.constant 50 : i32
      %lt3A_32 = arith.cmpi slt, %add3A_31, %lt3A : i32
      %convert_element_type3A = arith.extui %lt3A_32 : i1 to i32
      %cond3A = arith.constant 0 : i32
      %cond3A_33 = arith.cmpi ne, %convert_element_type3A, %cond3A : i32
      scf.if %cond3A_33 {
        %add3A_54 = arith.constant 2 : i32
        %add3A_55 = arith.addi %add3A_21, %add3A_54 : i32
        %mul3A_56 = arith.constant 32 : i32
        %mul3A_57 = arith.muli %add3A_55, %mul3A_56 : i32
        %dma_start3A_58 = tpu.memref_slice %arg5[%mul3A_57] : memref<1600xi32, #tpu.memory_space<vmem>> -> memref<32xi32, #tpu.memory_space<vmem>>
        %dma_start3A_59 = arith.constant 0 : i32
        %dma_start3A_60 = arith.constant 0 : i32
        %dma_start3A_61 = tpu.memref_slice %arg2[%dma_start3A_59, %dma_start3A_60] : memref<1000x1024xf32, #tpu.memory_space<hbm>> -> memref<1000x1024xf32, #tpu.memory_space<hbm>>
        tpu.enqueue_indirect_dma source(%dma_start3A_61 : memref<1000x1024xf32, #tpu.memory_space<hbm>>) target(%arg6 : memref<32x1024xf32, #tpu.memory_space<vmem>>) offsets(%dma_start3A_58 : memref<32xi32, #tpu.memory_space<vmem>>) semaphore(%arg8 : memref<!tpu.dma_semaphore, #tpu.memory_space<semaphore_mem>>)
      } else {
      }
      %mul3A_34 = arith.constant 2 : i32
      %mul3A_35 = arith.muli %scan3A_17, %mul3A_34 : i32
      %add3A_36 = arith.constant 1 : i32
      %add3A_37 = arith.addi %mul3A_35, %add3A_36 : i32
      %mul3A_38 = arith.constant 32 : i32
      %mul3A_39 = arith.muli %add3A_37, %mul3A_38 : i32
      %dma_wait3A_40 = tpu.memref_slice %arg5[%mul3A_39] : memref<1600xi32, #tpu.memory_space<vmem>> -> memref<32xi32, #tpu.memory_space<vmem>>
      %dma_wait3A_41 = arith.constant 0 : i32
      %dma_wait3A_42 = arith.constant 0 : i32
      %dma_wait3A_43 = tpu.memref_slice %arg2[%dma_wait3A_41, %dma_wait3A_42] : memref<1000x1024xf32, #tpu.memory_space<hbm>> -> memref<1000x1024xf32, #tpu.memory_space<hbm>>
      tpu.wait_indirect_dma semaphore(%arg9 : memref<!tpu.dma_semaphore, #tpu.memory_space<semaphore_mem>>) src(%dma_wait3A_43 : memref<1000x1024xf32, #tpu.memory_space<hbm>>) dst(%arg7 : memref<32x1024xf32, #tpu.memory_space<vmem>>)
      %mul3A_44 = arith.constant 32 : i32
      %mul3A_45 = arith.muli %add3A_37, %mul3A_44 : i32
      %add3A_46 = arith.addi %mul3A_2, %mul3A_45 : i32
      "tpu.region"() ({
        %run_scoped3A = tpu.sem_alloc : memref<!tpu.dma_semaphore, #tpu.memory_space<semaphore_mem>>
        %dma_start3A_54 = arith.constant 0 : i32
        %dma_start3A_55 = tpu.memref_slice %arg4[%add3A_46, %dma_start3A_54] : memref<51200x1024xf32, #tpu.memory_space<hbm>> -> memref<32x1024xf32, #tpu.memory_space<hbm>>
        %dma_start3A_56 = arith.constant 0 : i32
        %dma_start3A_57 = tpu.memref_slice %arg4[%add3A_46, %dma_start3A_56] : memref<51200x1024xf32, #tpu.memory_space<hbm>> -> memref<32x1024xf32, #tpu.memory_space<hbm>>
        tpu.enqueue_dma source(%arg7 : memref<32x1024xf32, #tpu.memory_space<vmem>>) target(%dma_start3A_57 : memref<32x1024xf32, #tpu.memory_space<hbm>>) target_semaphore(%run_scoped3A : memref<!tpu.dma_semaphore, #tpu.memory_space<semaphore_mem>>)
        %dma_wait3A_58 = arith.constant 0 : i32
        %dma_wait3A_59 = tpu.memref_slice %arg4[%add3A_46, %dma_wait3A_58] : memref<51200x1024xf32, #tpu.memory_space<hbm>> -> memref<32x1024xf32, #tpu.memory_space<hbm>>
        %dma_wait3A_60 = arith.constant 0 : i32
        %dma_wait3A_61 = tpu.memref_slice %arg4[%add3A_46, %dma_wait3A_60] : memref<51200x1024xf32, #tpu.memory_space<hbm>> -> memref<32x1024xf32, #tpu.memory_space<hbm>>
        tpu.wait_dma2 semaphore(%run_scoped3A : memref<!tpu.dma_semaphore, #tpu.memory_space<semaphore_mem>>) src(%arg7 : memref<32x1024xf32, #tpu.memory_space<vmem>>) dst(%dma_wait3A_61 : memref<32x1024xf32, #tpu.memory_space<hbm>>)
        tpu.yield
      }) : () -> ()
      %add3A_47 = arith.constant 2 : i32
      %add3A_48 = arith.addi %add3A_37, %add3A_47 : i32
      %lt3A_49 = arith.constant 50 : i32
      %lt3A_50 = arith.cmpi slt, %add3A_48, %lt3A_49 : i32
      %convert_element_type3A_51 = arith.extui %lt3A_50 : i1 to i32
      %cond3A_52 = arith.constant 0 : i32
      %cond3A_53 = arith.cmpi ne, %convert_element_type3A_51, %cond3A_52 : i32
      scf.if %cond3A_53 {
        %add3A_54 = arith.constant 2 : i32
        %add3A_55 = arith.addi %add3A_37, %add3A_54 : i32
        %mul3A_56 = arith.constant 32 : i32
        %mul3A_57 = arith.muli %add3A_55, %mul3A_56 : i32
        %dma_start3A_58 = tpu.memref_slice %arg5[%mul3A_57] : memref<1600xi32, #tpu.memory_space<vmem>> -> memref<32xi32, #tpu.memory_space<vmem>>
        %dma_start3A_59 = arith.constant 0 : i32
        %dma_start3A_60 = arith.constant 0 : i32
        %dma_start3A_61 = tpu.memref_slice %arg2[%dma_start3A_59, %dma_start3A_60] : memref<1000x1024xf32, #tpu.memory_space<hbm>> -> memref<1000x1024xf32, #tpu.memory_space<hbm>>
        tpu.enqueue_indirect_dma source(%dma_start3A_61 : memref<1000x1024xf32, #tpu.memory_space<hbm>>) target(%arg7 : memref<32x1024xf32, #tpu.memory_space<vmem>>) offsets(%dma_start3A_58 : memref<32xi32, #tpu.memory_space<vmem>>) semaphore(%arg9 : memref<!tpu.dma_semaphore, #tpu.memory_space<semaphore_mem>>)
      } else {
      }
    }
    %scan3A_16 = arith.constant 25 : i32
    return
  }
}

#map = affine_map<(d0, d1) -> (0, 0)>
#map1 = affine_map<(d0, d1) -> (0)>
module attributes {stable_mosaic.version = 14 : i64} {
  func.func @_gather_body(%arg0: i32, %arg1: i32, %arg2: memref<1000x1024xf32, #tpu.memory_space<hbm>>, %arg3: memref<51200xi32, #tpu.memory_space<hbm>>, %arg4: memref<51200x1024xf32, #tpu.memory_space<hbm>>, %arg5: memref<1600xi32, #tpu.memory_space<vmem>>, %arg6: memref<32x1024xf32, #tpu.memory_space<vmem>>, %arg7: memref<32x1024xf32, #tpu.memory_space<vmem>>, %arg8: memref<!tpu.dma_semaphore, #tpu.memory_space<semaphore_mem>>, %arg9: memref<!tpu.dma_semaphore, #tpu.memory_space<semaphore_mem>>) attributes {dimension_semantics = [#tpu.dimension_semantics<core_parallel>, #tpu.dimension_semantics<subcore_parallel>], iteration_bounds = array<i64: 2, 16>, scalar_prefetch = 0 : i64, scratch_operands = 5 : i64, tpu.core_type = #tpu.core_type<sc_vector_subcore>, window_params = [{transform_indices = #map}, {transform_indices = #map1}, {transform_indices = #map}]} {
    %mul3A = arith.constant 2 : i32
    %mul3A_0 = arith.muli %arg1, %mul3A : i32
    %add3A = arith.addi %mul3A_0, %arg0 : i32
    %mul3A_1 = arith.constant 1600 : i32
    %mul3A_2 = arith.muli %add3A, %mul3A_1 : i32
    "tpu.region"() ({
      %run_scoped3A = tpu.sem_alloc : memref<!tpu.dma_semaphore, #tpu.memory_space<semaphore_mem>>
      %dma_start3A_17 = tpu.memref_slice %arg3[%mul3A_2] : memref<51200xi32, #tpu.memory_space<hbm>> -> memref<1600xi32, #tpu.memory_space<hbm>>
      %dma_start3A_18 = tpu.memref_slice %arg3[%mul3A_2] : memref<51200xi32, #tpu.memory_space<hbm>> -> memref<1600xi32, #tpu.memory_space<hbm>>
      tpu.enqueue_dma source(%dma_start3A_18 : memref<1600xi32, #tpu.memory_space<hbm>>) target(%arg5 : memref<1600xi32, #tpu.memory_space<vmem>>) target_semaphore(%run_scoped3A : memref<!tpu.dma_semaphore, #tpu.memory_space<semaphore_mem>>)
      %dma_wait3A = tpu.memref_slice %arg3[%mul3A_2] : memref<51200xi32, #tpu.memory_space<hbm>> -> memref<1600xi32, #tpu.memory_space<hbm>>
      %dma_wait3A_19 = tpu.memref_slice %arg3[%mul3A_2] : memref<51200xi32, #tpu.memory_space<hbm>> -> memref<1600xi32, #tpu.memory_space<hbm>>
      tpu.wait_dma2 semaphore(%run_scoped3A : memref<!tpu.dma_semaphore, #tpu.memory_space<semaphore_mem>>) src(%dma_wait3A_19 : memref<1600xi32, #tpu.memory_space<hbm>>) dst(%arg5 : memref<1600xi32, #tpu.memory_space<vmem>>)
      tpu.yield
    }) : () -> ()
    %dma_start3A = arith.constant 0 : i32
    %dma_start3A_3 = tpu.memref_slice %arg5[%dma_start3A] : memref<1600xi32, #tpu.memory_space<vmem>> -> memref<32xi32, #tpu.memory_space<vmem>>
    %dma_start3A_4 = arith.constant 0 : i32
    %dma_start3A_5 = arith.constant 0 : i32
    %dma_start3A_6 = tpu.memref_slice %arg2[%dma_start3A_4, %dma_start3A_5] : memref<1000x1024xf32, #tpu.memory_space<hbm>> -> memref<1000x1024xf32, #tpu.memory_space<hbm>>
    tpu.enqueue_indirect_dma source(%dma_start3A_6 : memref<1000x1024xf32, #tpu.memory_space<hbm>>) target(%arg6 : memref<32x1024xf32, #tpu.memory_space<vmem>>) offsets(%dma_start3A_3 : memref<32xi32, #tpu.memory_space<vmem>>) semaphore(%arg8 : memref<!tpu.dma_semaphore, #tpu.memory_space<semaphore_mem>>)
    %dma_start3A_7 = arith.constant 32 : i32
    %dma_start3A_8 = tpu.memref_slice %arg5[%dma_start3A_7] : memref<1600xi32, #tpu.memory_space<vmem>> -> memref<32xi32, #tpu.memory_space<vmem>>
    %dma_start3A_9 = arith.constant 0 : i32
    %dma_start3A_10 = arith.constant 0 : i32
    %dma_start3A_11 = tpu.memref_slice %arg2[%dma_start3A_9, %dma_start3A_10] : memref<1000x1024xf32, #tpu.memory_space<hbm>> -> memref<1000x1024xf32, #tpu.memory_space<hbm>>
    tpu.enqueue_indirect_dma source(%dma_start3A_11 : memref<1000x1024xf32, #tpu.memory_space<hbm>>) target(%arg7 : memref<32x1024xf32, #tpu.memory_space<vmem>>) offsets(%dma_start3A_8 : memref<32xi32, #tpu.memory_space<vmem>>) semaphore(%arg9 : memref<!tpu.dma_semaphore, #tpu.memory_space<semaphore_mem>>)
    %scan3A = arith.constant 0 : i32
    %scan3A_12 = arith.constant 0 : i32
    %scan3A_13 = arith.constant 25 : i32
    %scan3A_14 = arith.addi %scan3A_12, %scan3A_13 : i32
    %scan3A_15 = arith.constant 1 : i32
    scf.for %scan3A_17 = %scan3A_12 to %scan3A_14 step %scan3A_15  : i32 {
      %mul3A_18 = arith.constant 2 : i32
      %mul3A_19 = arith.muli %scan3A_17, %mul3A_18 : i32
      %add3A_20 = arith.constant 0 : i32
      %add3A_21 = arith.addi %mul3A_19, %add3A_20 : i32
      %mul3A_22 = arith.constant 32 : i32
      %mul3A_23 = arith.muli %add3A_21, %mul3A_22 : i32
      %dma_wait3A = tpu.memref_slice %arg5[%mul3A_23] : memref<1600xi32, #tpu.memory_space<vmem>> -> memref<32xi32, #tpu.memory_space<vmem>>
      %dma_wait3A_24 = arith.constant 0 : i32
      %dma_wait3A_25 = arith.constant 0 : i32
      %dma_wait3A_26 = tpu.memref_slice %arg2[%dma_wait3A_24, %dma_wait3A_25] : memref<1000x1024xf32, #tpu.memory_space<hbm>> -> memref<1000x1024xf32, #tpu.memory_space<hbm>>
      tpu.wait_indirect_dma semaphore(%arg8 : memref<!tpu.dma_semaphore, #tpu.memory_space<semaphore_mem>>) src(%dma_wait3A_26 : memref<1000x1024xf32, #tpu.memory_space<hbm>>) dst(%arg6 : memref<32x1024xf32, #tpu.memory_space<vmem>>)
      %mul3A_27 = arith.constant 32 : i32
      %mul3A_28 = arith.muli %add3A_21, %mul3A_27 : i32
      %add3A_29 = arith.addi %mul3A_2, %mul3A_28 : i32
      "tpu.region"() ({
        %run_scoped3A = tpu.sem_alloc : memref<!tpu.dma_semaphore, #tpu.memory_space<semaphore_mem>>
        %dma_start3A_54 = arith.constant 0 : i32
        %dma_start3A_55 = tpu.memref_slice %arg4[%add3A_29, %dma_start3A_54] : memref<51200x1024xf32, #tpu.memory_space<hbm>> -> memref<32x1024xf32, #tpu.memory_space<hbm>>
        %dma_start3A_56 = arith.constant 0 : i32
        %dma_start3A_57 = tpu.memref_slice %arg4[%add3A_29, %dma_start3A_56] : memref<51200x1024xf32, #tpu.memory_space<hbm>> -> memref<32x1024xf32, #tpu.memory_space<hbm>>
        tpu.enqueue_dma source(%arg6 : memref<32x1024xf32, #tpu.memory_space<vmem>>) target(%dma_start3A_57 : memref<32x1024xf32, #tpu.memory_space<hbm>>) target_semaphore(%run_scoped3A : memref<!tpu.dma_semaphore, #tpu.memory_space<semaphore_mem>>)
        %dma_wait3A_58 = arith.constant 0 : i32
        %dma_wait3A_59 = tpu.memref_slice %arg4[%add3A_29, %dma_wait3A_58] : memref<51200x1024xf32, #tpu.memory_space<hbm>> -> memref<32x1024xf32, #tpu.memory_space<hbm>>
        %dma_wait3A_60 = arith.constant 0 : i32
        %dma_wait3A_61 = tpu.memref_slice %arg4[%add3A_29, %dma_wait3A_60] : memref<51200x1024xf32, #tpu.memory_space<hbm>> -> memref<32x1024xf32, #tpu.memory_space<hbm>>
        tpu.wait_dma2 semaphore(%run_scoped3A : memref<!tpu.dma_semaphore, #tpu.memory_space<semaphore_mem>>) src(%arg6 : memref<32x1024xf32, #tpu.memory_space<vmem>>) dst(%dma_wait3A_61 : memref<32x1024xf32, #tpu.memory_space<hbm>>)
        tpu.yield
      }) : () -> ()
      %add3A_30 = arith.constant 2 : i32
      %add3A_31 = arith.addi %add3A_21, %add3A_30 : i32
      %lt3A = arith.constant 50 : i32
      %lt3A_32 = arith.cmpi slt, %add3A_31, %lt3A : i32
      %convert_element_type3A = arith.extui %lt3A_32 : i1 to i32
      %cond3A = arith.constant 0 : i32
      %cond3A_33 = arith.cmpi ne, %convert_element_type3A, %cond3A : i32
      scf.if %cond3A_33 {
        %add3A_54 = arith.constant 2 : i32
        %add3A_55 = arith.addi %add3A_21, %add3A_54 : i32
        %mul3A_56 = arith.constant 32 : i32
        %mul3A_57 = arith.muli %add3A_55, %mul3A_56 : i32
        %dma_start3A_58 = tpu.memref_slice %arg5[%mul3A_57] : memref<1600xi32, #tpu.memory_space<vmem>> -> memref<32xi32, #tpu.memory_space<vmem>>
        %dma_start3A_59 = arith.constant 0 : i32
        %dma_start3A_60 = arith.constant 0 : i32
        %dma_start3A_61 = tpu.memref_slice %arg2[%dma_start3A_59, %dma_start3A_60] : memref<1000x1024xf32, #tpu.memory_space<hbm>> -> memref<1000x1024xf32, #tpu.memory_space<hbm>>
        tpu.enqueue_indirect_dma source(%dma_start3A_61 : memref<1000x1024xf32, #tpu.memory_space<hbm>>) target(%arg6 : memref<32x1024xf32, #tpu.memory_space<vmem>>) offsets(%dma_start3A_58 : memref<32xi32, #tpu.memory_space<vmem>>) semaphore(%arg8 : memref<!tpu.dma_semaphore, #tpu.memory_space<semaphore_mem>>)
      } else {
      }
      %mul3A_34 = arith.constant 2 : i32
      %mul3A_35 = arith.muli %scan3A_17, %mul3A_34 : i32
      %add3A_36 = arith.constant 1 : i32
      %add3A_37 = arith.addi %mul3A_35, %add3A_36 : i32
      %mul3A_38 = arith.constant 32 : i32
      %mul3A_39 = arith.muli %add3A_37, %mul3A_38 : i32
      %dma_wait3A_40 = tpu.memref_slice %arg5[%mul3A_39] : memref<1600xi32, #tpu.memory_space<vmem>> -> memref<32xi32, #tpu.memory_space<vmem>>
      %dma_wait3A_41 = arith.constant 0 : i32
      %dma_wait3A_42 = arith.constant 0 : i32
      %dma_wait3A_43 = tpu.memref_slice %arg2[%dma_wait3A_41, %dma_wait3A_42] : memref<1000x1024xf32, #tpu.memory_space<hbm>> -> memref<1000x1024xf32, #tpu.memory_space<hbm>>
      tpu.wait_indirect_dma semaphore(%arg9 : memref<!tpu.dma_semaphore, #tpu.memory_space<semaphore_mem>>) src(%dma_wait3A_43 : memref<1000x1024xf32, #tpu.memory_space<hbm>>) dst(%arg7 : memref<32x1024xf32, #tpu.memory_space<vmem>>)
      %mul3A_44 = arith.constant 32 : i32
      %mul3A_45 = arith.muli %add3A_37, %mul3A_44 : i32
      %add3A_46 = arith.addi %mul3A_2, %mul3A_45 : i32
      "tpu.region"() ({
        %run_scoped3A = tpu.sem_alloc : memref<!tpu.dma_semaphore, #tpu.memory_space<semaphore_mem>>
        %dma_start3A_54 = arith.constant 0 : i32
        %dma_start3A_55 = tpu.memref_slice %arg4[%add3A_46, %dma_start3A_54] : memref<51200x1024xf32, #tpu.memory_space<hbm>> -> memref<32x1024xf32, #tpu.memory_space<hbm>>
        %dma_start3A_56 = arith.constant 0 : i32
        %dma_start3A_57 = tpu.memref_slice %arg4[%add3A_46, %dma_start3A_56] : memref<51200x1024xf32, #tpu.memory_space<hbm>> -> memref<32x1024xf32, #tpu.memory_space<hbm>>
        tpu.enqueue_dma source(%arg7 : memref<32x1024xf32, #tpu.memory_space<vmem>>) target(%dma_start3A_57 : memref<32x1024xf32, #tpu.memory_space<hbm>>) target_semaphore(%run_scoped3A : memref<!tpu.dma_semaphore, #tpu.memory_space<semaphore_mem>>)
        %dma_wait3A_58 = arith.constant 0 : i32
        %dma_wait3A_59 = tpu.memref_slice %arg4[%add3A_46, %dma_wait3A_58] : memref<51200x1024xf32, #tpu.memory_space<hbm>> -> memref<32x1024xf32, #tpu.memory_space<hbm>>
        %dma_wait3A_60 = arith.constant 0 : i32
        %dma_wait3A_61 = tpu.memref_slice %arg4[%add3A_46, %dma_wait3A_60] : memref<51200x1024xf32, #tpu.memory_space<hbm>> -> memref<32x1024xf32, #tpu.memory_space<hbm>>
        tpu.wait_dma2 semaphore(%run_scoped3A : memref<!tpu.dma_semaphore, #tpu.memory_space<semaphore_mem>>) src(%arg7 : memref<32x1024xf32, #tpu.memory_space<vmem>>) dst(%dma_wait3A_61 : memref<32x1024xf32, #tpu.memory_space<hbm>>)
        tpu.yield
      }) : () -> ()
      %add3A_47 = arith.constant 2 : i32
      %add3A_48 = arith.addi %add3A_37, %add3A_47 : i32
      %lt3A_49 = arith.constant 50 : i32
      %lt3A_50 = arith.cmpi slt, %add3A_48, %lt3A_49 : i32
      %convert_element_type3A_51 = arith.extui %lt3A_50 : i1 to i32
      %cond3A_52 = arith.constant 0 : i32
      %cond3A_53 = arith.cmpi ne, %convert_element_type3A_51, %cond3A_52 : i32
      scf.if %cond3A_53 {
        %add3A_54 = arith.constant 2 : i32
        %add3A_55 = arith.addi %add3A_37, %add3A_54 : i32
        %mul3A_56 = arith.constant 32 : i32
        %mul3A_57 = arith.muli %add3A_55, %mul3A_56 : i32
        %dma_start3A_58 = tpu.memref_slice %arg5[%mul3A_57] : memref<1600xi32, #tpu.memory_space<vmem>> -> memref<32xi32, #tpu.memory_space<vmem>>
        %dma_start3A_59 = arith.constant 0 : i32
        %dma_start3A_60 = arith.constant 0 : i32
        %dma_start3A_61 = tpu.memref_slice %arg2[%dma_start3A_59, %dma_start3A_60] : memref<1000x1024xf32, #tpu.memory_space<hbm>> -> memref<1000x1024xf32, #tpu.memory_space<hbm>>
        tpu.enqueue_indirect_dma source(%dma_start3A_61 : memref<1000x1024xf32, #tpu.memory_space<hbm>>) target(%arg7 : memref<32x1024xf32, #tpu.memory_space<vmem>>) offsets(%dma_start3A_58 : memref<32xi32, #tpu.memory_space<vmem>>) semaphore(%arg9 : memref<!tpu.dma_semaphore, #tpu.memory_space<semaphore_mem>>)
      } else {
      }
    }
    %scan3A_16 = arith.constant 25 : i32
    return
  }
}

#map = affine_map<(d0, d1) -> (0)>
#map1 = affine_map<(d0, d1) -> (0, 0)>
module attributes {stable_mosaic.version = 14 : i64} {
  func.func @_loss_body(%arg0: i32, %arg1: i32, %arg2: memref<1000000xf32, #tpu.memory_space<hbm>>, %arg3: memref<204800xi32, #tpu.memory_space<hbm>>, %arg4: memref<204800xi32, #tpu.memory_space<hbm>>, %arg5: memref<1000xf32, #tpu.memory_space<hbm>>, %arg6: memref<32x16xf32, #tpu.memory_space<hbm>>, %arg7: memref<6400xi32, #tpu.memory_space<vmem>>, %arg8: memref<6400xi32, #tpu.memory_space<vmem>>, %arg9: memref<6400xi32, #tpu.memory_space<vmem>>, %arg10: memref<6400xf32, #tpu.memory_space<vmem>>, %arg11: memref<1000xf32, #tpu.memory_space<vmem>>, %arg12: memref<16xf32, #tpu.memory_space<vmem>>, %arg13: memref<!tpu.dma_semaphore, #tpu.memory_space<semaphore_mem>>) attributes {dimension_semantics = [#tpu.dimension_semantics<core_parallel>, #tpu.dimension_semantics<subcore_parallel>], iteration_bounds = array<i64: 2, 16>, scalar_prefetch = 0 : i64, scratch_operands = 7 : i64, tpu.core_type = #tpu.core_type<sc_vector_subcore>, window_params = [{transform_indices = #map}, {transform_indices = #map}, {transform_indices = #map}, {transform_indices = #map}, {transform_indices = #map1}]} {
    %mul3A = arith.constant 2 : i32
    %mul3A_0 = arith.muli %arg1, %mul3A : i32
    %add3A = arith.addi %mul3A_0, %arg0 : i32
    %mul3A_1 = arith.constant 6400 : i32
    %mul3A_2 = arith.muli %add3A, %mul3A_1 : i32
    "tpu.region"() ({
      %run_scoped3A = tpu.sem_alloc : memref<!tpu.dma_semaphore, #tpu.memory_space<semaphore_mem>>
      %dma_start3A = tpu.memref_slice %arg3[%mul3A_2] : memref<204800xi32, #tpu.memory_space<hbm>> -> memref<6400xi32, #tpu.memory_space<hbm>>
      %dma_start3A_22 = tpu.memref_slice %arg3[%mul3A_2] : memref<204800xi32, #tpu.memory_space<hbm>> -> memref<6400xi32, #tpu.memory_space<hbm>>
      tpu.enqueue_dma source(%dma_start3A_22 : memref<6400xi32, #tpu.memory_space<hbm>>) target(%arg7 : memref<6400xi32, #tpu.memory_space<vmem>>) target_semaphore(%run_scoped3A : memref<!tpu.dma_semaphore, #tpu.memory_space<semaphore_mem>>)
      %dma_wait3A = tpu.memref_slice %arg3[%mul3A_2] : memref<204800xi32, #tpu.memory_space<hbm>> -> memref<6400xi32, #tpu.memory_space<hbm>>
      %dma_wait3A_23 = tpu.memref_slice %arg3[%mul3A_2] : memref<204800xi32, #tpu.memory_space<hbm>> -> memref<6400xi32, #tpu.memory_space<hbm>>
      tpu.wait_dma2 semaphore(%run_scoped3A : memref<!tpu.dma_semaphore, #tpu.memory_space<semaphore_mem>>) src(%dma_wait3A_23 : memref<6400xi32, #tpu.memory_space<hbm>>) dst(%arg7 : memref<6400xi32, #tpu.memory_space<vmem>>)
      tpu.yield
    }) : () -> ()
    "tpu.region"() ({
      %run_scoped3A = tpu.sem_alloc : memref<!tpu.dma_semaphore, #tpu.memory_space<semaphore_mem>>
      %dma_start3A = tpu.memref_slice %arg4[%mul3A_2] : memref<204800xi32, #tpu.memory_space<hbm>> -> memref<6400xi32, #tpu.memory_space<hbm>>
      %dma_start3A_22 = tpu.memref_slice %arg4[%mul3A_2] : memref<204800xi32, #tpu.memory_space<hbm>> -> memref<6400xi32, #tpu.memory_space<hbm>>
      tpu.enqueue_dma source(%dma_start3A_22 : memref<6400xi32, #tpu.memory_space<hbm>>) target(%arg8 : memref<6400xi32, #tpu.memory_space<vmem>>) target_semaphore(%run_scoped3A : memref<!tpu.dma_semaphore, #tpu.memory_space<semaphore_mem>>)
      %dma_wait3A = tpu.memref_slice %arg4[%mul3A_2] : memref<204800xi32, #tpu.memory_space<hbm>> -> memref<6400xi32, #tpu.memory_space<hbm>>
      %dma_wait3A_23 = tpu.memref_slice %arg4[%mul3A_2] : memref<204800xi32, #tpu.memory_space<hbm>> -> memref<6400xi32, #tpu.memory_space<hbm>>
      tpu.wait_dma2 semaphore(%run_scoped3A : memref<!tpu.dma_semaphore, #tpu.memory_space<semaphore_mem>>) src(%dma_wait3A_23 : memref<6400xi32, #tpu.memory_space<hbm>>) dst(%arg8 : memref<6400xi32, #tpu.memory_space<vmem>>)
      tpu.yield
    }) : () -> ()
    "tpu.region"() ({
      %run_scoped3A = tpu.sem_alloc : memref<!tpu.dma_semaphore, #tpu.memory_space<semaphore_mem>>
      tpu.enqueue_dma source(%arg5 : memref<1000xf32, #tpu.memory_space<hbm>>) target(%arg11 : memref<1000xf32, #tpu.memory_space<vmem>>) target_semaphore(%run_scoped3A : memref<!tpu.dma_semaphore, #tpu.memory_space<semaphore_mem>>)
      tpu.wait_dma2 semaphore(%run_scoped3A : memref<!tpu.dma_semaphore, #tpu.memory_space<semaphore_mem>>) src(%arg5 : memref<1000xf32, #tpu.memory_space<hbm>>) dst(%arg11 : memref<1000xf32, #tpu.memory_space<vmem>>)
      tpu.yield
    }) : () -> ()
    %scan3A = arith.constant 0 : i32
    %scan3A_3 = arith.constant 0 : i32
    %scan3A_4 = arith.constant 400 : i32
    %scan3A_5 = arith.addi %scan3A_3, %scan3A_4 : i32
    %scan3A_6 = arith.constant 1 : i32
    scf.for %scan3A_22 = %scan3A_3 to %scan3A_5 step %scan3A_6  : i32 {
      %mul3A_23 = arith.constant 16 : i32
      %mul3A_24 = arith.muli %scan3A_22, %mul3A_23 : i32
      %get3A = arith.index_cast %mul3A_24 : i32 to index
      %get3A_25 = tpu.vector_load %arg7[%get3A] {strides = array<i32>} : memref<6400xi32, #tpu.memory_space<vmem>>, vector<16xi32>,
      %mul3A_26 = arith.constant 16 : i32
      %mul3A_27 = arith.muli %scan3A_22, %mul3A_26 : i32
      %get3A_28 = arith.index_cast %mul3A_27 : i32 to index
      %get3A_29 = tpu.vector_load %arg8[%get3A_28] {strides = array<i32>} : memref<6400xi32, #tpu.memory_space<vmem>>, vector<16xi32>,
      %mul3A_30 = arith.constant 1000 : i32
      %mul3A_31 = vector.broadcast %mul3A_30 : i32 to vector<16xi32>
      %mul3A_32 = arith.muli %get3A_25, %mul3A_31 : vector<16xi32>
      %add3A_33 = arith.addi %mul3A_32, %get3A_29 : vector<16xi32>
      %mul3A_34 = arith.constant 16 : i32
      %mul3A_35 = arith.muli %scan3A_22, %mul3A_34 : i32
      %swap3A_36 = arith.index_cast %mul3A_35 : i32 to index
      %swap3A_37 = tpu.vector_load %arg9[%swap3A_36] {strides = array<i32>} : memref<6400xi32, #tpu.memory_space<vmem>>, vector<16xi32>,
      tpu.vector_store %arg9[%swap3A_36], %add3A_33 {strides = array<i32>} : memref<6400xi32, #tpu.memory_space<vmem>>, vector<16xi32>,
    }
    %scan3A_7 = arith.constant 400 : i32
    %scan3A_8 = arith.constant 0 : i32
    %scan3A_9 = arith.constant 0 : i32
    %scan3A_10 = arith.constant 50 : i32
    %scan3A_11 = arith.addi %scan3A_9, %scan3A_10 : i32
    %scan3A_12 = arith.constant 1 : i32
    scf.for %scan3A_22 = %scan3A_9 to %scan3A_11 step %scan3A_12  : i32 {
      %mul3A_23 = arith.constant 128 : i32
      %mul3A_24 = arith.muli %scan3A_22, %mul3A_23 : i32
      %mul3A_25 = arith.constant 128 : i32
      %mul3A_26 = arith.muli %scan3A_22, %mul3A_25 : i32
      %dma_start3A = tpu.memref_slice %arg10[%mul3A_26] : memref<6400xf32, #tpu.memory_space<vmem>> -> memref<128xf32, #tpu.memory_space<vmem>>
      %dma_start3A_27 = tpu.memref_slice %arg9[%mul3A_24] : memref<6400xi32, #tpu.memory_space<vmem>> -> memref<128xi32, #tpu.memory_space<vmem>>
      %dma_start3A_28 = arith.constant 0 : i32
      %dma_start3A_29 = tpu.memref_slice %arg2[%dma_start3A_28] : memref<1000000xf32, #tpu.memory_space<hbm>> -> memref<1000000xf32, #tpu.memory_space<hbm>>
      tpu.enqueue_indirect_dma source(%dma_start3A_29 : memref<1000000xf32, #tpu.memory_space<hbm>>) target(%dma_start3A : memref<128xf32, #tpu.memory_space<vmem>>) offsets(%dma_start3A_27 : memref<128xi32, #tpu.memory_space<vmem>>) semaphore(%arg13 : memref<!tpu.dma_semaphore, #tpu.memory_space<semaphore_mem>>)
      %dma_wait3A = tpu.memref_slice %arg10[%mul3A_26] : memref<6400xf32, #tpu.memory_space<vmem>> -> memref<128xf32, #tpu.memory_space<vmem>>
      %dma_wait3A_30 = tpu.memref_slice %arg9[%mul3A_24] : memref<6400xi32, #tpu.memory_space<vmem>> -> memref<128xi32, #tpu.memory_space<vmem>>
      %dma_wait3A_31 = arith.constant 0 : i32
      %dma_wait3A_32 = tpu.memref_slice %arg2[%dma_wait3A_31] : memref<1000000xf32, #tpu.memory_space<hbm>> -> memref<1000000xf32, #tpu.memory_space<hbm>>
      tpu.wait_indirect_dma semaphore(%arg13 : memref<!tpu.dma_semaphore, #tpu.memory_space<semaphore_mem>>) src(%dma_wait3A_32 : memref<1000000xf32, #tpu.memory_space<hbm>>) dst(%dma_wait3A : memref<128xf32, #tpu.memory_space<vmem>>)
    }
    %scan3A_13 = arith.constant 50 : i32
    %broadcast_in_dim3A = arith.constant 0.000000e+00 : f32
    %broadcast_in_dim3A_14 = vector.broadcast %broadcast_in_dim3A : f32 to vector<16xf32>
    %scan3A_15 = arith.constant 0 : i32
    %scan3A_16 = arith.constant 400 : i32
    %scan3A_17 = arith.addi %scan3A_15, %scan3A_16 : i32
    %scan3A_18 = arith.constant 1 : i32
    %scan3A_19 = scf.for %scan3A_22 = %scan3A_15 to %scan3A_17 step %scan3A_18 iter_args(%scan3A_23 = %broadcast_in_dim3A_14) -> (vector<16xf32>)  : i32 {
      %mul3A_24 = arith.constant 16 : i32
      %mul3A_25 = arith.muli %scan3A_22, %mul3A_24 : i32
      %get3A = arith.index_cast %mul3A_25 : i32 to index
      %get3A_26 = tpu.vector_load %arg7[%get3A] {strides = array<i32>} : memref<6400xi32, #tpu.memory_space<vmem>>, vector<16xi32>,
      %gather3A = tpu.vector_load_idx %arg11[%get3A_26] : memref<1000xf32, #tpu.memory_space<vmem>>[vector<16xi32>], vector<16xf32>,
      %mul3A_27 = arith.constant 16 : i32
      %mul3A_28 = arith.muli %scan3A_22, %mul3A_27 : i32
      %get3A_29 = arith.index_cast %mul3A_28 : i32 to index
      %get3A_30 = tpu.vector_load %arg10[%get3A_29] {strides = array<i32>} : memref<6400xf32, #tpu.memory_space<vmem>>, vector<16xf32>,
      %sub3A = arith.subf %gather3A, %get3A_30 : vector<16xf32>
      %add3A_31 = arith.addf %scan3A_23, %sub3A : vector<16xf32>
      scf.yield %add3A_31 : vector<16xf32>
    }
    %scan3A_20 = arith.constant 400 : i32
    %swap3A = arith.constant 0 : index
    %swap3A_21 = tpu.vector_load %arg12[%swap3A] {strides = array<i32>} : memref<16xf32, #tpu.memory_space<vmem>>, vector<16xf32>,
    tpu.vector_store %arg12[%swap3A], %scan3A_19 {strides = array<i32>} : memref<16xf32, #tpu.memory_space<vmem>>, vector<16xf32>,
    "tpu.region"() ({
      %run_scoped3A = tpu.sem_alloc : memref<!tpu.dma_semaphore, #tpu.memory_space<semaphore_mem>>
      %dma_start3A = arith.constant 0 : i32
      %dma_start3A_22 = tpu.memref_slice %arg6[%add3A, %dma_start3A] : memref<32x16xf32, #tpu.memory_space<hbm>> -> memref<1x16xf32, #tpu.memory_space<hbm>>
      %dma_start3A_23 = tpu.memref_squeeze %dma_start3A_22 : memref<1x16xf32, #tpu.memory_space<hbm>> -> memref<16xf32, #tpu.memory_space<hbm>>
      %dma_start3A_24 = arith.constant 0 : i32
      %dma_start3A_25 = tpu.memref_slice %arg6[%add3A, %dma_start3A_24] : memref<32x16xf32, #tpu.memory_space<hbm>> -> memref<1x16xf32, #tpu.memory_space<hbm>>
      %dma_start3A_26 = tpu.memref_squeeze %dma_start3A_25 : memref<1x16xf32, #tpu.memory_space<hbm>> -> memref<16xf32, #tpu.memory_space<hbm>>
      tpu.enqueue_dma source(%arg12 : memref<16xf32, #tpu.memory_space<vmem>>) target(%dma_start3A_26 : memref<16xf32, #tpu.memory_space<hbm>>) target_semaphore(%run_scoped3A : memref<!tpu.dma_semaphore, #tpu.memory_space<semaphore_mem>>)
      %dma_wait3A = arith.constant 0 : i32
      %dma_wait3A_27 = tpu.memref_slice %arg6[%add3A, %dma_wait3A] : memref<32x16xf32, #tpu.memory_space<hbm>> -> memref<1x16xf32, #tpu.memory_space<hbm>>
      %dma_wait3A_28 = tpu.memref_squeeze %dma_wait3A_27 : memref<1x16xf32, #tpu.memory_space<hbm>> -> memref<16xf32, #tpu.memory_space<hbm>>
      %dma_wait3A_29 = arith.constant 0 : i32
      %dma_wait3A_30 = tpu.memref_slice %arg6[%add3A, %dma_wait3A_29] : memref<32x16xf32, #tpu.memory_space<hbm>> -> memref<1x16xf32, #tpu.memory_space<hbm>>
      %dma_wait3A_31 = tpu.memref_squeeze %dma_wait3A_30 : memref<1x16xf32, #tpu.memory_space<hbm>> -> memref<16xf32, #tpu.memory_space<hbm>>
      tpu.wait_dma2 semaphore(%run_scoped3A : memref<!tpu.dma_semaphore, #tpu.memory_space<semaphore_mem>>) src(%arg12 : memref<16xf32, #tpu.memory_space<vmem>>) dst(%dma_wait3A_31 : memref<16xf32, #tpu.memory_space<hbm>>)
      tpu.yield
    }) : () -> ()
    return
  }
}

#map = affine_map<(d0, d1) -> (0, 0)>
#map1 = affine_map<(d0, d1) -> (0)>
module attributes {stable_mosaic.version = 14 : i64} {
  func.func @_gather_body(%arg0: i32, %arg1: i32, %arg2: memref<1000x1024xf32, #tpu.memory_space<hbm>>, %arg3: memref<51200xi32, #tpu.memory_space<hbm>>, %arg4: memref<51200x1024xf32, #tpu.memory_space<hbm>>, %arg5: memref<1600xi32, #tpu.memory_space<vmem>>, %arg6: memref<32x1024xf32, #tpu.memory_space<vmem>>, %arg7: memref<32x1024xf32, #tpu.memory_space<vmem>>, %arg8: memref<!tpu.dma_semaphore, #tpu.memory_space<semaphore_mem>>, %arg9: memref<!tpu.dma_semaphore, #tpu.memory_space<semaphore_mem>>) attributes {dimension_semantics = [#tpu.dimension_semantics<core_parallel>, #tpu.dimension_semantics<subcore_parallel>], iteration_bounds = array<i64: 2, 16>, scalar_prefetch = 0 : i64, scratch_operands = 5 : i64, tpu.core_type = #tpu.core_type<sc_vector_subcore>, window_params = [{transform_indices = #map}, {transform_indices = #map1}, {transform_indices = #map}]} {
    %mul3A = arith.constant 2 : i32
    %mul3A_0 = arith.muli %arg1, %mul3A : i32
    %add3A = arith.addi %mul3A_0, %arg0 : i32
    %mul3A_1 = arith.constant 1600 : i32
    %mul3A_2 = arith.muli %add3A, %mul3A_1 : i32
    "tpu.region"() ({
      %run_scoped3A = tpu.sem_alloc : memref<!tpu.dma_semaphore, #tpu.memory_space<semaphore_mem>>
      %dma_start3A_17 = tpu.memref_slice %arg3[%mul3A_2] : memref<51200xi32, #tpu.memory_space<hbm>> -> memref<1600xi32, #tpu.memory_space<hbm>>
      %dma_start3A_18 = tpu.memref_slice %arg3[%mul3A_2] : memref<51200xi32, #tpu.memory_space<hbm>> -> memref<1600xi32, #tpu.memory_space<hbm>>
      tpu.enqueue_dma source(%dma_start3A_18 : memref<1600xi32, #tpu.memory_space<hbm>>) target(%arg5 : memref<1600xi32, #tpu.memory_space<vmem>>) target_semaphore(%run_scoped3A : memref<!tpu.dma_semaphore, #tpu.memory_space<semaphore_mem>>)
      %dma_wait3A = tpu.memref_slice %arg3[%mul3A_2] : memref<51200xi32, #tpu.memory_space<hbm>> -> memref<1600xi32, #tpu.memory_space<hbm>>
      %dma_wait3A_19 = tpu.memref_slice %arg3[%mul3A_2] : memref<51200xi32, #tpu.memory_space<hbm>> -> memref<1600xi32, #tpu.memory_space<hbm>>
      tpu.wait_dma2 semaphore(%run_scoped3A : memref<!tpu.dma_semaphore, #tpu.memory_space<semaphore_mem>>) src(%dma_wait3A_19 : memref<1600xi32, #tpu.memory_space<hbm>>) dst(%arg5 : memref<1600xi32, #tpu.memory_space<vmem>>)
      tpu.yield
    }) : () -> ()
    %dma_start3A = arith.constant 0 : i32
    %dma_start3A_3 = tpu.memref_slice %arg5[%dma_start3A] : memref<1600xi32, #tpu.memory_space<vmem>> -> memref<32xi32, #tpu.memory_space<vmem>>
    %dma_start3A_4 = arith.constant 0 : i32
    %dma_start3A_5 = arith.constant 0 : i32
    %dma_start3A_6 = tpu.memref_slice %arg2[%dma_start3A_4, %dma_start3A_5] : memref<1000x1024xf32, #tpu.memory_space<hbm>> -> memref<1000x1024xf32, #tpu.memory_space<hbm>>
    tpu.enqueue_indirect_dma source(%dma_start3A_6 : memref<1000x1024xf32, #tpu.memory_space<hbm>>) target(%arg6 : memref<32x1024xf32, #tpu.memory_space<vmem>>) offsets(%dma_start3A_3 : memref<32xi32, #tpu.memory_space<vmem>>) semaphore(%arg8 : memref<!tpu.dma_semaphore, #tpu.memory_space<semaphore_mem>>)
    %dma_start3A_7 = arith.constant 32 : i32
    %dma_start3A_8 = tpu.memref_slice %arg5[%dma_start3A_7] : memref<1600xi32, #tpu.memory_space<vmem>> -> memref<32xi32, #tpu.memory_space<vmem>>
    %dma_start3A_9 = arith.constant 0 : i32
    %dma_start3A_10 = arith.constant 0 : i32
    %dma_start3A_11 = tpu.memref_slice %arg2[%dma_start3A_9, %dma_start3A_10] : memref<1000x1024xf32, #tpu.memory_space<hbm>> -> memref<1000x1024xf32, #tpu.memory_space<hbm>>
    tpu.enqueue_indirect_dma source(%dma_start3A_11 : memref<1000x1024xf32, #tpu.memory_space<hbm>>) target(%arg7 : memref<32x1024xf32, #tpu.memory_space<vmem>>) offsets(%dma_start3A_8 : memref<32xi32, #tpu.memory_space<vmem>>) semaphore(%arg9 : memref<!tpu.dma_semaphore, #tpu.memory_space<semaphore_mem>>)
    %scan3A = arith.constant 0 : i32
    %scan3A_12 = arith.constant 0 : i32
    %scan3A_13 = arith.constant 25 : i32
    %scan3A_14 = arith.addi %scan3A_12, %scan3A_13 : i32
    %scan3A_15 = arith.constant 1 : i32
    scf.for %scan3A_17 = %scan3A_12 to %scan3A_14 step %scan3A_15  : i32 {
      %mul3A_18 = arith.constant 2 : i32
      %mul3A_19 = arith.muli %scan3A_17, %mul3A_18 : i32
      %add3A_20 = arith.constant 0 : i32
      %add3A_21 = arith.addi %mul3A_19, %add3A_20 : i32
      %mul3A_22 = arith.constant 32 : i32
      %mul3A_23 = arith.muli %add3A_21, %mul3A_22 : i32
      %dma_wait3A = tpu.memref_slice %arg5[%mul3A_23] : memref<1600xi32, #tpu.memory_space<vmem>> -> memref<32xi32, #tpu.memory_space<vmem>>
      %dma_wait3A_24 = arith.constant 0 : i32
      %dma_wait3A_25 = arith.constant 0 : i32
      %dma_wait3A_26 = tpu.memref_slice %arg2[%dma_wait3A_24, %dma_wait3A_25] : memref<1000x1024xf32, #tpu.memory_space<hbm>> -> memref<1000x1024xf32, #tpu.memory_space<hbm>>
      tpu.wait_indirect_dma semaphore(%arg8 : memref<!tpu.dma_semaphore, #tpu.memory_space<semaphore_mem>>) src(%dma_wait3A_26 : memref<1000x1024xf32, #tpu.memory_space<hbm>>) dst(%arg6 : memref<32x1024xf32, #tpu.memory_space<vmem>>)
      %mul3A_27 = arith.constant 32 : i32
      %mul3A_28 = arith.muli %add3A_21, %mul3A_27 : i32
      %add3A_29 = arith.addi %mul3A_2, %mul3A_28 : i32
      "tpu.region"() ({
        %run_scoped3A = tpu.sem_alloc : memref<!tpu.dma_semaphore, #tpu.memory_space<semaphore_mem>>
        %dma_start3A_54 = arith.constant 0 : i32
        %dma_start3A_55 = tpu.memref_slice %arg4[%add3A_29, %dma_start3A_54] : memref<51200x1024xf32, #tpu.memory_space<hbm>> -> memref<32x1024xf32, #tpu.memory_space<hbm>>
        %dma_start3A_56 = arith.constant 0 : i32
        %dma_start3A_57 = tpu.memref_slice %arg4[%add3A_29, %dma_start3A_56] : memref<51200x1024xf32, #tpu.memory_space<hbm>> -> memref<32x1024xf32, #tpu.memory_space<hbm>>
        tpu.enqueue_dma source(%arg6 : memref<32x1024xf32, #tpu.memory_space<vmem>>) target(%dma_start3A_57 : memref<32x1024xf32, #tpu.memory_space<hbm>>) target_semaphore(%run_scoped3A : memref<!tpu.dma_semaphore, #tpu.memory_space<semaphore_mem>>)
        %dma_wait3A_58 = arith.constant 0 : i32
        %dma_wait3A_59 = tpu.memref_slice %arg4[%add3A_29, %dma_wait3A_58] : memref<51200x1024xf32, #tpu.memory_space<hbm>> -> memref<32x1024xf32, #tpu.memory_space<hbm>>
        %dma_wait3A_60 = arith.constant 0 : i32
        %dma_wait3A_61 = tpu.memref_slice %arg4[%add3A_29, %dma_wait3A_60] : memref<51200x1024xf32, #tpu.memory_space<hbm>> -> memref<32x1024xf32, #tpu.memory_space<hbm>>
        tpu.wait_dma2 semaphore(%run_scoped3A : memref<!tpu.dma_semaphore, #tpu.memory_space<semaphore_mem>>) src(%arg6 : memref<32x1024xf32, #tpu.memory_space<vmem>>) dst(%dma_wait3A_61 : memref<32x1024xf32, #tpu.memory_space<hbm>>)
        tpu.yield
      }) : () -> ()
      %add3A_30 = arith.constant 2 : i32
      %add3A_31 = arith.addi %add3A_21, %add3A_30 : i32
      %lt3A = arith.constant 50 : i32
      %lt3A_32 = arith.cmpi slt, %add3A_31, %lt3A : i32
      %convert_element_type3A = arith.extui %lt3A_32 : i1 to i32
      %cond3A = arith.constant 0 : i32
      %cond3A_33 = arith.cmpi ne, %convert_element_type3A, %cond3A : i32
      scf.if %cond3A_33 {
        %add3A_54 = arith.constant 2 : i32
        %add3A_55 = arith.addi %add3A_21, %add3A_54 : i32
        %mul3A_56 = arith.constant 32 : i32
        %mul3A_57 = arith.muli %add3A_55, %mul3A_56 : i32
        %dma_start3A_58 = tpu.memref_slice %arg5[%mul3A_57] : memref<1600xi32, #tpu.memory_space<vmem>> -> memref<32xi32, #tpu.memory_space<vmem>>
        %dma_start3A_59 = arith.constant 0 : i32
        %dma_start3A_60 = arith.constant 0 : i32
        %dma_start3A_61 = tpu.memref_slice %arg2[%dma_start3A_59, %dma_start3A_60] : memref<1000x1024xf32, #tpu.memory_space<hbm>> -> memref<1000x1024xf32, #tpu.memory_space<hbm>>
        tpu.enqueue_indirect_dma source(%dma_start3A_61 : memref<1000x1024xf32, #tpu.memory_space<hbm>>) target(%arg6 : memref<32x1024xf32, #tpu.memory_space<vmem>>) offsets(%dma_start3A_58 : memref<32xi32, #tpu.memory_space<vmem>>) semaphore(%arg8 : memref<!tpu.dma_semaphore, #tpu.memory_space<semaphore_mem>>)
      } else {
      }
      %mul3A_34 = arith.constant 2 : i32
      %mul3A_35 = arith.muli %scan3A_17, %mul3A_34 : i32
      %add3A_36 = arith.constant 1 : i32
      %add3A_37 = arith.addi %mul3A_35, %add3A_36 : i32
      %mul3A_38 = arith.constant 32 : i32
      %mul3A_39 = arith.muli %add3A_37, %mul3A_38 : i32
      %dma_wait3A_40 = tpu.memref_slice %arg5[%mul3A_39] : memref<1600xi32, #tpu.memory_space<vmem>> -> memref<32xi32, #tpu.memory_space<vmem>>
      %dma_wait3A_41 = arith.constant 0 : i32
      %dma_wait3A_42 = arith.constant 0 : i32
      %dma_wait3A_43 = tpu.memref_slice %arg2[%dma_wait3A_41, %dma_wait3A_42] : memref<1000x1024xf32, #tpu.memory_space<hbm>> -> memref<1000x1024xf32, #tpu.memory_space<hbm>>
      tpu.wait_indirect_dma semaphore(%arg9 : memref<!tpu.dma_semaphore, #tpu.memory_space<semaphore_mem>>) src(%dma_wait3A_43 : memref<1000x1024xf32, #tpu.memory_space<hbm>>) dst(%arg7 : memref<32x1024xf32, #tpu.memory_space<vmem>>)
      %mul3A_44 = arith.constant 32 : i32
      %mul3A_45 = arith.muli %add3A_37, %mul3A_44 : i32
      %add3A_46 = arith.addi %mul3A_2, %mul3A_45 : i32
      "tpu.region"() ({
        %run_scoped3A = tpu.sem_alloc : memref<!tpu.dma_semaphore, #tpu.memory_space<semaphore_mem>>
        %dma_start3A_54 = arith.constant 0 : i32
        %dma_start3A_55 = tpu.memref_slice %arg4[%add3A_46, %dma_start3A_54] : memref<51200x1024xf32, #tpu.memory_space<hbm>> -> memref<32x1024xf32, #tpu.memory_space<hbm>>
        %dma_start3A_56 = arith.constant 0 : i32
        %dma_start3A_57 = tpu.memref_slice %arg4[%add3A_46, %dma_start3A_56] : memref<51200x1024xf32, #tpu.memory_space<hbm>> -> memref<32x1024xf32, #tpu.memory_space<hbm>>
        tpu.enqueue_dma source(%arg7 : memref<32x1024xf32, #tpu.memory_space<vmem>>) target(%dma_start3A_57 : memref<32x1024xf32, #tpu.memory_space<hbm>>) target_semaphore(%run_scoped3A : memref<!tpu.dma_semaphore, #tpu.memory_space<semaphore_mem>>)
        %dma_wait3A_58 = arith.constant 0 : i32
        %dma_wait3A_59 = tpu.memref_slice %arg4[%add3A_46, %dma_wait3A_58] : memref<51200x1024xf32, #tpu.memory_space<hbm>> -> memref<32x1024xf32, #tpu.memory_space<hbm>>
        %dma_wait3A_60 = arith.constant 0 : i32
        %dma_wait3A_61 = tpu.memref_slice %arg4[%add3A_46, %dma_wait3A_60] : memref<51200x1024xf32, #tpu.memory_space<hbm>> -> memref<32x1024xf32, #tpu.memory_space<hbm>>
        tpu.wait_dma2 semaphore(%run_scoped3A : memref<!tpu.dma_semaphore, #tpu.memory_space<semaphore_mem>>) src(%arg7 : memref<32x1024xf32, #tpu.memory_space<vmem>>) dst(%dma_wait3A_61 : memref<32x1024xf32, #tpu.memory_space<hbm>>)
        tpu.yield
      }) : () -> ()
      %add3A_47 = arith.constant 2 : i32
      %add3A_48 = arith.addi %add3A_37, %add3A_47 : i32
      %lt3A_49 = arith.constant 50 : i32
      %lt3A_50 = arith.cmpi slt, %add3A_48, %lt3A_49 : i32
      %convert_element_type3A_51 = arith.extui %lt3A_50 : i1 to i32
      %cond3A_52 = arith.constant 0 : i32
      %cond3A_53 = arith.cmpi ne, %convert_element_type3A_51, %cond3A_52 : i32
      scf.if %cond3A_53 {
        %add3A_54 = arith.constant 2 : i32
        %add3A_55 = arith.addi %add3A_37, %add3A_54 : i32
        %mul3A_56 = arith.constant 32 : i32
        %mul3A_57 = arith.muli %add3A_55, %mul3A_56 : i32
        %dma_start3A_58 = tpu.memref_slice %arg5[%mul3A_57] : memref<1600xi32, #tpu.memory_space<vmem>> -> memref<32xi32, #tpu.memory_space<vmem>>
        %dma_start3A_59 = arith.constant 0 : i32
        %dma_start3A_60 = arith.constant 0 : i32
        %dma_start3A_61 = tpu.memref_slice %arg2[%dma_start3A_59, %dma_start3A_60] : memref<1000x1024xf32, #tpu.memory_space<hbm>> -> memref<1000x1024xf32, #tpu.memory_space<hbm>>
        tpu.enqueue_indirect_dma source(%dma_start3A_61 : memref<1000x1024xf32, #tpu.memory_space<hbm>>) target(%arg7 : memref<32x1024xf32, #tpu.memory_space<vmem>>) offsets(%dma_start3A_58 : memref<32xi32, #tpu.memory_space<vmem>>) semaphore(%arg9 : memref<!tpu.dma_semaphore, #tpu.memory_space<semaphore_mem>>)
      } else {
      }
    }
    %scan3A_16 = arith.constant 25 : i32
    return
  }
}

#map = affine_map<(d0, d1) -> (0, 0)>
#map1 = affine_map<(d0, d1) -> (0)>
module attributes {stable_mosaic.version = 14 : i64} {
  func.func @_gather_body(%arg0: i32, %arg1: i32, %arg2: memref<1000x1024xf32, #tpu.memory_space<hbm>>, %arg3: memref<51200xi32, #tpu.memory_space<hbm>>, %arg4: memref<51200x1024xf32, #tpu.memory_space<hbm>>, %arg5: memref<1600xi32, #tpu.memory_space<vmem>>, %arg6: memref<32x1024xf32, #tpu.memory_space<vmem>>, %arg7: memref<32x1024xf32, #tpu.memory_space<vmem>>, %arg8: memref<!tpu.dma_semaphore, #tpu.memory_space<semaphore_mem>>, %arg9: memref<!tpu.dma_semaphore, #tpu.memory_space<semaphore_mem>>) attributes {dimension_semantics = [#tpu.dimension_semantics<core_parallel>, #tpu.dimension_semantics<subcore_parallel>], iteration_bounds = array<i64: 2, 16>, scalar_prefetch = 0 : i64, scratch_operands = 5 : i64, tpu.core_type = #tpu.core_type<sc_vector_subcore>, window_params = [{transform_indices = #map}, {transform_indices = #map1}, {transform_indices = #map}]} {
    %mul3A = arith.constant 2 : i32
    %mul3A_0 = arith.muli %arg1, %mul3A : i32
    %add3A = arith.addi %mul3A_0, %arg0 : i32
    %mul3A_1 = arith.constant 1600 : i32
    %mul3A_2 = arith.muli %add3A, %mul3A_1 : i32
    "tpu.region"() ({
      %run_scoped3A = tpu.sem_alloc : memref<!tpu.dma_semaphore, #tpu.memory_space<semaphore_mem>>
      %dma_start3A_17 = tpu.memref_slice %arg3[%mul3A_2] : memref<51200xi32, #tpu.memory_space<hbm>> -> memref<1600xi32, #tpu.memory_space<hbm>>
      %dma_start3A_18 = tpu.memref_slice %arg3[%mul3A_2] : memref<51200xi32, #tpu.memory_space<hbm>> -> memref<1600xi32, #tpu.memory_space<hbm>>
      tpu.enqueue_dma source(%dma_start3A_18 : memref<1600xi32, #tpu.memory_space<hbm>>) target(%arg5 : memref<1600xi32, #tpu.memory_space<vmem>>) target_semaphore(%run_scoped3A : memref<!tpu.dma_semaphore, #tpu.memory_space<semaphore_mem>>)
      %dma_wait3A = tpu.memref_slice %arg3[%mul3A_2] : memref<51200xi32, #tpu.memory_space<hbm>> -> memref<1600xi32, #tpu.memory_space<hbm>>
      %dma_wait3A_19 = tpu.memref_slice %arg3[%mul3A_2] : memref<51200xi32, #tpu.memory_space<hbm>> -> memref<1600xi32, #tpu.memory_space<hbm>>
      tpu.wait_dma2 semaphore(%run_scoped3A : memref<!tpu.dma_semaphore, #tpu.memory_space<semaphore_mem>>) src(%dma_wait3A_19 : memref<1600xi32, #tpu.memory_space<hbm>>) dst(%arg5 : memref<1600xi32, #tpu.memory_space<vmem>>)
      tpu.yield
    }) : () -> ()
    %dma_start3A = arith.constant 0 : i32
    %dma_start3A_3 = tpu.memref_slice %arg5[%dma_start3A] : memref<1600xi32, #tpu.memory_space<vmem>> -> memref<32xi32, #tpu.memory_space<vmem>>
    %dma_start3A_4 = arith.constant 0 : i32
    %dma_start3A_5 = arith.constant 0 : i32
    %dma_start3A_6 = tpu.memref_slice %arg2[%dma_start3A_4, %dma_start3A_5] : memref<1000x1024xf32, #tpu.memory_space<hbm>> -> memref<1000x1024xf32, #tpu.memory_space<hbm>>
    tpu.enqueue_indirect_dma source(%dma_start3A_6 : memref<1000x1024xf32, #tpu.memory_space<hbm>>) target(%arg6 : memref<32x1024xf32, #tpu.memory_space<vmem>>) offsets(%dma_start3A_3 : memref<32xi32, #tpu.memory_space<vmem>>) semaphore(%arg8 : memref<!tpu.dma_semaphore, #tpu.memory_space<semaphore_mem>>)
    %dma_start3A_7 = arith.constant 32 : i32
    %dma_start3A_8 = tpu.memref_slice %arg5[%dma_start3A_7] : memref<1600xi32, #tpu.memory_space<vmem>> -> memref<32xi32, #tpu.memory_space<vmem>>
    %dma_start3A_9 = arith.constant 0 : i32
    %dma_start3A_10 = arith.constant 0 : i32
    %dma_start3A_11 = tpu.memref_slice %arg2[%dma_start3A_9, %dma_start3A_10] : memref<1000x1024xf32, #tpu.memory_space<hbm>> -> memref<1000x1024xf32, #tpu.memory_space<hbm>>
    tpu.enqueue_indirect_dma source(%dma_start3A_11 : memref<1000x1024xf32, #tpu.memory_space<hbm>>) target(%arg7 : memref<32x1024xf32, #tpu.memory_space<vmem>>) offsets(%dma_start3A_8 : memref<32xi32, #tpu.memory_space<vmem>>) semaphore(%arg9 : memref<!tpu.dma_semaphore, #tpu.memory_space<semaphore_mem>>)
    %scan3A = arith.constant 0 : i32
    %scan3A_12 = arith.constant 0 : i32
    %scan3A_13 = arith.constant 25 : i32
    %scan3A_14 = arith.addi %scan3A_12, %scan3A_13 : i32
    %scan3A_15 = arith.constant 1 : i32
    scf.for %scan3A_17 = %scan3A_12 to %scan3A_14 step %scan3A_15  : i32 {
      %mul3A_18 = arith.constant 2 : i32
      %mul3A_19 = arith.muli %scan3A_17, %mul3A_18 : i32
      %add3A_20 = arith.constant 0 : i32
      %add3A_21 = arith.addi %mul3A_19, %add3A_20 : i32
      %mul3A_22 = arith.constant 32 : i32
      %mul3A_23 = arith.muli %add3A_21, %mul3A_22 : i32
      %dma_wait3A = tpu.memref_slice %arg5[%mul3A_23] : memref<1600xi32, #tpu.memory_space<vmem>> -> memref<32xi32, #tpu.memory_space<vmem>>
      %dma_wait3A_24 = arith.constant 0 : i32
      %dma_wait3A_25 = arith.constant 0 : i32
      %dma_wait3A_26 = tpu.memref_slice %arg2[%dma_wait3A_24, %dma_wait3A_25] : memref<1000x1024xf32, #tpu.memory_space<hbm>> -> memref<1000x1024xf32, #tpu.memory_space<hbm>>
      tpu.wait_indirect_dma semaphore(%arg8 : memref<!tpu.dma_semaphore, #tpu.memory_space<semaphore_mem>>) src(%dma_wait3A_26 : memref<1000x1024xf32, #tpu.memory_space<hbm>>) dst(%arg6 : memref<32x1024xf32, #tpu.memory_space<vmem>>)
      %mul3A_27 = arith.constant 32 : i32
      %mul3A_28 = arith.muli %add3A_21, %mul3A_27 : i32
      %add3A_29 = arith.addi %mul3A_2, %mul3A_28 : i32
      "tpu.region"() ({
        %run_scoped3A = tpu.sem_alloc : memref<!tpu.dma_semaphore, #tpu.memory_space<semaphore_mem>>
        %dma_start3A_54 = arith.constant 0 : i32
        %dma_start3A_55 = tpu.memref_slice %arg4[%add3A_29, %dma_start3A_54] : memref<51200x1024xf32, #tpu.memory_space<hbm>> -> memref<32x1024xf32, #tpu.memory_space<hbm>>
        %dma_start3A_56 = arith.constant 0 : i32
        %dma_start3A_57 = tpu.memref_slice %arg4[%add3A_29, %dma_start3A_56] : memref<51200x1024xf32, #tpu.memory_space<hbm>> -> memref<32x1024xf32, #tpu.memory_space<hbm>>
        tpu.enqueue_dma source(%arg6 : memref<32x1024xf32, #tpu.memory_space<vmem>>) target(%dma_start3A_57 : memref<32x1024xf32, #tpu.memory_space<hbm>>) target_semaphore(%run_scoped3A : memref<!tpu.dma_semaphore, #tpu.memory_space<semaphore_mem>>)
        %dma_wait3A_58 = arith.constant 0 : i32
        %dma_wait3A_59 = tpu.memref_slice %arg4[%add3A_29, %dma_wait3A_58] : memref<51200x1024xf32, #tpu.memory_space<hbm>> -> memref<32x1024xf32, #tpu.memory_space<hbm>>
        %dma_wait3A_60 = arith.constant 0 : i32
        %dma_wait3A_61 = tpu.memref_slice %arg4[%add3A_29, %dma_wait3A_60] : memref<51200x1024xf32, #tpu.memory_space<hbm>> -> memref<32x1024xf32, #tpu.memory_space<hbm>>
        tpu.wait_dma2 semaphore(%run_scoped3A : memref<!tpu.dma_semaphore, #tpu.memory_space<semaphore_mem>>) src(%arg6 : memref<32x1024xf32, #tpu.memory_space<vmem>>) dst(%dma_wait3A_61 : memref<32x1024xf32, #tpu.memory_space<hbm>>)
        tpu.yield
      }) : () -> ()
      %add3A_30 = arith.constant 2 : i32
      %add3A_31 = arith.addi %add3A_21, %add3A_30 : i32
      %lt3A = arith.constant 50 : i32
      %lt3A_32 = arith.cmpi slt, %add3A_31, %lt3A : i32
      %convert_element_type3A = arith.extui %lt3A_32 : i1 to i32
      %cond3A = arith.constant 0 : i32
      %cond3A_33 = arith.cmpi ne, %convert_element_type3A, %cond3A : i32
      scf.if %cond3A_33 {
        %add3A_54 = arith.constant 2 : i32
        %add3A_55 = arith.addi %add3A_21, %add3A_54 : i32
        %mul3A_56 = arith.constant 32 : i32
        %mul3A_57 = arith.muli %add3A_55, %mul3A_56 : i32
        %dma_start3A_58 = tpu.memref_slice %arg5[%mul3A_57] : memref<1600xi32, #tpu.memory_space<vmem>> -> memref<32xi32, #tpu.memory_space<vmem>>
        %dma_start3A_59 = arith.constant 0 : i32
        %dma_start3A_60 = arith.constant 0 : i32
        %dma_start3A_61 = tpu.memref_slice %arg2[%dma_start3A_59, %dma_start3A_60] : memref<1000x1024xf32, #tpu.memory_space<hbm>> -> memref<1000x1024xf32, #tpu.memory_space<hbm>>
        tpu.enqueue_indirect_dma source(%dma_start3A_61 : memref<1000x1024xf32, #tpu.memory_space<hbm>>) target(%arg6 : memref<32x1024xf32, #tpu.memory_space<vmem>>) offsets(%dma_start3A_58 : memref<32xi32, #tpu.memory_space<vmem>>) semaphore(%arg8 : memref<!tpu.dma_semaphore, #tpu.memory_space<semaphore_mem>>)
      } else {
      }
      %mul3A_34 = arith.constant 2 : i32
      %mul3A_35 = arith.muli %scan3A_17, %mul3A_34 : i32
      %add3A_36 = arith.constant 1 : i32
      %add3A_37 = arith.addi %mul3A_35, %add3A_36 : i32
      %mul3A_38 = arith.constant 32 : i32
      %mul3A_39 = arith.muli %add3A_37, %mul3A_38 : i32
      %dma_wait3A_40 = tpu.memref_slice %arg5[%mul3A_39] : memref<1600xi32, #tpu.memory_space<vmem>> -> memref<32xi32, #tpu.memory_space<vmem>>
      %dma_wait3A_41 = arith.constant 0 : i32
      %dma_wait3A_42 = arith.constant 0 : i32
      %dma_wait3A_43 = tpu.memref_slice %arg2[%dma_wait3A_41, %dma_wait3A_42] : memref<1000x1024xf32, #tpu.memory_space<hbm>> -> memref<1000x1024xf32, #tpu.memory_space<hbm>>
      tpu.wait_indirect_dma semaphore(%arg9 : memref<!tpu.dma_semaphore, #tpu.memory_space<semaphore_mem>>) src(%dma_wait3A_43 : memref<1000x1024xf32, #tpu.memory_space<hbm>>) dst(%arg7 : memref<32x1024xf32, #tpu.memory_space<vmem>>)
      %mul3A_44 = arith.constant 32 : i32
      %mul3A_45 = arith.muli %add3A_37, %mul3A_44 : i32
      %add3A_46 = arith.addi %mul3A_2, %mul3A_45 : i32
      "tpu.region"() ({
        %run_scoped3A = tpu.sem_alloc : memref<!tpu.dma_semaphore, #tpu.memory_space<semaphore_mem>>
        %dma_start3A_54 = arith.constant 0 : i32
        %dma_start3A_55 = tpu.memref_slice %arg4[%add3A_46, %dma_start3A_54] : memref<51200x1024xf32, #tpu.memory_space<hbm>> -> memref<32x1024xf32, #tpu.memory_space<hbm>>
        %dma_start3A_56 = arith.constant 0 : i32
        %dma_start3A_57 = tpu.memref_slice %arg4[%add3A_46, %dma_start3A_56] : memref<51200x1024xf32, #tpu.memory_space<hbm>> -> memref<32x1024xf32, #tpu.memory_space<hbm>>
        tpu.enqueue_dma source(%arg7 : memref<32x1024xf32, #tpu.memory_space<vmem>>) target(%dma_start3A_57 : memref<32x1024xf32, #tpu.memory_space<hbm>>) target_semaphore(%run_scoped3A : memref<!tpu.dma_semaphore, #tpu.memory_space<semaphore_mem>>)
        %dma_wait3A_58 = arith.constant 0 : i32
        %dma_wait3A_59 = tpu.memref_slice %arg4[%add3A_46, %dma_wait3A_58] : memref<51200x1024xf32, #tpu.memory_space<hbm>> -> memref<32x1024xf32, #tpu.memory_space<hbm>>
        %dma_wait3A_60 = arith.constant 0 : i32
        %dma_wait3A_61 = tpu.memref_slice %arg4[%add3A_46, %dma_wait3A_60] : memref<51200x1024xf32, #tpu.memory_space<hbm>> -> memref<32x1024xf32, #tpu.memory_space<hbm>>
        tpu.wait_dma2 semaphore(%run_scoped3A : memref<!tpu.dma_semaphore, #tpu.memory_space<semaphore_mem>>) src(%arg7 : memref<32x1024xf32, #tpu.memory_space<vmem>>) dst(%dma_wait3A_61 : memref<32x1024xf32, #tpu.memory_space<hbm>>)
        tpu.yield
      }) : () -> ()
      %add3A_47 = arith.constant 2 : i32
      %add3A_48 = arith.addi %add3A_37, %add3A_47 : i32
      %lt3A_49 = arith.constant 50 : i32
      %lt3A_50 = arith.cmpi slt, %add3A_48, %lt3A_49 : i32
      %convert_element_type3A_51 = arith.extui %lt3A_50 : i1 to i32
      %cond3A_52 = arith.constant 0 : i32
      %cond3A_53 = arith.cmpi ne, %convert_element_type3A_51, %cond3A_52 : i32
      scf.if %cond3A_53 {
        %add3A_54 = arith.constant 2 : i32
        %add3A_55 = arith.addi %add3A_37, %add3A_54 : i32
        %mul3A_56 = arith.constant 32 : i32
        %mul3A_57 = arith.muli %add3A_55, %mul3A_56 : i32
        %dma_start3A_58 = tpu.memref_slice %arg5[%mul3A_57] : memref<1600xi32, #tpu.memory_space<vmem>> -> memref<32xi32, #tpu.memory_space<vmem>>
        %dma_start3A_59 = arith.constant 0 : i32
        %dma_start3A_60 = arith.constant 0 : i32
        %dma_start3A_61 = tpu.memref_slice %arg2[%dma_start3A_59, %dma_start3A_60] : memref<1000x1024xf32, #tpu.memory_space<hbm>> -> memref<1000x1024xf32, #tpu.memory_space<hbm>>
        tpu.enqueue_indirect_dma source(%dma_start3A_61 : memref<1000x1024xf32, #tpu.memory_space<hbm>>) target(%arg7 : memref<32x1024xf32, #tpu.memory_space<vmem>>) offsets(%dma_start3A_58 : memref<32xi32, #tpu.memory_space<vmem>>) semaphore(%arg9 : memref<!tpu.dma_semaphore, #tpu.memory_space<semaphore_mem>>)
      } else {
      }
    }
    %scan3A_16 = arith.constant 25 : i32
    return
  }
}

module attributes {stable_mosaic.version = 14 : i64} {
  func.func @_logz_body(%arg0: memref<1000x1000xf32, #tpu.memory_space<vmem>>, %arg1: memref<1000xf32, #tpu.memory_space<vmem>>) attributes {dimension_semantics = [], scalar_prefetch = 0 : i64, scratch_operands = 0 : i64, tpu.core_type = #tpu.core_type<tc>} {
    %get3A = arith.constant 0 : index
    %get3A_0 = arith.constant 0 : index
    %get3A_1 = vector.load %arg0[%get3A, %get3A_0] : memref<1000x1000xf32, #tpu.memory_space<vmem>>, vector<1000x1000xf32>
    %reduce_max3A = arith.constant dense<0xFF800000> : vector<1000xf32>
    %reduce_max3A_2 = vector.multi_reduction <maximumf>, %get3A_1, %reduce_max3A [1] : vector<1000x1000xf32> to vector<1000xf32>
    %broadcast_in_dim3A = vector.shape_cast %reduce_max3A_2 : vector<1000xf32> to vector<1000x1xf32>
    %sub3A = vector.broadcast %broadcast_in_dim3A : vector<1000x1xf32> to vector<1000x1000xf32>
    %sub3A_3 = arith.subf %get3A_1, %sub3A : vector<1000x1000xf32>
    %exp3A = math.exp %sub3A_3 : vector<1000x1000xf32>
    %reduce_sum3A = arith.constant dense<0.000000e+00> : vector<1000xf32>
    %reduce_sum3A_4 = vector.multi_reduction <add>, %exp3A, %reduce_sum3A [1] : vector<1000x1000xf32> to vector<1000xf32>
    %log3A = math.log %reduce_sum3A_4 : vector<1000xf32>
    %add3A = arith.addf %reduce_max3A_2, %log3A : vector<1000xf32>
    %swap3A = arith.constant 0 : index
    %swap3A_5 = vector.load %arg1[%swap3A] : memref<1000xf32, #tpu.memory_space<vmem>>, vector<1000xf32>
    tpu.vector_store %arg1[%swap3A], %add3A {strides = array<i32>} : memref<1000xf32, #tpu.memory_space<vmem>>, vector<1000xf32>,
    return
  }
}

module attributes {stable_mosaic.version = 14 : i64} {
  func.func @_trim_body(%arg0: i32, %arg1: memref<512x1024xf32, #tpu.memory_space<vmem>>, %arg2: memref<1000x512xf32, #tpu.memory_space<vmem>>) attributes {dimension_semantics = [#tpu.dimension_semantics<arbitrary>], iteration_bounds = array<i64: 100>, scalar_prefetch = 0 : i64, scratch_operands = 0 : i64, tpu.core_type = #tpu.core_type<tc>, window_params = [{transform_indices = @transform_0, window_bounds = array<i64: 512, 1024>}, {transform_indices = @transform_1, window_bounds = array<i64: 1000, 512>}]} {
    %get3A = arith.constant 0 : index
    %get3A_0 = arith.constant 0 : index
    %get3A_1 = vector.load %arg1[%get3A, %get3A_0] : memref<512x1024xf32, #tpu.memory_space<vmem>>, vector<512x1024xf32>
    %transpose3A = tpu.transpose %get3A_1, [1, 0] : vector<512x1024xf32> -> vector<1024x512xf32>
    %slice3A = vector.extract_strided_slice %transpose3A {offsets = [0, 0], sizes = [1000, 512], strides = [1, 1]} : vector<1024x512xf32> to vector<1000x512xf32>
    %swap3A = arith.constant 0 : index
    %swap3A_2 = arith.constant 0 : index
    %swap3A_3 = vector.load %arg2[%swap3A, %swap3A_2] : memref<1000x512xf32, #tpu.memory_space<vmem>>, vector<1000x512xf32>
    tpu.vector_store %arg2[%swap3A, %swap3A_2], %slice3A {strides = array<i32>} : memref<1000x512xf32, #tpu.memory_space<vmem>>, vector<1000x512xf32>,
    return
  }
  func.func @transform_0(%arg0: i32) -> (i32, i32) {
    %c0_i32 = arith.constant 0 : i32
    %c0_i32_0 = arith.constant 0 : i32
    return %arg0, %c0_i32 : i32, i32
  }
  func.func @transform_1(%arg0: i32) -> (i32, i32) {
    %add3A = arith.constant 0 : i32
    %add3A_0 = arith.addi %add3A, %arg0 : i32
    %c0_i32 = arith.constant 0 : i32
    %c0_i32_1 = arith.constant 0 : i32
    return %c0_i32, %add3A_0 : i32, i32
  }
}

module attributes {stable_mosaic.version = 14 : i64} {
  func.func @_trim_body_acc(%arg0: i32, %arg1: memref<512x1024xf32, #tpu.memory_space<vmem>>, %arg2: memref<1000x204800xf32, #tpu.memory_space<any>>, %arg3: memref<1000x512xf32, #tpu.memory_space<vmem>>) attributes {dimension_semantics = [#tpu.dimension_semantics<arbitrary>], iteration_bounds = array<i64: 100>, scalar_prefetch = 0 : i64, scratch_operands = 0 : i64, tpu.core_type = #tpu.core_type<tc>, window_params = [{transform_indices = @transform_0, window_bounds = array<i64: 512, 1024>}, {}, {transform_indices = @transform_2, window_bounds = array<i64: 1000, 512>}]} {
    %get3A = arith.constant 0 : index
    %get3A_0 = arith.constant 0 : index
    %get3A_1 = vector.load %arg1[%get3A, %get3A_0] : memref<512x1024xf32, #tpu.memory_space<vmem>>, vector<512x1024xf32>
    %transpose3A = tpu.transpose %get3A_1, [1, 0] : vector<512x1024xf32> -> vector<1024x512xf32>
    %slice3A = vector.extract_strided_slice %transpose3A {offsets = [0, 0], sizes = [1000, 512], strides = [1, 1]} : vector<1024x512xf32> to vector<1000x512xf32>
    %swap3A = arith.constant 0 : index
    %swap3A_2 = arith.constant 0 : index
    %swap3A_3 = vector.load %arg3[%swap3A, %swap3A_2] : memref<1000x512xf32, #tpu.memory_space<vmem>>, vector<1000x512xf32>
    tpu.vector_store %arg3[%swap3A, %swap3A_2], %slice3A {strides = array<i32>} : memref<1000x512xf32, #tpu.memory_space<vmem>>, vector<1000x512xf32>,
    return
  }
  func.func @transform_0(%arg0: i32) -> (i32, i32) {
    %c0_i32 = arith.constant 0 : i32
    %c0_i32_0 = arith.constant 0 : i32
    return %arg0, %c0_i32 : i32, i32
  }
  func.func @transform_2(%arg0: i32) -> (i32, i32) {
    %add3A = arith.constant 100 : i32
    %add3A_0 = arith.addi %add3A, %arg0 : i32
    %c0_i32 = arith.constant 0 : i32
    %c0_i32_1 = arith.constant 0 : i32
    return %c0_i32, %add3A_0 : i32, i32
  }
}

module attributes {stable_mosaic.version = 14 : i64} {
  func.func @_trim_body_acc(%arg0: i32, %arg1: memref<512x1024xf32, #tpu.memory_space<vmem>>, %arg2: memref<1000x204800xf32, #tpu.memory_space<any>>, %arg3: memref<1000x512xf32, #tpu.memory_space<vmem>>) attributes {dimension_semantics = [#tpu.dimension_semantics<arbitrary>], iteration_bounds = array<i64: 100>, scalar_prefetch = 0 : i64, scratch_operands = 0 : i64, tpu.core_type = #tpu.core_type<tc>, window_params = [{transform_indices = @transform_0, window_bounds = array<i64: 512, 1024>}, {}, {transform_indices = @transform_2, window_bounds = array<i64: 1000, 512>}]} {
    %get3A = arith.constant 0 : index
    %get3A_0 = arith.constant 0 : index
    %get3A_1 = vector.load %arg1[%get3A, %get3A_0] : memref<512x1024xf32, #tpu.memory_space<vmem>>, vector<512x1024xf32>
    %transpose3A = tpu.transpose %get3A_1, [1, 0] : vector<512x1024xf32> -> vector<1024x512xf32>
    %slice3A = vector.extract_strided_slice %transpose3A {offsets = [0, 0], sizes = [1000, 512], strides = [1, 1]} : vector<1024x512xf32> to vector<1000x512xf32>
    %swap3A = arith.constant 0 : index
    %swap3A_2 = arith.constant 0 : index
    %swap3A_3 = vector.load %arg3[%swap3A, %swap3A_2] : memref<1000x512xf32, #tpu.memory_space<vmem>>, vector<1000x512xf32>
    tpu.vector_store %arg3[%swap3A, %swap3A_2], %slice3A {strides = array<i32>} : memref<1000x512xf32, #tpu.memory_space<vmem>>, vector<1000x512xf32>,
    return
  }
  func.func @transform_0(%arg0: i32) -> (i32, i32) {
    %c0_i32 = arith.constant 0 : i32
    %c0_i32_0 = arith.constant 0 : i32
    return %arg0, %c0_i32 : i32, i32
  }
  func.func @transform_2(%arg0: i32) -> (i32, i32) {
    %add3A = arith.constant 200 : i32
    %add3A_0 = arith.addi %add3A, %arg0 : i32
    %c0_i32 = arith.constant 0 : i32
    %c0_i32_1 = arith.constant 0 : i32
    return %c0_i32, %add3A_0 : i32, i32
  }
}

module attributes {stable_mosaic.version = 14 : i64} {
  func.func @_trim_body_acc(%arg0: i32, %arg1: memref<512x1024xf32, #tpu.memory_space<vmem>>, %arg2: memref<1000x204800xf32, #tpu.memory_space<any>>, %arg3: memref<1000x512xf32, #tpu.memory_space<vmem>>) attributes {dimension_semantics = [#tpu.dimension_semantics<arbitrary>], iteration_bounds = array<i64: 100>, scalar_prefetch = 0 : i64, scratch_operands = 0 : i64, tpu.core_type = #tpu.core_type<tc>, window_params = [{transform_indices = @transform_0, window_bounds = array<i64: 512, 1024>}, {}, {transform_indices = @transform_2, window_bounds = array<i64: 1000, 512>}]} {
    %get3A = arith.constant 0 : index
    %get3A_0 = arith.constant 0 : index
    %get3A_1 = vector.load %arg1[%get3A, %get3A_0] : memref<512x1024xf32, #tpu.memory_space<vmem>>, vector<512x1024xf32>
    %transpose3A = tpu.transpose %get3A_1, [1, 0] : vector<512x1024xf32> -> vector<1024x512xf32>
    %slice3A = vector.extract_strided_slice %transpose3A {offsets = [0, 0], sizes = [1000, 512], strides = [1, 1]} : vector<1024x512xf32> to vector<1000x512xf32>
    %swap3A = arith.constant 0 : index
    %swap3A_2 = arith.constant 0 : index
    %swap3A_3 = vector.load %arg3[%swap3A, %swap3A_2] : memref<1000x512xf32, #tpu.memory_space<vmem>>, vector<1000x512xf32>
    tpu.vector_store %arg3[%swap3A, %swap3A_2], %slice3A {strides = array<i32>} : memref<1000x512xf32, #tpu.memory_space<vmem>>, vector<1000x512xf32>,
    return
  }
  func.func @transform_0(%arg0: i32) -> (i32, i32) {
    %c0_i32 = arith.constant 0 : i32
    %c0_i32_0 = arith.constant 0 : i32
    return %arg0, %c0_i32 : i32, i32
  }
  func.func @transform_2(%arg0: i32) -> (i32, i32) {
    %add3A = arith.constant 300 : i32
    %add3A_0 = arith.addi %add3A, %arg0 : i32
    %c0_i32 = arith.constant 0 : i32
    %c0_i32_1 = arith.constant 0 : i32
    return %c0_i32, %add3A_0 : i32, i32
  }
}

</mosaic_0001>

<sc_bundles>
// kernel: kernel.12.cloned.1.call-start
scs
__scs_entry_jumppad:
0x0: {  	(pc) =	sbr.rel $0x88, $3  }
0x1: {  	(tag) =	ssettag $0x0;
	lr =	simm.s32 $0x1  }
0x2: {  	[smem:$0x3F9E] =	sst lr;
	_ =	strace $0xD0000000  }
0x3: {  	_ = 	snop  }
0x4: {  	_ = 	snop  }
0x5: {  	_ = 	snop  }
0x6: {  	_ = 	snop  }
0x7: {  	_ = 	snop  }
__scs_overlays_trampoline_lowered:
0x8: {  	[smem:$0x3FAD] =	sst s0  }
0x9: {  	[smem:$0x3FAE] =	sst s1  }
0xa: {  	[smem:$0x3FAF] =	sst s2  }
0xb: {  	[smem:$0x3FB0] =	sst s3  }
0xc: {  	[smem:$0x3FB1] =	sst s4  }
0xd: {  	[smem:$0x3FB2] =	sst s5  }
0xe: {  	[smem:$0x3FB3] =	sst s6  }
0xf: {  	[smem:$0x3FB4] =	sst s7  }
0x10: {  	[smem:$0x3FB5] =	sst s8  }
0x11: {  	[smem:$0x3FB6] =	sst s9;
	s0 =	simm.s32 @!p0 $0x0  }
0x12: {  	s1 =	sld [smem:$0x3F9C];
	s0 =	simm.s32 @p0 $0x1  }
0x13: {  	[smem:$0x3FB7] =	sst s0;
	s0 =	simm.s32 @!p1 $0x0  }
0x14: {  	s2 =	sld [smem:$0x3F9B];
	s0 =	simm.s32 @p1 $0x1  }
0x15: {  	[smem:$0x3FB8] =	sst s0;
	s0 =	simm.s32 @!p2 $0x0  }
0x16: {  	s3 =	sld [smem:$0x3FDB];
	s0 =	simm.s32 @p2 $0x1  }
0x17: {  	s4 =	simm.s32 $0x1BF5;
	[smem:$0x3FBA] =	sst s0  }
0x18: {  	s0 =	sld [smem:$0x3F9D];
	_ =	swait.ge [sflag:s4], $0x0  }
0x19: {  	s7 =	sld [smem:$0x3F9E]  }
0x1a: {  	s8 =	sadd.s32 $0xFFFFE003, lr  }
0x1b: {  	s9 =	sadd.s32 $0xFFFFFEF7, lr;
	s5 =	simm.s32 $0xFFFFFFFF;
	p2 =	slt.u32 s8, $0xFFFFF086  }
0x1c: {  	p1 =	slt.u32 s9, $0xF7A;
	s5 =	simm.s32 @!p2 $0x0  }
0x1d: {  	s5 =	simm.s32 @p1 $0x1;
	p0 =	seq.s32 s7, s2  }
0x1e: {  	s7 =	smul.u32 @!p0 $0xF7A, s2;
	p2 =	seq.s32 @!p0 s5, $0x0  }
0x1f: {  	s9 =	smul.u32 $0xF7A, s1;
	s8 =	simm.s32 @!p0 $0x1BF5;
	p2 =	por !p2, p0  }
0x20: {  	[sflag:s8] =	ssyncset.s32 @!p0 $0xFFFFF086;
	s6 =	sadd.s32 @!p0 s3, s7;
	s7 =	simm.s32 @!p0 $0x108  }
0x21: {  	s3 =	sadd.s32 s3, s9;
	s6 =	sadd.s32 @!p0 $0x88, s6;
	s7 =	simm.s32 @p2 $0x1082  }
0x22: {  	[simem:s7], [sflag:s8] =	dma.local @!p0 [hbm:s6], $0xF7A  }
0x23: {  	s9 =	sor.u32 $0xD0000000, s2;
	s6 =	simm.s32 $0x108;
	_ =	swait.ge @!p0 [sflag:s8], $0x0  }
0x24: {  	s3 =	sadd.s32 $0x88, s3;
	s6 =	simm.s32 @!p1 $0x1082;
	[sflag:s4] =	ssyncset.s32 $0xFFFFF086  }
0x25: {  	[simem:s6], [sflag:s4] =	dma.local [hbm:s3], $0xF7A  }
0x26: {  	[smem:$0x3F9E] =	sst s1;
	(tag) =	ssettag s2;
	_ =	strace s9  }
0x27: {  	s1 =	sld [smem:$0x3FAE]  }
0x28: {  	s2 =	sld [smem:$0x3FAF]  }
0x29: {  	s4 =	sld [smem:$0x3FB1]  }
0x2a: {  	p0 =	seq.s32 s5, $0x0;
	s5 =	sld [smem:$0x3FB2]  }
0x2b: {  	s6 =	sld [smem:$0x3FB3]  }
0x2c: {  	s7 =	sld [smem:$0x3FB4]  }
0x2d: {  	s3 =	simm.s32 $0x108;
	s8 =	sld [smem:$0x3FB5]  }
0x2e: {  	s3 =	simm.s32 @!p0 $0x1082;
	s9 =	sld [smem:$0x3FB6]  }
0x2f: {  	lr =	sadd.s32 s0, s3;
	s0 =	sld [smem:$0x3FAD]  }
0x30: {  	s3 =	sld [smem:$0x3FB0]  }
0x31: {  	[smem:$0x3FB9] =	sst s10  }
0x32: {  	s10 =	sld [smem:$0x3FB7];
	_ =	sdelay $0x3  }
0x33: {  	p0 =	seq.s32 s10, $0x1;
	s10 =	sld [smem:$0x3FB9];
	_ =	sdelay $0x3  }
0x34: {  	[smem:$0x3FB9] =	sst s10  }
0x35: {  	s10 =	sld [smem:$0x3FB8];
	_ =	sdelay $0x3  }
0x36: {  	p1 =	seq.s32 s10, $0x1;
	s10 =	sld [smem:$0x3FB9];
	_ =	sdelay $0x3  }
0x37: {  	[smem:$0x3FB9] =	sst s10  }
0x38: {  	s10 =	sld [smem:$0x3FBA]  }
0x39: {  	_ = 	snop;
	(pc) =	sbr.ind lr, $3  }
0x3a: {  	_ = 	snop  }
0x3b: {  	_ = 	snop  }
0x3c: {  	p2 =	seq.s32 s10, $0x1;
	s10 =	sld [smem:$0x3FB9]  }
0x3d: {  	_ =	shalt  }
0x3e: {  	_ =	shalt  }
0x3f: {  	_ =	shalt  }
0x40: {  	_ =	shalt  }
0x41: {  	_ =	shalt  }
0x42: {  	_ =	shalt  }
0x43: {  	_ =	shalt  }
0x44: {  	_ =	shalt  }
0x45: {  	_ =	shalt  }
0x46: {  	_ =	shalt  }
0x47: {  	_ =	shalt  }
0x48: {  	_ =	shalt  }
0x49: {  	_ =	shalt  }
0x4a: {  	_ =	shalt  }
0x4b: {  	_ =	shalt  }
0x4c: {  	_ =	shalt  }
0x4d: {  	_ =	shalt  }
0x4e: {  	_ =	shalt  }
0x4f: {  	_ =	shalt  }
0x50: {  	_ =	shalt  }
0x51: {  	_ =	shalt  }
0x52: {  	_ =	shalt  }
0x53: {  	_ =	shalt  }
0x54: {  	_ =	shalt  }
0x55: {  	_ =	shalt  }
0x56: {  	_ =	shalt  }
0x57: {  	_ =	shalt  }
0x58: {  	_ =	shalt  }
0x59: {  	_ =	shalt  }
0x5a: {  	_ =	shalt  }
0x5b: {  	_ =	shalt  }
0x5c: {  	_ =	shalt  }
0x5d: {  	_ =	shalt  }
0x5e: {  	_ =	shalt  }
0x5f: {  	_ =	shalt  }
0x60: {  	_ =	shalt  }
0x61: {  	_ =	shalt  }
0x62: {  	_ =	shalt  }
0x63: {  	_ =	shalt  }
0x64: {  	_ =	shalt  }
0x65: {  	_ =	shalt  }
0x66: {  	_ =	shalt  }
0x67: {  	_ =	shalt  }
0x68: {  	_ =	shalt  }
0x69: {  	_ =	shalt  }
0x6a: {  	_ =	shalt  }
0x6b: {  	_ =	shalt  }
0x6c: {  	_ =	shalt  }
0x6d: {  	_ =	shalt  }
0x6e: {  	_ =	shalt  }
0x6f: {  	_ =	shalt  }
0x70: {  	_ =	shalt  }
0x71: {  	_ =	shalt  }
0x72: {  	_ =	shalt  }
0x73: {  	_ =	shalt  }
0x74: {  	_ =	shalt  }
0x75: {  	_ =	shalt  }
0x76: {  	_ =	shalt  }
0x77: {  	_ =	shalt  }
0x78: {  	_ =	shalt  }
0x79: {  	_ =	shalt  }
0x7a: {  	_ =	shalt  }
0x7b: {  	_ =	shalt  }
0x7c: {  	_ =	shalt  }
0x7d: {  	_ =	shalt  }
0x7e: {  	_ =	shalt  }
0x7f: {  	_ =	shalt  }
0x80: {  	_ =	shalt  }
0x81: {  	_ =	shalt  }
0x82: {  	_ =	shalt  }
0x83: {  	_ =	shalt  }
0x84: {  	_ =	shalt  }
0x85: {  	_ =	shalt  }
0x86: {  	_ =	shalt  }
0x87: {  	_ =	shalt  }
.Lfunc_end0:
.L_simem_size_0:
called_computation_lowered:
.L_overlay_start_0:
0x88: {  	s2 =	sld [smem:$0x3FD9]  }
0x89: {  	s3 =	sld [smem:$0x3FFE];
	_ =	sdelay $0x1  }
0x8a: {  	s1 =	srdreg.scid  }
0x8b: {  	s0 =	sand.u32 $0x1, s1  }
0x8c: {  	s17 =	sshll.u32 s0, $0xA;
	s2 =	sadd.s32 s3, s2  }
0x8d: {  	s2 =	sadd.s32 s2, s17  }
0x8e: {  	[smem:$0x3FC5] =	sst s2  }
0x8f: {  	_ = 	snop  }
0x90: {  	(tm) =	ssettm $0x1  }
0x91: {  	s18 =	sld [smem:$0x3FFB];
	_ =	sdelay $0x3  }
0x92: {  	_ =	strace s18  }
0x93: {  	s2 =	sld [smem:$0x3FFC];
	_ =	sdelay $0x3  }
0x94: {  	_ =	strace s2  }
0x95: {  	s2 =	sld [smem:$0x3FFD];
	_ =	sdelay $0x3  }
0x96: {  	_ =	strace s2  }
0x97: {  	_ =	strace $0x8FFFFFFF  }
0x98: {  	s19 =	sld [smem:$0x3FDB];
	_ =	sdelay $0x1  }
0x99: {  	s20 =	simm.s32 $_scs_section_size  }
0x9a: {  	s4 =	simm.s32 $_size__tile_overlayer_lowered;
	s5 =	simm.s32 $_tile_overlayer_lowered  }
0x9b: {  	s6 =	simm.s32 $0x1BFF;
	s21 =	sshll.u32 s5, $0x1;
	s3 =	sadd.s32 s20, s19  }
0x9c: {  	s22 =	simm.s32 $0x0;
	s4 =	sshll.u32 s4, $0x1;
	s5 =	sadd.s32 s21, s3  }
0x9d: {  	[timem:s22], [sflag:s6] =	dma.local [hbm:s5], s4  }
0x9e: {  	_ =	swait.ge [sflag:s6], s4  }
0x9f: {  	s4 =	ssub.s32 $0x0, s4;
	[sflag:s6] =	ssyncset.done $0x0  }
0xa0: {  	[sflag:s6] =	ssyncadd.s32 s4;
	_ =	sdelay $0x1  }
0xa1: {  	s23 =	simm.s32 $0x1B8B  }
0xa2: {  	_ =	swait.ge [sflag:s23], $0x1  }
0xa3: {  	[sflag:s23] =	ssyncset.done $0x0  }
0xa4: {  	[sflag:s23] =	ssyncadd.s32 $0xFFFFFFFF  }
0xa5: {  	s4 =	sld [smem:$0x0]  }
0xa6: {  	s5 =	sand.u32 $0xFFFFFFFE, s1  }
0xa7: {  	p0 =	sne.s32 s1, s5  }
0xa8: {  	s5 =	sshll.u32 @p0 s5, $0xE  }
0xa9: {  	s5 =	sadd.s32 @p0 $0x11B8D, s5;
	s6 =	sshll.u32 @p0 s4, $0x11  }
0xaa: {  	s5 =	sor.u32 @p0 s6, s5  }
0xab: {  	[sflag:s5] =	ssyncadd.remote.s32 @p0 $0x1;
	_ =	sdelay $0x1  }
0xac: {  	s5 =	simm.s32 @p0 $0x1B8D  }
0xad: {  	_ =	swait.eq @p0 [sflag:s5], $0x1  }
0xae: {  	[sflag:s5] =	ssyncadd.s32 @p0 $0xFFFFFFFF  }
0xaf: {  	s6 =	sshll.u32 @!p0 s1, $0xE  }
0xb0: {  	s6 =	sor.u32 @!p0 $0x4000, s6;
	s5 =	simm.s32 @!p0 $0x1B8D  }
0xb1: {  	s4 =	sshll.u32 @!p0 s4, $0x11;
	s6 =	sadd.s32 @!p0 $0x11B8D, s6;
	_ =	swait.eq @!p0 [sflag:s5], $0x1  }
0xb2: {  	s4 =	sor.u32 @!p0 s4, s6;
	[sflag:s5] =	ssyncadd.s32 @!p0 $0xFFFFFFFF  }
0xb3: {  	s25 =	simm.s32 $0x1B8E;
	s24 =	sld [smem:$0x3FFE];
	[sflag:s4] =	ssyncadd.remote.s32 @!p0 $0x1  }
0xb4: {  	s26 =	simm.s32 $execute0_lowered;
	[smem:$0x3FD2] =	sst s25  }
0xb5: {  	s5 =	sshll.u32 s26, $0x1;
	_ =	strace $0x80000049;
	[dreg:$0x1] =	wrdreg $0xFFFFFFFF  }
0xb6: {  	s28 =	simm.s32 $_size_execute0_lowered;
	s3 =	sadd.s32 s3, s5;
	[dreg:$0x0] =	wrdreg $0x0  }
0xb7: {  	s5 =	sshll.u32 s28, $0x1;
	[dreg:$0x2] =	wrdreg s3  }
0xb8: {  	[dreg:$0x3] =	wrdreg s5  }
0xb9: {  	[dreg:$0x4] =	wrdreg $0xC0  }
0xba: {  	_ =	task [dreg:s22], $0x5FFFF  }
0xbb: {  	[dreg:$0x1] =	wrdreg $0xFFFFFFFF  }
0xbc: {  	[dreg:$0x0] =	wrdreg $0x60  }
0xbd: {  	[dreg:$0x2] =	wrdreg s24  }
0xbe: {  	[dreg:$0x3] =	wrdreg $0x9  }
0xbf: {  	_ =	task.clear_ibuf [dreg:s22], $0x4FFFF;
	_ =	strace $0x90000049  }
0xc0: {  	s29 =	simm.s32 $0x9;
	_ =	strace $0x8000004B  }
0xc1: {  	_ =	swait.ge [sflag:s29], $0x1  }
0xc2: {  	[sflag:s29] =	ssyncadd.s32 $0xFFFFFFFF  }
0xc3: {  	_ =	strace $0x9000004B  }
0xc4: {  	_ =	sfence  }
0xc5: {  	s30 =	sld [smem:$0x0];
	_ =	sdelay $0x2  }
0xc6: {  	s31 =	sshll.u32 s1, $0xD;
	s1 =	sshrl.u32 s1, $0x2  }
0xc7: {  	s4 =	sand.u32 $0x4000, s31;
	s1 =	sadd.s32 s1, s30  }
0xc8: {  	s0 =	sor.u32 s4, s0;
	s1 =	sshll.u32 s1, $0x11  }
0xc9: {  	s0 =	sor.u32 s1, s0  }
0xca: {  	s0 =	sadd.s32 $0x8F2B, s0  }
0xcb: {  	[sflag:s0] =	ssyncadd.remote.s32 $0x1  }
0xcc: {  	_ =	sfence.sel $0xFFFF  }
0xcd: {  	[dreg:$0x0] =	wrdreg $0xFFFFFFFF;
	(pc) =	sbr.abs _section_cstart, $3  }
0xce: {  	[dreg:$0x1] =	wrdreg $0xFFFFFFFF  }
0xcf: {  	_ =	task.clear_ibuf [dreg:s22], $0x2FFFF;
	_ =	strace $0x9FFFFFFF  }
0xd0: {  	(tm) =	ssettm $0x7FFFFFFF  }
0xd1: {  	_ =	shalt  }
tec
execute0_lowered:
.L_overlay_start_1:
0x0: {  	(tag) =	ssettag $0x1  }
0x1: {  	s0 =	rddreg [dreg:$0x0]  }
0x2: {  	s1 =	srdreg.scid;
	s8 =	stileid.u32;
	s2 =	simm.s32 $0x0  }
0x3: {  	s12 =	simm.s32 $0x680;
	s29 =	simm.s32 $0x8680;
	s30 =	simm.s32 $0x8E80  }
0x4: {  	s31 =	simm.s32 $0x9680;
	s13 =	simm.s32 $0xAE80;
	s14 =	simm.s32 $0xB680  }
0x5: {  	s15 =	simm.s32 $0xBE80;
	s16 =	simm.s32 $0xC680;
	s17 =	simm.s32 $0xCE80  }
0x6: {  	s18 =	simm.s32 $0xD680;
	s19 =	simm.s32 $0xDE80;
	s20 =	simm.s32 $0xE680  }
0x7: {  	s21 =	simm.s32 $0xEE80;
	s22 =	simm.s32 $0xF680;
	s7 =	smul.u32 $0x64000, s8  }
0x8: {  	s1 =	sand.u32 $0x1, s1;
	s3 =	sshll.u32 s8, $0x1;
	s8 =	smul.u32 $0x320000, s8  }
0x9: {  	s23 =	simm.s32 $0xFE80;
	[smem:$0x7FF] =	sst s2;
	s11 =	smul.u32 $0x190000, s1  }
0xa: {  	s3 =	sor.u32 s1, s3;
	s5 =	ssub.s32 $0x2, s1;
	s1 =	smul.u32 $0x32000, s1  }
0xb: {  	s10 =	sadd.s32 $0x2F200, s0;
	_ =	strace $0x8000004A;
	s4 =	smul.u32 $0xC8, s3  }
0xc: {  	s3 =	sadd.s32 $0xE400, s0;
	s6 =	sshrl.u32 s5, $0x1;
	s24 =	sadd.s32 s7, s10  }
0xd: {  	s7 =	sadd.s32 $0xE700, s0;
	s9 =	ssub.s32 s5, s6;
	s5 =	sadd.s32 $0xE500, s0  }
0xe: {  	s6 =	sadd.s32 $0xE600, s0;
	s8 =	sadd.s32 s11, s8;
	s25 =	sadd.s32 s1, s24  }
.Ltmp0:
0xf: {  	s11 =	simm.s32 $0x3;
	s1 =	simm.s32 $0xA680;
	(pc) =	sbr.rel .LBB2_1-.Ltmp0, $4  }
0x10: {  	s24 =	simm.s32 $0x1;
	s4 =	sadd.s32 s4, s0;
	s26 =	sshrl.u32 s8, $0x3  }
0x11: {  	v2 =	vlaneseq.u32;
	s28 =	smax.u32 s9, $0x1;
	s9 =	sadd.s32 $0x1000, s25;
	s0 =	simm.s32 $0x9E80  }
0x12: {  	vm0 =	vmmov $0xffff;
	v1 =	vshrl.u32 v2, $0x3;
	s25 =	simm.s32 $0x2;
	s4 =	sadd.s32 $0x2D800, s4;
	[dreg:$0x3] =	wrdreg s28  }
0x13: {  	v0 =	vand.u32 $0x7, v2;
	v2 =	vor.u32 $0x8, v2;
	v1 =	vmul.u32 $0x8, v1;
	s8 =	simm.s32 $0x0;
	s10 =	sadd.s32 s26, s10;
	[dreg:$0x2] =	wrdreg s4  }
.LBB2_4:
0x14: {  	s8 =	rddreg [dreg:$0x4]  }
0x15: {  	s4 =	rddreg [dreg:$0x3];
	s8 =	sadd.s32 $0x1, s8  }
0x16: {  	p0 =	sne.s32 s8, s4  }
.Ltmp1:
0x17: {  	_ = 	snop;
	(pc) =	sbr.rel @!p0 .LBB2_5-.Ltmp1, $1  }
0x18: {  	_ =	sdelay $0x3  }
.LBB2_1:
0x19: {  	[dreg:$0x4] =	wrdreg s8  }
0x1a: {  	s4 =	rddreg [dreg:$0x2]  }
0x1b: {  	[tilespmem:s2], [sflag:$0x3] =	stream.linear.gather [hbm4b:s4+s2], $0x640, $0x38;
	[tilespmem:$0x10680] =	vst v63  }
0x1c: {  	_ =	swait.ge [sflag:s11], $0x640  }
0x1d: {  	[sflag:s11] =	ssyncset.done $0x0  }
0x1e: {  	[sflag:s11] =	ssyncadd.s32 $0xFFFFF9C0  }
0x1f: {  	v3 =	vld [tilespmem:$0x0];
	_ =	sdelay $0x4  }
0x20: {  	v4 =	vshll.u32 v3, $0x3  }
0x21: {  	v3 =	vand.u32 $0x7, v3;
	v4 =	vand.u32 $0xFFFFFFC0, v4  }
0x22: {  	v3 =	vor.u32 v3, v4  }
0x23: {  	v4 =	vperm.xlane v3, v0;
	_ =	sdelay $0x1  }
0x24: {  	v4 =	vadd.s32 v1, v4;
	_ =	sdelay $0x4  }
0x25: {  	[tilespmem:s12], [sflag:$0x1] =	stream.indirect_vreg.gather [hbm4b:s3+s2], $0x80, v4, vm0, $0xb8;
	[tilespmem:$0x10680] =	vst v63  }
0x26: {  	s26 =	simm.s32 $0xE80;
	v3 =	vperm.xlane v3, v2  }
0x27: {  	[tilespmem:s26], [sflag:$0x1] =	stream.indirect_vreg.gather [hbm4b:s5+s2], $0x80, v4, vm0, $0xb8;
	[tilespmem:$0x10680] =	vst v63  }
0x28: {  	s8 =	simm.s32 $0x1680;
	v3 =	vadd.s32 v1, v3  }
0x29: {  	[tilespmem:s8], [sflag:$0x1] =	stream.indirect_vreg.gather [hbm4b:s6+s2], $0x80, v4, vm0, $0xb8;
	[tilespmem:$0x10680] =	vst v63  }
0x2a: {  	s26 =	simm.s32 $0x1E80  }
0x2b: {  	[tilespmem:s26], [sflag:$0x1] =	stream.indirect_vreg.gather [hbm4b:s7+s2], $0x80, v4, vm0, $0xb8;
	[tilespmem:$0x10680] =	vst v63  }
0x2c: {  	s8 =	simm.s32 $0x2680  }
0x2d: {  	[tilespmem:s8], [sflag:$0x1] =	stream.indirect_vreg.gather [hbm4b:s3+s2], $0x80, v3, vm0, $0xb8;
	[tilespmem:$0x10680] =	vst v63  }
0x2e: {  	s26 =	simm.s32 $0x2E80  }
0x2f: {  	[tilespmem:s26], [sflag:$0x1] =	stream.indirect_vreg.gather [hbm4b:s5+s2], $0x80, v3, vm0, $0xb8;
	[tilespmem:$0x10680] =	vst v63  }
0x30: {  	s8 =	simm.s32 $0x3680  }
0x31: {  	[tilespmem:s8], [sflag:$0x1] =	stream.indirect_vreg.gather [hbm4b:s6+s2], $0x80, v3, vm0, $0xb8;
	[tilespmem:$0x10680] =	vst v63  }
0x32: {  	s26 =	simm.s32 $0x3E80  }
0x33: {  	[tilespmem:s26], [sflag:$0x1] =	stream.indirect_vreg.gather [hbm4b:s7+s2], $0x80, v3, vm0, $0xb8;
	[tilespmem:$0x10680] =	vst v63  }
0x34: {  	v3 =	vld [tilespmem:$0x10];
	_ =	sdelay $0x4  }
0x35: {  	v61 =	vshll.u32 v3, $0x3  }
0x36: {  	v3 =	vand.u32 $0x7, v3;
	v4 =	vand.u32 $0xFFFFFFC0, v61  }
0x37: {  	v3 =	vor.u32 v3, v4  }
0x38: {  	v4 =	vperm.xlane v3, v0;
	_ =	sdelay $0x1  }
0x39: {  	v4 =	vadd.s32 v1, v4;
	_ =	sdelay $0x3  }
0x3a: {  	s8 =	simm.s32 $0x4680  }
0x3b: {  	[tilespmem:s8], [sflag:$0x1] =	stream.indirect_vreg.gather [hbm4b:s3+s2], $0x80, v4, vm0, $0xb8;
	[tilespmem:$0x10680] =	vst v63  }
0x3c: {  	s26 =	simm.s32 $0x4E80;
	v3 =	vperm.xlane v3, v2  }
0x3d: {  	[tilespmem:s26], [sflag:$0x1] =	stream.indirect_vreg.gather [hbm4b:s5+s2], $0x80, v4, vm0, $0xb8;
	[tilespmem:$0x10680] =	vst v63  }
0x3e: {  	v3 =	vadd.s32 v1, v3;
	s8 =	simm.s32 $0x5680  }
0x3f: {  	[tilespmem:s8], [sflag:$0x1] =	stream.indirect_vreg.gather [hbm4b:s6+s2], $0x80, v4, vm0, $0xb8;
	[tilespmem:$0x10680] =	vst v63  }
0x40: {  	s26 =	simm.s32 $0x5E80  }
0x41: {  	[tilespmem:s26], [sflag:$0x1] =	stream.indirect_vreg.gather [hbm4b:s7+s2], $0x80, v4, vm0, $0xb8;
	[tilespmem:$0x10680] =	vst v63  }
0x42: {  	s8 =	simm.s32 $0x6680  }
0x43: {  	[tilespmem:s8], [sflag:$0x1] =	stream.indirect_vreg.gather [hbm4b:s3+s2], $0x80, v3, vm0, $0xb8;
	[tilespmem:$0x10680] =	vst v63  }
0x44: {  	s26 =	simm.s32 $0x6E80  }
0x45: {  	[tilespmem:s26], [sflag:$0x1] =	stream.indirect_vreg.gather [hbm4b:s5+s2], $0x80, v3, vm0, $0xb8;
	[tilespmem:$0x10680] =	vst v63  }
0x46: {  	s8 =	simm.s32 $0x7680  }
0x47: {  	[tilespmem:s8], [sflag:$0x1] =	stream.indirect_vreg.gather [hbm4b:s6+s2], $0x80, v3, vm0, $0xb8;
	[tilespmem:$0x10680] =	vst v63  }
0x48: {  	s26 =	simm.s32 $0x7E80  }
0x49: {  	[tilespmem:s26], [sflag:$0x1] =	stream.indirect_vreg.gather [hbm4b:s7+s2], $0x80, v3, vm0, $0xb8;
	[tilespmem:$0x10680] =	vst v63  }
0x4a: {  	v3 =	vld [tilespmem:$0x20];
	_ =	sdelay $0x4  }
0x4b: {  	v62 =	vshll.u32 v3, $0x3  }
0x4c: {  	v3 =	vand.u32 $0x7, v3;
	v4 =	vand.u32 $0xFFFFFFC0, v62  }
0x4d: {  	v3 =	vor.u32 v3, v4  }
0x4e: {  	v4 =	vperm.xlane v3, v0;
	_ =	sdelay $0x1  }
0x4f: {  	v4 =	vadd.s32 v1, v4;
	_ =	sdelay $0x4  }
0x50: {  	[tilespmem:s29], [sflag:$0x2] =	stream.indirect_vreg.gather [hbm4b:s3+s2], $0x80, v4, vm0, $0xb8;
	[tilespmem:$0x10680] =	vst v63  }
0x51: {  	v3 =	vperm.xlane v3, v2  }
0x52: {  	[tilespmem:s30], [sflag:$0x2] =	stream.indirect_vreg.gather [hbm4b:s5+s2], $0x80, v4, vm0, $0xb8;
	[tilespmem:$0x10680] =	vst v63  }
0x53: {  	v3 =	vadd.s32 v1, v3  }
0x54: {  	[tilespmem:s31], [sflag:$0x2] =	stream.indirect_vreg.gather [hbm4b:s6+s2], $0x80, v4, vm0, $0xb8;
	[tilespmem:$0x10680] =	vst v63  }
0x55: {  	_ = 	snop  }
0x56: {  	[tilespmem:s0], [sflag:$0x2] =	stream.indirect_vreg.gather [hbm4b:s7+s2], $0x80, v4, vm0, $0xb8;
	[tilespmem:$0x10680] =	vst v63  }
0x57: {  	_ = 	snop  }
0x58: {  	[tilespmem:s1], [sflag:$0x2] =	stream.indirect_vreg.gather [hbm4b:s3+s2], $0x80, v3, vm0, $0xb8;
	[tilespmem:$0x10680] =	vst v63  }
0x59: {  	_ = 	snop  }
0x5a: {  	[tilespmem:s13], [sflag:$0x2] =	stream.indirect_vreg.gather [hbm4b:s5+s2], $0x80, v3, vm0, $0xb8;
	[tilespmem:$0x10680] =	vst v63  }
0x5b: {  	_ = 	snop  }
0x5c: {  	[tilespmem:s14], [sflag:$0x2] =	stream.indirect_vreg.gather [hbm4b:s6+s2], $0x80, v3, vm0, $0xb8;
	[tilespmem:$0x10680] =	vst v63  }
0x5d: {  	_ = 	snop  }
0x5e: {  	[tilespmem:s15], [sflag:$0x2] =	stream.indirect_vreg.gather [hbm4b:s7+s2], $0x80, v3, vm0, $0xb8;
	[tilespmem:$0x10680] =	vst v63  }
0x5f: {  	v3 =	vld [tilespmem:$0x30];
	_ =	sdelay $0x4  }
0x60: {  	v63 =	vshll.u32 v3, $0x3  }
0x61: {  	v3 =	vand.u32 $0x7, v3;
	v4 =	vand.u32 $0xFFFFFFC0, v63  }
0x62: {  	v3 =	vor.u32 v3, v4  }
0x63: {  	v4 =	vperm.xlane v3, v0;
	_ =	sdelay $0x1  }
0x64: {  	v4 =	vadd.s32 v1, v4;
	_ =	sdelay $0x4  }
0x65: {  	[tilespmem:s16], [sflag:$0x2] =	stream.indirect_vreg.gather [hbm4b:s3+s2], $0x80, v4, vm0, $0xb8;
	[tilespmem:$0x10680] =	vst v63  }
0x66: {  	v3 =	vperm.xlane v3, v2  }
0x67: {  	[tilespmem:s17], [sflag:$0x2] =	stream.indirect_vreg.gather [hbm4b:s5+s2], $0x80, v4, vm0, $0xb8;
	[tilespmem:$0x10680] =	vst v63  }
0x68: {  	v3 =	vadd.s32 v1, v3  }
0x69: {  	[tilespmem:s18], [sflag:$0x2] =	stream.indirect_vreg.gather [hbm4b:s6+s2], $0x80, v4, vm0, $0xb8;
	[tilespmem:$0x10680] =	vst v63  }
0x6a: {  	_ = 	snop  }
0x6b: {  	[tilespmem:s19], [sflag:$0x2] =	stream.indirect_vreg.gather [hbm4b:s7+s2], $0x80, v4, vm0, $0xb8;
	[tilespmem:$0x10680] =	vst v63  }
0x6c: {  	_ = 	snop  }
0x6d: {  	[tilespmem:s20], [sflag:$0x2] =	stream.indirect_vreg.gather [hbm4b:s3+s2], $0x80, v3, vm0, $0xb8;
	[tilespmem:$0x10680] =	vst v63  }
0x6e: {  	_ = 	snop  }
0x6f: {  	[tilespmem:s21], [sflag:$0x2] =	stream.indirect_vreg.gather [hbm4b:s5+s2], $0x80, v3, vm0, $0xb8;
	[tilespmem:$0x10680] =	vst v63  }
0x70: {  	_ = 	snop  }
0x71: {  	[tilespmem:s22], [sflag:$0x2] =	stream.indirect_vreg.gather [hbm4b:s6+s2], $0x80, v3, vm0, $0xb8;
	[tilespmem:$0x10680] =	vst v63  }
0x72: {  	s28 =	simm.s32 $0x70;
	s4 =	simm.s32 $0x0  }
0x73: {  	[tilespmem:s23], [sflag:$0x2] =	stream.indirect_vreg.gather [hbm4b:s7+s2], $0x80, v3, vm0, $0xb8;
	[tilespmem:$0x10680] =	vst v63  }
.LBB2_2:
0x74: {  	_ =	swait.ge [sflag:s24], $0x8000  }
0x75: {  	[sflag:s24] =	ssyncset.done $0x0  }
0x76: {  	s8 =	sadd.s32 s4, s10;
	[sflag:s24] =	ssyncadd.s32 $0xFFFF8000  }
0x77: {  	[hbm4b:s8+s2] =	stream.linear.scatter [tilespmem:s12], [sflag:$0x3], $0x8000, $0x38;
	[tilespmem:$0x10680] =	vst v63  }
0x78: {  	_ =	swait.ge [sflag:s11], $0x8000  }
0x79: {  	[sflag:s11] =	ssyncset.done $0x0  }
0x7a: {  	p0 =	seq.s32 s4, $0x30000;
	[sflag:s11] =	ssyncadd.s32 $0xFFFF8000  }
0x7b: {  	v3 =	vld @!p0 [tilespmem:s28+$0xFFFFFFD0];
	_ =	sdelay $0x4  }
0x7c: {  	v4 =	vshll.u32 @!p0 v3, $0x3  }
0x7d: {  	v5 =	vlaneseq.u32 @!p0;
	v3 =	vand.u32 @!p0 $0x7, v3;
	v4 =	vand.u32 @!p0 $0xFFFFFFC0, v4  }
0x7e: {  	v6 =	vshrl.u32 @!p0 v5, $0x3;
	v3 =	vor.u32 @!p0 v3, v4;
	v4 =	vand.u32 @!p0 $0x7, v5  }
0x7f: {  	v6 =	vmul.u32 @!p0 $0x8, v6;
	v7 =	vperm.xlane @!p0 v3, v4;
	_ =	sdelay $0x1  }
0x80: {  	v7 =	vadd.s32 @!p0 v6, v7;
	_ =	sdelay $0x3  }
0x81: {  	vm1 =	vmmov @!p0 $0xffff;
	s26 =	simm.s32 @!p0 $0x680;
	s8 =	simm.s32 @!p0 $0x0  }
0x82: {  	v5 =	vor.u32 @!p0 $0x8, v5;
	[tilespmem:s26], [sflag:$0x1] =	stream.indirect_vreg.gather @!p0 [hbm4b:s3+s8], $0x80, v7, vm1, $0xb8;
	[tilespmem:$0x10680] =	vst v63  }
0x83: {  	v3 =	vperm.xlane @!p0 v3, v5;
	s26 =	simm.s32 @!p0 $0xE80  }
0x84: {  	[tilespmem:s26], [sflag:$0x1] =	stream.indirect_vreg.gather @!p0 [hbm4b:s5+s8], $0x80, v7, vm1, $0xb8;
	[tilespmem:$0x10680] =	vst v63  }
0x85: {  	v3 =	vadd.s32 @!p0 v6, v3;
	s26 =	simm.s32 @!p0 $0x1680  }
0x86: {  	[tilespmem:s26], [sflag:$0x1] =	stream.indirect_vreg.gather @!p0 [hbm4b:s6+s8], $0x80, v7, vm1, $0xb8;
	[tilespmem:$0x10680] =	vst v63  }
0x87: {  	s26 =	simm.s32 @!p0 $0x1E80  }
0x88: {  	[tilespmem:s26], [sflag:$0x1] =	stream.indirect_vreg.gather @!p0 [hbm4b:s7+s8], $0x80, v7, vm1, $0xb8;
	[tilespmem:$0x10680] =	vst v63  }
0x89: {  	s26 =	simm.s32 @!p0 $0x2680  }
0x8a: {  	[tilespmem:s26], [sflag:$0x1] =	stream.indirect_vreg.gather @!p0 [hbm4b:s3+s8], $0x80, v3, vm1, $0xb8;
	[tilespmem:$0x10680] =	vst v63  }
0x8b: {  	s26 =	simm.s32 @!p0 $0x2E80  }
0x8c: {  	[tilespmem:s26], [sflag:$0x1] =	stream.indirect_vreg.gather @!p0 [hbm4b:s5+s8], $0x80, v3, vm1, $0xb8;
	[tilespmem:$0x10680] =	vst v63  }
0x8d: {  	s26 =	simm.s32 @!p0 $0x3680  }
0x8e: {  	[tilespmem:s26], [sflag:$0x1] =	stream.indirect_vreg.gather @!p0 [hbm4b:s6+s8], $0x80, v3, vm1, $0xb8;
	[tilespmem:$0x10680] =	vst v63  }
0x8f: {  	s26 =	simm.s32 @!p0 $0x3E80  }
0x90: {  	[tilespmem:s26], [sflag:$0x1] =	stream.indirect_vreg.gather @!p0 [hbm4b:s7+s8], $0x80, v3, vm1, $0xb8;
	[tilespmem:$0x10680] =	vst v63  }
0x91: {  	v3 =	vld @!p0 [tilespmem:s28+$0xFFFFFFE0];
	_ =	sdelay $0x4  }
0x92: {  	v7 =	vshll.u32 @!p0 v3, $0x3  }
0x93: {  	v3 =	vand.u32 @!p0 $0x7, v3;
	v7 =	vand.u32 @!p0 $0xFFFFFFC0, v7  }
0x94: {  	v3 =	vor.u32 @!p0 v3, v7  }
0x95: {  	v4 =	vperm.xlane @!p0 v3, v4;
	_ =	sdelay $0x1  }
0x96: {  	v4 =	vadd.s32 @!p0 v6, v4;
	_ =	sdelay $0x3  }
0x97: {  	s26 =	simm.s32 @!p0 $0x4680  }
0x98: {  	[tilespmem:s26], [sflag:$0x1] =	stream.indirect_vreg.gather @!p0 [hbm4b:s3+s8], $0x80, v4, vm1, $0xb8;
	[tilespmem:$0x10680] =	vst v63  }
0x99: {  	v3 =	vperm.xlane @!p0 v3, v5;
	s26 =	simm.s32 @!p0 $0x4E80  }
0x9a: {  	[tilespmem:s26], [sflag:$0x1] =	stream.indirect_vreg.gather @!p0 [hbm4b:s5+s8], $0x80, v4, vm1, $0xb8;
	[tilespmem:$0x10680] =	vst v63  }
0x9b: {  	v3 =	vadd.s32 @!p0 v6, v3;
	s26 =	simm.s32 @!p0 $0x5680  }
0x9c: {  	[tilespmem:s26], [sflag:$0x1] =	stream.indirect_vreg.gather @!p0 [hbm4b:s6+s8], $0x80, v4, vm1, $0xb8;
	[tilespmem:$0x10680] =	vst v63  }
0x9d: {  	s26 =	simm.s32 @!p0 $0x5E80  }
0x9e: {  	[tilespmem:s26], [sflag:$0x1] =	stream.indirect_vreg.gather @!p0 [hbm4b:s7+s8], $0x80, v4, vm1, $0xb8;
	[tilespmem:$0x10680] =	vst v63  }
0x9f: {  	s26 =	simm.s32 @!p0 $0x6680  }
0xa0: {  	[tilespmem:s26], [sflag:$0x1] =	stream.indirect_vreg.gather @!p0 [hbm4b:s3+s8], $0x80, v3, vm1, $0xb8;
	[tilespmem:$0x10680] =	vst v63  }
0xa1: {  	s26 =	simm.s32 @!p0 $0x6E80  }
0xa2: {  	[tilespmem:s26], [sflag:$0x1] =	stream.indirect_vreg.gather @!p0 [hbm4b:s5+s8], $0x80, v3, vm1, $0xb8;
	[tilespmem:$0x10680] =	vst v63  }
0xa3: {  	s26 =	simm.s32 @!p0 $0x7680  }
0xa4: {  	[tilespmem:s26], [sflag:$0x1] =	stream.indirect_vreg.gather @!p0 [hbm4b:s6+s8], $0x80, v3, vm1, $0xb8;
	[tilespmem:$0x10680] =	vst v63  }
0xa5: {  	s26 =	simm.s32 @!p0 $0x7E80  }
0xa6: {  	[tilespmem:s26], [sflag:$0x1] =	stream.indirect_vreg.gather @!p0 [hbm4b:s7+s8], $0x80, v3, vm1, $0xb8;
	[tilespmem:$0x10680] =	vst v63  }
0xa7: {  	_ =	swait.ge [sflag:s25], $0x8000  }
0xa8: {  	[sflag:s25] =	ssyncset.done $0x0  }
.Ltmp2:
0xa9: {  	s26 =	sadd.s32 s4, s9;
	[sflag:s25] =	ssyncadd.s32 $0xFFFF8000;
	(pc) =	sbr.rel @p0 .LBB2_4-.Ltmp2, $4  }
0xaa: {  	[hbm4b:s26+s2] =	stream.linear.scatter [tilespmem:s29], [sflag:$0x3], $0x8000, $0x38;
	[tilespmem:$0x10680] =	vst v63  }
0xab: {  	_ =	swait.ge [sflag:s11], $0x8000  }
0xac: {  	[sflag:s11] =	ssyncset.done $0x0  }
0xad: {  	[sflag:s11] =	ssyncadd.s32 $0xFFFF8000  }
0xae: {  	v3 =	vld [tilespmem:s28+$0xFFFFFFF0];
	_ =	sdelay $0x4  }
0xaf: {  	v4 =	vshll.u32 v3, $0x3  }
0xb0: {  	v3 =	vand.u32 $0x7, v3;
	v4 =	vand.u32 $0xFFFFFFC0, v4  }
0xb1: {  	v3 =	vor.u32 v3, v4  }
0xb2: {  	v4 =	vperm.xlane v3, v0;
	_ =	sdelay $0x1  }
0xb3: {  	v4 =	vadd.s32 v1, v4;
	_ =	sdelay $0x4  }
0xb4: {  	[tilespmem:s29], [sflag:$0x2] =	stream.indirect_vreg.gather [hbm4b:s3+s2], $0x80, v4, vm0, $0xb8;
	[tilespmem:$0x10680] =	vst v63  }
0xb5: {  	v3 =	vperm.xlane v3, v2  }
0xb6: {  	[tilespmem:s30], [sflag:$0x2] =	stream.indirect_vreg.gather [hbm4b:s5+s2], $0x80, v4, vm0, $0xb8;
	[tilespmem:$0x10680] =	vst v63  }
0xb7: {  	v3 =	vadd.s32 v1, v3  }
0xb8: {  	[tilespmem:s31], [sflag:$0x2] =	stream.indirect_vreg.gather [hbm4b:s6+s2], $0x80, v4, vm0, $0xb8;
	[tilespmem:$0x10680] =	vst v63  }
0xb9: {  	_ = 	snop  }
0xba: {  	[tilespmem:s0], [sflag:$0x2] =	stream.indirect_vreg.gather [hbm4b:s7+s2], $0x80, v4, vm0, $0xb8;
	[tilespmem:$0x10680] =	vst v63  }
0xbb: {  	_ = 	snop  }
0xbc: {  	[tilespmem:s1], [sflag:$0x2] =	stream.indirect_vreg.gather [hbm4b:s3+s2], $0x80, v3, vm0, $0xb8;
	[tilespmem:$0x10680] =	vst v63  }
0xbd: {  	_ = 	snop  }
0xbe: {  	[tilespmem:s13], [sflag:$0x2] =	stream.indirect_vreg.gather [hbm4b:s5+s2], $0x80, v3, vm0, $0xb8;
	[tilespmem:$0x10680] =	vst v63  }
0xbf: {  	_ = 	snop  }
0xc0: {  	[tilespmem:s14], [sflag:$0x2] =	stream.indirect_vreg.gather [hbm4b:s6+s2], $0x80, v3, vm0, $0xb8;
	[tilespmem:$0x10680] =	vst v63  }
0xc1: {  	_ = 	snop  }
0xc2: {  	[tilespmem:s15], [sflag:$0x2] =	stream.indirect_vreg.gather [hbm4b:s7+s2], $0x80, v3, vm0, $0xb8;
	[tilespmem:$0x10680] =	vst v63  }
0xc3: {  	v3 =	vld [tilespmem:s28+$0x0];
	_ =	sdelay $0x4  }
0xc4: {  	v63 =	vshll.u32 v3, $0x3  }
0xc5: {  	v3 =	vand.u32 $0x7, v3;
	v4 =	vand.u32 $0xFFFFFFC0, v63  }
0xc6: {  	v3 =	vor.u32 v3, v4  }
0xc7: {  	v4 =	vperm.xlane v3, v0;
	_ =	sdelay $0x1  }
0xc8: {  	v4 =	vadd.s32 v1, v4;
	_ =	sdelay $0x4  }
0xc9: {  	[tilespmem:s16], [sflag:$0x2] =	stream.indirect_vreg.gather [hbm4b:s3+s2], $0x80, v4, vm0, $0xb8;
	[tilespmem:$0x10680] =	vst v63  }
0xca: {  	v3 =	vperm.xlane v3, v2  }
0xcb: {  	[tilespmem:s17], [sflag:$0x2] =	stream.indirect_vreg.gather [hbm4b:s5+s2], $0x80, v4, vm0, $0xb8;
	[tilespmem:$0x10680] =	vst v63  }
0xcc: {  	v3 =	vadd.s32 v1, v3  }
0xcd: {  	[tilespmem:s18], [sflag:$0x2] =	stream.indirect_vreg.gather [hbm4b:s6+s2], $0x80, v4, vm0, $0xb8;
	[tilespmem:$0x10680] =	vst v63  }
0xce: {  	_ = 	snop  }
0xcf: {  	[tilespmem:s19], [sflag:$0x2] =	stream.indirect_vreg.gather [hbm4b:s7+s2], $0x80, v4, vm0, $0xb8;
	[tilespmem:$0x10680] =	vst v63  }
0xd0: {  	_ = 	snop  }
0xd1: {  	[tilespmem:s20], [sflag:$0x2] =	stream.indirect_vreg.gather [hbm4b:s3+s2], $0x80, v3, vm0, $0xb8;
	[tilespmem:$0x10680] =	vst v63  }
0xd2: {  	_ = 	snop  }
0xd3: {  	[tilespmem:s21], [sflag:$0x2] =	stream.indirect_vreg.gather [hbm4b:s5+s2], $0x80, v3, vm0, $0xb8;
	[tilespmem:$0x10680] =	vst v63  }
.Ltmp3:
0xd4: {  	_ = 	snop;
	(pc) =	sbr.rel .LBB2_2-.Ltmp3, $4  }
0xd5: {  	_ = 	snop  }
0xd6: {  	[tilespmem:s22], [sflag:$0x2] =	stream.indirect_vreg.gather [hbm4b:s6+s2], $0x80, v3, vm0, $0xb8;
	[tilespmem:$0x10680] =	vst v63  }
0xd7: {  	s4 =	sadd.s32 $0x2000, s4;
	s28 =	sadd.s32 $0x40, s28  }
0xd8: {  	[tilespmem:s23], [sflag:$0x2] =	stream.indirect_vreg.gather [hbm4b:s7+s2], $0x80, v3, vm0, $0xb8;
	[tilespmem:$0x10680] =	vst v63  }
.LBB2_5:
0xd9: {  	_ =	sfence.sel $0x180000  }
0xda: {  	[bflag:$0x0] =	sbarrier.arrive $0xFFFF  }
0xdb: {  	_ =	strace $0x9000004A  }
0xdc: {  	s0 =	stileid.u32;
	[bflag:$0x2] =	sbarrier.arrive $0xFFFF  }
0xdd: {  	p0 =	sne.s32 s0, $0x0;
	s0 =	rddreg [dreg:$0x1]  }
0xde: {  	s0 =	sadd.s32 @!p0 $0x100000, s0  }
0xdf: {  	[sflag:s0] =	ssyncadd.tile.s32 @!p0 $0x1;
	_ =	shalt  }
.Lfunc_end2:
_tile_overlayer_lowered:
.L_overlay_start_2:
0xe0: {  	(tag) =	ssettag $0x2  }
0xe1: {  	s0 =	rddreg [dreg:$0x0];
	s2 =	stileid.u32  }
0xe2: {  	s1 =	rddreg [dreg:$0x1];
	p0 =	sne.s32 s2, $0x0  }
0xe3: {  	s3 =	rddreg [dreg:$0x2];
	[bflag:$0x3] =	sbarrier.arrive $0xFFFF;
	s2 =	simm.s32 @!p0 $0x1C03  }
0xe4: {  	[timem:s3], [sflag:s2] =	dma.local @!p0 [hbm:s0], s1  }
0xe5: {  	s0 =	simm.s32 @!p0 $0x3  }
0xe6: {  	_ =	swait.ge @!p0 [sflag:s0], s1  }
0xe7: {  	s1 =	ssub.s32 @!p0 $0x0, s1;
	[sflag:s0] =	ssyncset.done @!p0 $0x0  }
0xe8: {  	[sflag:s0] =	ssyncadd.s32 @!p0 s1  }
0xe9: {  	[bflag:$0x3] =	sbarrier.arrive $0xFFFF  }
0xea: {  	_ =	shalt  }

// kernel: kernel.15.cloned.1.call-start
scs
__scs_entry_jumppad:
0x0: {  	(pc) =	sbr.rel $0x88, $3  }
0x1: {  	(tag) =	ssettag $0x0;
	lr =	simm.s32 $0x1  }
0x2: {  	[smem:$0x3F9E] =	sst lr;
	_ =	strace $0xD0000000  }
0x3: {  	_ = 	snop  }
0x4: {  	_ = 	snop  }
0x5: {  	_ = 	snop  }
0x6: {  	_ = 	snop  }
0x7: {  	_ = 	snop  }
__scs_overlays_trampoline_lowered:
0x8: {  	[smem:$0x3FAD] =	sst s0  }
0x9: {  	[smem:$0x3FAE] =	sst s1  }
0xa: {  	[smem:$0x3FAF] =	sst s2  }
0xb: {  	[smem:$0x3FB0] =	sst s3  }
0xc: {  	[smem:$0x3FB1] =	sst s4  }
0xd: {  	[smem:$0x3FB2] =	sst s5  }
0xe: {  	[smem:$0x3FB3] =	sst s6  }
0xf: {  	[smem:$0x3FB4] =	sst s7  }
0x10: {  	[smem:$0x3FB5] =	sst s8  }
0x11: {  	[smem:$0x3FB6] =	sst s9;
	s0 =	simm.s32 @!p0 $0x0  }
0x12: {  	s1 =	sld [smem:$0x3F9C];
	s0 =	simm.s32 @p0 $0x1  }
0x13: {  	[smem:$0x3FB7] =	sst s0;
	s0 =	simm.s32 @!p1 $0x0  }
0x14: {  	s2 =	sld [smem:$0x3F9B];
	s0 =	simm.s32 @p1 $0x1  }
0x15: {  	[smem:$0x3FB8] =	sst s0;
	s0 =	simm.s32 @!p2 $0x0  }
0x16: {  	s3 =	sld [smem:$0x3FDB];
	s0 =	simm.s32 @p2 $0x1  }
0x17: {  	s4 =	simm.s32 $0x1BF5;
	[smem:$0x3FBA] =	sst s0  }
0x18: {  	s0 =	sld [smem:$0x3F9D];
	_ =	swait.ge [sflag:s4], $0x0  }
0x19: {  	s7 =	sld [smem:$0x3F9E]  }
0x1a: {  	s8 =	sadd.s32 $0xFFFFE003, lr  }
0x1b: {  	s9 =	sadd.s32 $0xFFFFFEF7, lr;
	s5 =	simm.s32 $0xFFFFFFFF;
	p2 =	slt.u32 s8, $0xFFFFF086  }
0x1c: {  	p1 =	slt.u32 s9, $0xF7A;
	s5 =	simm.s32 @!p2 $0x0  }
0x1d: {  	s5 =	simm.s32 @p1 $0x1;
	p0 =	seq.s32 s7, s2  }
0x1e: {  	s7 =	smul.u32 @!p0 $0xF7A, s2;
	p2 =	seq.s32 @!p0 s5, $0x0  }
0x1f: {  	s9 =	smul.u32 $0xF7A, s1;
	s8 =	simm.s32 @!p0 $0x1BF5;
	p2 =	por !p2, p0  }
0x20: {  	[sflag:s8] =	ssyncset.s32 @!p0 $0xFFFFF086;
	s6 =	sadd.s32 @!p0 s3, s7;
	s7 =	simm.s32 @!p0 $0x108  }
0x21: {  	s3 =	sadd.s32 s3, s9;
	s6 =	sadd.s32 @!p0 $0x88, s6;
	s7 =	simm.s32 @p2 $0x1082  }
0x22: {  	[simem:s7], [sflag:s8] =	dma.local @!p0 [hbm:s6], $0xF7A  }
0x23: {  	s9 =	sor.u32 $0xD0000000, s2;
	s6 =	simm.s32 $0x108;
	_ =	swait.ge @!p0 [sflag:s8], $0x0  }
0x24: {  	s3 =	sadd.s32 $0x88, s3;
	s6 =	simm.s32 @!p1 $0x1082;
	[sflag:s4] =	ssyncset.s32 $0xFFFFF086  }
0x25: {  	[simem:s6], [sflag:s4] =	dma.local [hbm:s3], $0xF7A  }
0x26: {  	[smem:$0x3F9E] =	sst s1;
	(tag) =	ssettag s2;
	_ =	strace s9  }
0x27: {  	s1 =	sld [smem:$0x3FAE]  }
0x28: {  	s2 =	sld [smem:$0x3FAF]  }
0x29: {  	s4 =	sld [smem:$0x3FB1]  }
0x2a: {  	p0 =	seq.s32 s5, $0x0;
	s5 =	sld [smem:$0x3FB2]  }
0x2b: {  	s6 =	sld [smem:$0x3FB3]  }
0x2c: {  	s7 =	sld [smem:$0x3FB4]  }
0x2d: {  	s3 =	simm.s32 $0x108;
	s8 =	sld [smem:$0x3FB5]  }
0x2e: {  	s3 =	simm.s32 @!p0 $0x1082;
	s9 =	sld [smem:$0x3FB6]  }
0x2f: {  	lr =	sadd.s32 s0, s3;
	s0 =	sld [smem:$0x3FAD]  }
0x30: {  	s3 =	sld [smem:$0x3FB0]  }
0x31: {  	[smem:$0x3FB9] =	sst s10  }
0x32: {  	s10 =	sld [smem:$0x3FB7];
	_ =	sdelay $0x3  }
0x33: {  	p0 =	seq.s32 s10, $0x1;
	s10 =	sld [smem:$0x3FB9];
	_ =	sdelay $0x3  }
0x34: {  	[smem:$0x3FB9] =	sst s10  }
0x35: {  	s10 =	sld [smem:$0x3FB8];
	_ =	sdelay $0x3  }
0x36: {  	p1 =	seq.s32 s10, $0x1;
	s10 =	sld [smem:$0x3FB9];
	_ =	sdelay $0x3  }
0x37: {  	[smem:$0x3FB9] =	sst s10  }
0x38: {  	s10 =	sld [smem:$0x3FBA]  }
0x39: {  	_ = 	snop;
	(pc) =	sbr.ind lr, $3  }
0x3a: {  	_ = 	snop  }
0x3b: {  	_ = 	snop  }
0x3c: {  	p2 =	seq.s32 s10, $0x1;
	s10 =	sld [smem:$0x3FB9]  }
0x3d: {  	_ =	shalt  }
0x3e: {  	_ =	shalt  }
0x3f: {  	_ =	shalt  }
0x40: {  	_ =	shalt  }
0x41: {  	_ =	shalt  }
0x42: {  	_ =	shalt  }
0x43: {  	_ =	shalt  }
0x44: {  	_ =	shalt  }
0x45: {  	_ =	shalt  }
0x46: {  	_ =	shalt  }
0x47: {  	_ =	shalt  }
0x48: {  	_ =	shalt  }
0x49: {  	_ =	shalt  }
0x4a: {  	_ =	shalt  }
0x4b: {  	_ =	shalt  }
0x4c: {  	_ =	shalt  }
0x4d: {  	_ =	shalt  }
0x4e: {  	_ =	shalt  }
0x4f: {  	_ =	shalt  }
0x50: {  	_ =	shalt  }
0x51: {  	_ =	shalt  }
0x52: {  	_ =	shalt  }
0x53: {  	_ =	shalt  }
0x54: {  	_ =	shalt  }
0x55: {  	_ =	shalt  }
0x56: {  	_ =	shalt  }
0x57: {  	_ =	shalt  }
0x58: {  	_ =	shalt  }
0x59: {  	_ =	shalt  }
0x5a: {  	_ =	shalt  }
0x5b: {  	_ =	shalt  }
0x5c: {  	_ =	shalt  }
0x5d: {  	_ =	shalt  }
0x5e: {  	_ =	shalt  }
0x5f: {  	_ =	shalt  }
0x60: {  	_ =	shalt  }
0x61: {  	_ =	shalt  }
0x62: {  	_ =	shalt  }
0x63: {  	_ =	shalt  }
0x64: {  	_ =	shalt  }
0x65: {  	_ =	shalt  }
0x66: {  	_ =	shalt  }
0x67: {  	_ =	shalt  }
0x68: {  	_ =	shalt  }
0x69: {  	_ =	shalt  }
0x6a: {  	_ =	shalt  }
0x6b: {  	_ =	shalt  }
0x6c: {  	_ =	shalt  }
0x6d: {  	_ =	shalt  }
0x6e: {  	_ =	shalt  }
0x6f: {  	_ =	shalt  }
0x70: {  	_ =	shalt  }
0x71: {  	_ =	shalt  }
0x72: {  	_ =	shalt  }
0x73: {  	_ =	shalt  }
0x74: {  	_ =	shalt  }
0x75: {  	_ =	shalt  }
0x76: {  	_ =	shalt  }
0x77: {  	_ =	shalt  }
0x78: {  	_ =	shalt  }
0x79: {  	_ =	shalt  }
0x7a: {  	_ =	shalt  }
0x7b: {  	_ =	shalt  }
0x7c: {  	_ =	shalt  }
0x7d: {  	_ =	shalt  }
0x7e: {  	_ =	shalt  }
0x7f: {  	_ =	shalt  }
0x80: {  	_ =	shalt  }
0x81: {  	_ =	shalt  }
0x82: {  	_ =	shalt  }
0x83: {  	_ =	shalt  }
0x84: {  	_ =	shalt  }
0x85: {  	_ =	shalt  }
0x86: {  	_ =	shalt  }
0x87: {  	_ =	shalt  }
.Lfunc_end0:
.L_simem_size_0:
called_computation.1_lowered:
.L_overlay_start_0:
0x88: {  	s2 =	sld [smem:$0x3FD9]  }
0x89: {  	s3 =	sld [smem:$0x3FFE];
	_ =	sdelay $0x1  }
0x8a: {  	s1 =	srdreg.scid  }
0x8b: {  	s0 =	sand.u32 $0x1, s1  }
0x8c: {  	s17 =	sshll.u32 s0, $0xA;
	s2 =	sadd.s32 s3, s2  }
0x8d: {  	s2 =	sadd.s32 s2, s17  }
0x8e: {  	[smem:$0x3FC5] =	sst s2  }
0x8f: {  	_ = 	snop  }
0x90: {  	(tm) =	ssettm $0x1  }
0x91: {  	s18 =	sld [smem:$0x3FFB];
	_ =	sdelay $0x3  }
0x92: {  	_ =	strace s18  }
0x93: {  	s2 =	sld [smem:$0x3FFC];
	_ =	sdelay $0x3  }
0x94: {  	_ =	strace s2  }
0x95: {  	s2 =	sld [smem:$0x3FFD];
	_ =	sdelay $0x3  }
0x96: {  	_ =	strace s2  }
0x97: {  	_ =	strace $0x8FFFFFFF  }
0x98: {  	s19 =	sld [smem:$0x3FDB];
	_ =	sdelay $0x1  }
0x99: {  	s20 =	simm.s32 $_scs_section_size  }
0x9a: {  	s4 =	simm.s32 $_size__tile_overlayer_lowered;
	s5 =	simm.s32 $_tile_overlayer_lowered  }
0x9b: {  	s6 =	simm.s32 $0x1BFF;
	s21 =	sshll.u32 s5, $0x1;
	s3 =	sadd.s32 s20, s19  }
0x9c: {  	s22 =	simm.s32 $0x0;
	s4 =	sshll.u32 s4, $0x1;
	s5 =	sadd.s32 s21, s3  }
0x9d: {  	[timem:s22], [sflag:s6] =	dma.local [hbm:s5], s4  }
0x9e: {  	_ =	swait.ge [sflag:s6], s4  }
0x9f: {  	s4 =	ssub.s32 $0x0, s4;
	[sflag:s6] =	ssyncset.done $0x0  }
0xa0: {  	[sflag:s6] =	ssyncadd.s32 s4;
	_ =	sdelay $0x1  }
0xa1: {  	s23 =	simm.s32 $0x1B8B  }
0xa2: {  	_ =	swait.ge [sflag:s23], $0x1  }
0xa3: {  	[sflag:s23] =	ssyncset.done $0x0  }
0xa4: {  	[sflag:s23] =	ssyncadd.s32 $0xFFFFFFFF  }
0xa5: {  	s4 =	sld [smem:$0x0]  }
0xa6: {  	s5 =	sand.u32 $0xFFFFFFFE, s1  }
0xa7: {  	p0 =	sne.s32 s1, s5  }
0xa8: {  	s5 =	sshll.u32 @p0 s5, $0xE  }
0xa9: {  	s5 =	sadd.s32 @p0 $0x11B8D, s5;
	s6 =	sshll.u32 @p0 s4, $0x11  }
0xaa: {  	s5 =	sor.u32 @p0 s6, s5  }
0xab: {  	[sflag:s5] =	ssyncadd.remote.s32 @p0 $0x1;
	_ =	sdelay $0x1  }
0xac: {  	s5 =	simm.s32 @p0 $0x1B8D  }
0xad: {  	_ =	swait.eq @p0 [sflag:s5], $0x1  }
0xae: {  	[sflag:s5] =	ssyncadd.s32 @p0 $0xFFFFFFFF  }
0xaf: {  	s6 =	sshll.u32 @!p0 s1, $0xE  }
0xb0: {  	s6 =	sor.u32 @!p0 $0x4000, s6;
	s5 =	simm.s32 @!p0 $0x1B8D  }
0xb1: {  	s4 =	sshll.u32 @!p0 s4, $0x11;
	s6 =	sadd.s32 @!p0 $0x11B8D, s6;
	_ =	swait.eq @!p0 [sflag:s5], $0x1  }
0xb2: {  	s4 =	sor.u32 @!p0 s4, s6;
	[sflag:s5] =	ssyncadd.s32 @!p0 $0xFFFFFFFF  }
0xb3: {  	s25 =	simm.s32 $0x1B8E;
	s24 =	sld [smem:$0x3FFE];
	[sflag:s4] =	ssyncadd.remote.s32 @!p0 $0x1  }
0xb4: {  	s26 =	simm.s32 $execute0_lowered;
	[smem:$0x3FD2] =	sst s25  }
0xb5: {  	s5 =	sshll.u32 s26, $0x1;
	_ =	strace $0x8000004C;
	[dreg:$0x1] =	wrdreg $0xFFFFFFFF  }
0xb6: {  	s28 =	simm.s32 $_size_execute0_lowered;
	s3 =	sadd.s32 s3, s5;
	[dreg:$0x0] =	wrdreg $0x0  }
0xb7: {  	s5 =	sshll.u32 s28, $0x1;
	[dreg:$0x2] =	wrdreg s3  }
0xb8: {  	[dreg:$0x3] =	wrdreg s5  }
0xb9: {  	[dreg:$0x4] =	wrdreg $0xC0  }
0xba: {  	_ =	task [dreg:s22], $0x5FFFF  }
0xbb: {  	[dreg:$0x1] =	wrdreg $0xFFFFFFFF  }
0xbc: {  	[dreg:$0x0] =	wrdreg $0x60  }
0xbd: {  	[dreg:$0x2] =	wrdreg s24  }
0xbe: {  	[dreg:$0x3] =	wrdreg $0xA  }
0xbf: {  	_ =	task.clear_ibuf [dreg:s22], $0x4FFFF;
	_ =	strace $0x9000004C  }
0xc0: {  	s29 =	simm.s32 $0xA;
	_ =	strace $0x8000004E  }
0xc1: {  	_ =	swait.ge [sflag:s29], $0x1  }
0xc2: {  	[sflag:s29] =	ssyncadd.s32 $0xFFFFFFFF  }
0xc3: {  	_ =	strace $0x9000004E  }
0xc4: {  	_ =	sfence  }
0xc5: {  	s30 =	sld [smem:$0x0];
	_ =	sdelay $0x2  }
0xc6: {  	s31 =	sshll.u32 s1, $0xD;
	s1 =	sshrl.u32 s1, $0x2  }
0xc7: {  	s4 =	sand.u32 $0x4000, s31;
	s1 =	sadd.s32 s1, s30  }
0xc8: {  	s0 =	sor.u32 s4, s0;
	s1 =	sshll.u32 s1, $0x11  }
0xc9: {  	s0 =	sor.u32 s1, s0  }
0xca: {  	s0 =	sadd.s32 $0x8F2B, s0  }
0xcb: {  	[sflag:s0] =	ssyncadd.remote.s32 $0x1  }
0xcc: {  	_ =	sfence.sel $0xFFFF  }
0xcd: {  	[dreg:$0x0] =	wrdreg $0xFFFFFFFF;
	(pc) =	sbr.abs _section_cstart, $3  }
0xce: {  	[dreg:$0x1] =	wrdreg $0xFFFFFFFF  }
0xcf: {  	_ =	task.clear_ibuf [dreg:s22], $0x2FFFF;
	_ =	strace $0x9FFFFFFF  }
0xd0: {  	(tm) =	ssettm $0x7FFFFFFF  }
0xd1: {  	_ =	shalt  }
tec
execute0_lowered:
.L_overlay_start_1:
0x0: {  	(tag) =	ssettag $0x1  }
0x1: {  	s0 =	rddreg [dreg:$0x0]  }
0x2: {  	s1 =	srdreg.scid;
	s8 =	stileid.u32;
	s2 =	simm.s32 $0x0  }
0x3: {  	s12 =	simm.s32 $0x680;
	s29 =	simm.s32 $0x8680;
	s30 =	simm.s32 $0x8E80  }
0x4: {  	s31 =	simm.s32 $0x9680;
	s13 =	simm.s32 $0xAE80;
	s14 =	simm.s32 $0xB680  }
0x5: {  	s15 =	simm.s32 $0xBE80;
	s16 =	simm.s32 $0xC680;
	s17 =	simm.s32 $0xCE80  }
0x6: {  	s18 =	simm.s32 $0xD680;
	s19 =	simm.s32 $0xDE80;
	s20 =	simm.s32 $0xE680  }
0x7: {  	s21 =	simm.s32 $0xEE80;
	s22 =	simm.s32 $0xF680;
	s7 =	smul.u32 $0x64000, s8  }
0x8: {  	s1 =	sand.u32 $0x1, s1;
	s3 =	sshll.u32 s8, $0x1;
	s8 =	smul.u32 $0x320000, s8  }
0x9: {  	s23 =	simm.s32 $0xFE80;
	[smem:$0x7FF] =	sst s2;
	s11 =	smul.u32 $0x190000, s1  }
0xa: {  	s3 =	sor.u32 s1, s3;
	s5 =	ssub.s32 $0x2, s1;
	s1 =	smul.u32 $0x32000, s1  }
0xb: {  	s10 =	sadd.s32 $0x674000, s0;
	_ =	strace $0x8000004D;
	s4 =	smul.u32 $0xC8, s3  }
0xc: {  	s3 =	sadd.s32 $0xE400, s0;
	s6 =	sshrl.u32 s5, $0x1;
	s24 =	sadd.s32 s7, s10  }
0xd: {  	s7 =	sadd.s32 $0xE700, s0;
	s9 =	ssub.s32 s5, s6;
	s5 =	sadd.s32 $0xE500, s0  }
0xe: {  	s6 =	sadd.s32 $0xE600, s0;
	s8 =	sadd.s32 s11, s8;
	s25 =	sadd.s32 s1, s24  }
.Ltmp0:
0xf: {  	s11 =	simm.s32 $0x3;
	s1 =	simm.s32 $0xA680;
	(pc) =	sbr.rel .LBB2_1-.Ltmp0, $4  }
0x10: {  	s24 =	simm.s32 $0x1;
	s4 =	sadd.s32 s4, s0;
	s26 =	sshrl.u32 s8, $0x3  }
0x11: {  	v2 =	vlaneseq.u32;
	s28 =	smax.u32 s9, $0x1;
	s9 =	sadd.s32 $0x1000, s25;
	s0 =	simm.s32 $0x9E80  }
0x12: {  	vm0 =	vmmov $0xffff;
	v1 =	vshrl.u32 v2, $0x3;
	s25 =	simm.s32 $0x2;
	s4 =	sadd.s32 $0x66F200, s4;
	[dreg:$0x3] =	wrdreg s28  }
0x13: {  	v0 =	vand.u32 $0x7, v2;
	v2 =	vor.u32 $0x8, v2;
	v1 =	vmul.u32 $0x8, v1;
	s8 =	simm.s32 $0x0;
	s10 =	sadd.s32 s26, s10;
	[dreg:$0x2] =	wrdreg s4  }
.LBB2_4:
0x14: {  	s8 =	rddreg [dreg:$0x4]  }
0x15: {  	s4 =	rddreg [dreg:$0x3];
	s8 =	sadd.s32 $0x1, s8  }
0x16: {  	p0 =	sne.s32 s8, s4  }
.Ltmp1:
0x17: {  	_ = 	snop;
	(pc) =	sbr.rel @!p0 .LBB2_5-.Ltmp1, $1  }
0x18: {  	_ =	sdelay $0x3  }
.LBB2_1:
0x19: {  	[dreg:$0x4] =	wrdreg s8  }
0x1a: {  	s4 =	rddreg [dreg:$0x2]  }
0x1b: {  	[tilespmem:s2], [sflag:$0x3] =	stream.linear.gather [hbm4b:s4+s2], $0x640, $0x38;
	[tilespmem:$0x10680] =	vst v63  }
0x1c: {  	_ =	swait.ge [sflag:s11], $0x640  }
0x1d: {  	[sflag:s11] =	ssyncset.done $0x0  }
0x1e: {  	[sflag:s11] =	ssyncadd.s32 $0xFFFFF9C0  }
0x1f: {  	v3 =	vld [tilespmem:$0x0];
	_ =	sdelay $0x4  }
0x20: {  	v4 =	vshll.u32 v3, $0x3  }
0x21: {  	v3 =	vand.u32 $0x7, v3;
	v4 =	vand.u32 $0xFFFFFFC0, v4  }
0x22: {  	v3 =	vor.u32 v3, v4  }
0x23: {  	v4 =	vperm.xlane v3, v0;
	_ =	sdelay $0x1  }
0x24: {  	v4 =	vadd.s32 v1, v4;
	_ =	sdelay $0x4  }
0x25: {  	[tilespmem:s12], [sflag:$0x1] =	stream.indirect_vreg.gather [hbm4b:s3+s2], $0x80, v4, vm0, $0xb8;
	[tilespmem:$0x10680] =	vst v63  }
0x26: {  	s26 =	simm.s32 $0xE80;
	v3 =	vperm.xlane v3, v2  }
0x27: {  	[tilespmem:s26], [sflag:$0x1] =	stream.indirect_vreg.gather [hbm4b:s5+s2], $0x80, v4, vm0, $0xb8;
	[tilespmem:$0x10680] =	vst v63  }
0x28: {  	s8 =	simm.s32 $0x1680;
	v3 =	vadd.s32 v1, v3  }
0x29: {  	[tilespmem:s8], [sflag:$0x1] =	stream.indirect_vreg.gather [hbm4b:s6+s2], $0x80, v4, vm0, $0xb8;
	[tilespmem:$0x10680] =	vst v63  }
0x2a: {  	s26 =	simm.s32 $0x1E80  }
0x2b: {  	[tilespmem:s26], [sflag:$0x1] =	stream.indirect_vreg.gather [hbm4b:s7+s2], $0x80, v4, vm0, $0xb8;
	[tilespmem:$0x10680] =	vst v63  }
0x2c: {  	s8 =	simm.s32 $0x2680  }
0x2d: {  	[tilespmem:s8], [sflag:$0x1] =	stream.indirect_vreg.gather [hbm4b:s3+s2], $0x80, v3, vm0, $0xb8;
	[tilespmem:$0x10680] =	vst v63  }
0x2e: {  	s26 =	simm.s32 $0x2E80  }
0x2f: {  	[tilespmem:s26], [sflag:$0x1] =	stream.indirect_vreg.gather [hbm4b:s5+s2], $0x80, v3, vm0, $0xb8;
	[tilespmem:$0x10680] =	vst v63  }
0x30: {  	s8 =	simm.s32 $0x3680  }
0x31: {  	[tilespmem:s8], [sflag:$0x1] =	stream.indirect_vreg.gather [hbm4b:s6+s2], $0x80, v3, vm0, $0xb8;
	[tilespmem:$0x10680] =	vst v63  }
0x32: {  	s26 =	simm.s32 $0x3E80  }
0x33: {  	[tilespmem:s26], [sflag:$0x1] =	stream.indirect_vreg.gather [hbm4b:s7+s2], $0x80, v3, vm0, $0xb8;
	[tilespmem:$0x10680] =	vst v63  }
0x34: {  	v3 =	vld [tilespmem:$0x10];
	_ =	sdelay $0x4  }
0x35: {  	v61 =	vshll.u32 v3, $0x3  }
0x36: {  	v3 =	vand.u32 $0x7, v3;
	v4 =	vand.u32 $0xFFFFFFC0, v61  }
0x37: {  	v3 =	vor.u32 v3, v4  }
0x38: {  	v4 =	vperm.xlane v3, v0;
	_ =	sdelay $0x1  }
0x39: {  	v4 =	vadd.s32 v1, v4;
	_ =	sdelay $0x3  }
0x3a: {  	s8 =	simm.s32 $0x4680  }
0x3b: {  	[tilespmem:s8], [sflag:$0x1] =	stream.indirect_vreg.gather [hbm4b:s3+s2], $0x80, v4, vm0, $0xb8;
	[tilespmem:$0x10680] =	vst v63  }
0x3c: {  	s26 =	simm.s32 $0x4E80;
	v3 =	vperm.xlane v3, v2  }
0x3d: {  	[tilespmem:s26], [sflag:$0x1] =	stream.indirect_vreg.gather [hbm4b:s5+s2], $0x80, v4, vm0, $0xb8;
	[tilespmem:$0x10680] =	vst v63  }
0x3e: {  	v3 =	vadd.s32 v1, v3;
	s8 =	simm.s32 $0x5680  }
0x3f: {  	[tilespmem:s8], [sflag:$0x1] =	stream.indirect_vreg.gather [hbm4b:s6+s2], $0x80, v4, vm0, $0xb8;
	[tilespmem:$0x10680] =	vst v63  }
0x40: {  	s26 =	simm.s32 $0x5E80  }
0x41: {  	[tilespmem:s26], [sflag:$0x1] =	stream.indirect_vreg.gather [hbm4b:s7+s2], $0x80, v4, vm0, $0xb8;
	[tilespmem:$0x10680] =	vst v63  }
0x42: {  	s8 =	simm.s32 $0x6680  }
0x43: {  	[tilespmem:s8], [sflag:$0x1] =	stream.indirect_vreg.gather [hbm4b:s3+s2], $0x80, v3, vm0, $0xb8;
	[tilespmem:$0x10680] =	vst v63  }
0x44: {  	s26 =	simm.s32 $0x6E80  }
0x45: {  	[tilespmem:s26], [sflag:$0x1] =	stream.indirect_vreg.gather [hbm4b:s5+s2], $0x80, v3, vm0, $0xb8;
	[tilespmem:$0x10680] =	vst v63  }
0x46: {  	s8 =	simm.s32 $0x7680  }
0x47: {  	[tilespmem:s8], [sflag:$0x1] =	stream.indirect_vreg.gather [hbm4b:s6+s2], $0x80, v3, vm0, $0xb8;
	[tilespmem:$0x10680] =	vst v63  }
0x48: {  	s26 =	simm.s32 $0x7E80  }
0x49: {  	[tilespmem:s26], [sflag:$0x1] =	stream.indirect_vreg.gather [hbm4b:s7+s2], $0x80, v3, vm0, $0xb8;
	[tilespmem:$0x10680] =	vst v63  }
0x4a: {  	v3 =	vld [tilespmem:$0x20];
	_ =	sdelay $0x4  }
0x4b: {  	v62 =	vshll.u32 v3, $0x3  }
0x4c: {  	v3 =	vand.u32 $0x7, v3;
	v4 =	vand.u32 $0xFFFFFFC0, v62  }
0x4d: {  	v3 =	vor.u32 v3, v4  }
0x4e: {  	v4 =	vperm.xlane v3, v0;
	_ =	sdelay $0x1  }
0x4f: {  	v4 =	vadd.s32 v1, v4;
	_ =	sdelay $0x4  }
0x50: {  	[tilespmem:s29], [sflag:$0x2] =	stream.indirect_vreg.gather [hbm4b:s3+s2], $0x80, v4, vm0, $0xb8;
	[tilespmem:$0x10680] =	vst v63  }
0x51: {  	v3 =	vperm.xlane v3, v2  }
0x52: {  	[tilespmem:s30], [sflag:$0x2] =	stream.indirect_vreg.gather [hbm4b:s5+s2], $0x80, v4, vm0, $0xb8;
	[tilespmem:$0x10680] =	vst v63  }
0x53: {  	v3 =	vadd.s32 v1, v3  }
0x54: {  	[tilespmem:s31], [sflag:$0x2] =	stream.indirect_vreg.gather [hbm4b:s6+s2], $0x80, v4, vm0, $0xb8;
	[tilespmem:$0x10680] =	vst v63  }
0x55: {  	_ = 	snop  }
0x56: {  	[tilespmem:s0], [sflag:$0x2] =	stream.indirect_vreg.gather [hbm4b:s7+s2], $0x80, v4, vm0, $0xb8;
	[tilespmem:$0x10680] =	vst v63  }
0x57: {  	_ = 	snop  }
0x58: {  	[tilespmem:s1], [sflag:$0x2] =	stream.indirect_vreg.gather [hbm4b:s3+s2], $0x80, v3, vm0, $0xb8;
	[tilespmem:$0x10680] =	vst v63  }
0x59: {  	_ = 	snop  }
0x5a: {  	[tilespmem:s13], [sflag:$0x2] =	stream.indirect_vreg.gather [hbm4b:s5+s2], $0x80, v3, vm0, $0xb8;
	[tilespmem:$0x10680] =	vst v63  }
0x5b: {  	_ = 	snop  }
0x5c: {  	[tilespmem:s14], [sflag:$0x2] =	stream.indirect_vreg.gather [hbm4b:s6+s2], $0x80, v3, vm0, $0xb8;
	[tilespmem:$0x10680] =	vst v63  }
0x5d: {  	_ = 	snop  }
0x5e: {  	[tilespmem:s15], [sflag:$0x2] =	stream.indirect_vreg.gather [hbm4b:s7+s2], $0x80, v3, vm0, $0xb8;
	[tilespmem:$0x10680] =	vst v63  }
0x5f: {  	v3 =	vld [tilespmem:$0x30];
	_ =	sdelay $0x4  }
0x60: {  	v63 =	vshll.u32 v3, $0x3  }
0x61: {  	v3 =	vand.u32 $0x7, v3;
	v4 =	vand.u32 $0xFFFFFFC0, v63  }
0x62: {  	v3 =	vor.u32 v3, v4  }
0x63: {  	v4 =	vperm.xlane v3, v0;
	_ =	sdelay $0x1  }
0x64: {  	v4 =	vadd.s32 v1, v4;
	_ =	sdelay $0x4  }
0x65: {  	[tilespmem:s16], [sflag:$0x2] =	stream.indirect_vreg.gather [hbm4b:s3+s2], $0x80, v4, vm0, $0xb8;
	[tilespmem:$0x10680] =	vst v63  }
0x66: {  	v3 =	vperm.xlane v3, v2  }
0x67: {  	[tilespmem:s17], [sflag:$0x2] =	stream.indirect_vreg.gather [hbm4b:s5+s2], $0x80, v4, vm0, $0xb8;
	[tilespmem:$0x10680] =	vst v63  }
0x68: {  	v3 =	vadd.s32 v1, v3  }
0x69: {  	[tilespmem:s18], [sflag:$0x2] =	stream.indirect_vreg.gather [hbm4b:s6+s2], $0x80, v4, vm0, $0xb8;
	[tilespmem:$0x10680] =	vst v63  }
0x6a: {  	_ = 	snop  }
0x6b: {  	[tilespmem:s19], [sflag:$0x2] =	stream.indirect_vreg.gather [hbm4b:s7+s2], $0x80, v4, vm0, $0xb8;
	[tilespmem:$0x10680] =	vst v63  }
0x6c: {  	_ = 	snop  }
0x6d: {  	[tilespmem:s20], [sflag:$0x2] =	stream.indirect_vreg.gather [hbm4b:s3+s2], $0x80, v3, vm0, $0xb8;
	[tilespmem:$0x10680] =	vst v63  }
0x6e: {  	_ = 	snop  }
0x6f: {  	[tilespmem:s21], [sflag:$0x2] =	stream.indirect_vreg.gather [hbm4b:s5+s2], $0x80, v3, vm0, $0xb8;
	[tilespmem:$0x10680] =	vst v63  }
0x70: {  	_ = 	snop  }
0x71: {  	[tilespmem:s22], [sflag:$0x2] =	stream.indirect_vreg.gather [hbm4b:s6+s2], $0x80, v3, vm0, $0xb8;
	[tilespmem:$0x10680] =	vst v63  }
0x72: {  	s28 =	simm.s32 $0x70;
	s4 =	simm.s32 $0x0  }
0x73: {  	[tilespmem:s23], [sflag:$0x2] =	stream.indirect_vreg.gather [hbm4b:s7+s2], $0x80, v3, vm0, $0xb8;
	[tilespmem:$0x10680] =	vst v63  }
.LBB2_2:
0x74: {  	_ =	swait.ge [sflag:s24], $0x8000  }
0x75: {  	[sflag:s24] =	ssyncset.done $0x0  }
0x76: {  	s8 =	sadd.s32 s4, s10;
	[sflag:s24] =	ssyncadd.s32 $0xFFFF8000  }
0x77: {  	[hbm4b:s8+s2] =	stream.linear.scatter [tilespmem:s12], [sflag:$0x3], $0x8000, $0x38;
	[tilespmem:$0x10680] =	vst v63  }
0x78: {  	_ =	swait.ge [sflag:s11], $0x8000  }
0x79: {  	[sflag:s11] =	ssyncset.done $0x0  }
0x7a: {  	p0 =	seq.s32 s4, $0x30000;
	[sflag:s11] =	ssyncadd.s32 $0xFFFF8000  }
0x7b: {  	v3 =	vld @!p0 [tilespmem:s28+$0xFFFFFFD0];
	_ =	sdelay $0x4  }
0x7c: {  	v4 =	vshll.u32 @!p0 v3, $0x3  }
0x7d: {  	v5 =	vlaneseq.u32 @!p0;
	v3 =	vand.u32 @!p0 $0x7, v3;
	v4 =	vand.u32 @!p0 $0xFFFFFFC0, v4  }
0x7e: {  	v6 =	vshrl.u32 @!p0 v5, $0x3;
	v3 =	vor.u32 @!p0 v3, v4;
	v4 =	vand.u32 @!p0 $0x7, v5  }
0x7f: {  	v6 =	vmul.u32 @!p0 $0x8, v6;
	v7 =	vperm.xlane @!p0 v3, v4;
	_ =	sdelay $0x1  }
0x80: {  	v7 =	vadd.s32 @!p0 v6, v7;
	_ =	sdelay $0x3  }
0x81: {  	vm1 =	vmmov @!p0 $0xffff;
	s26 =	simm.s32 @!p0 $0x680;
	s8 =	simm.s32 @!p0 $0x0  }
0x82: {  	v5 =	vor.u32 @!p0 $0x8, v5;
	[tilespmem:s26], [sflag:$0x1] =	stream.indirect_vreg.gather @!p0 [hbm4b:s3+s8], $0x80, v7, vm1, $0xb8;
	[tilespmem:$0x10680] =	vst v63  }
0x83: {  	v3 =	vperm.xlane @!p0 v3, v5;
	s26 =	simm.s32 @!p0 $0xE80  }
0x84: {  	[tilespmem:s26], [sflag:$0x1] =	stream.indirect_vreg.gather @!p0 [hbm4b:s5+s8], $0x80, v7, vm1, $0xb8;
	[tilespmem:$0x10680] =	vst v63  }
0x85: {  	v3 =	vadd.s32 @!p0 v6, v3;
	s26 =	simm.s32 @!p0 $0x1680  }
0x86: {  	[tilespmem:s26], [sflag:$0x1] =	stream.indirect_vreg.gather @!p0 [hbm4b:s6+s8], $0x80, v7, vm1, $0xb8;
	[tilespmem:$0x10680] =	vst v63  }
0x87: {  	s26 =	simm.s32 @!p0 $0x1E80  }
0x88: {  	[tilespmem:s26], [sflag:$0x1] =	stream.indirect_vreg.gather @!p0 [hbm4b:s7+s8], $0x80, v7, vm1, $0xb8;
	[tilespmem:$0x10680] =	vst v63  }
0x89: {  	s26 =	simm.s32 @!p0 $0x2680  }
0x8a: {  	[tilespmem:s26], [sflag:$0x1] =	stream.indirect_vreg.gather @!p0 [hbm4b:s3+s8], $0x80, v3, vm1, $0xb8;
	[tilespmem:$0x10680] =	vst v63  }
0x8b: {  	s26 =	simm.s32 @!p0 $0x2E80  }
0x8c: {  	[tilespmem:s26], [sflag:$0x1] =	stream.indirect_vreg.gather @!p0 [hbm4b:s5+s8], $0x80, v3, vm1, $0xb8;
	[tilespmem:$0x10680] =	vst v63  }
0x8d: {  	s26 =	simm.s32 @!p0 $0x3680  }
0x8e: {  	[tilespmem:s26], [sflag:$0x1] =	stream.indirect_vreg.gather @!p0 [hbm4b:s6+s8], $0x80, v3, vm1, $0xb8;
	[tilespmem:$0x10680] =	vst v63  }
0x8f: {  	s26 =	simm.s32 @!p0 $0x3E80  }
0x90: {  	[tilespmem:s26], [sflag:$0x1] =	stream.indirect_vreg.gather @!p0 [hbm4b:s7+s8], $0x80, v3, vm1, $0xb8;
	[tilespmem:$0x10680] =	vst v63  }
0x91: {  	v3 =	vld @!p0 [tilespmem:s28+$0xFFFFFFE0];
	_ =	sdelay $0x4  }
0x92: {  	v7 =	vshll.u32 @!p0 v3, $0x3  }
0x93: {  	v3 =	vand.u32 @!p0 $0x7, v3;
	v7 =	vand.u32 @!p0 $0xFFFFFFC0, v7  }
0x94: {  	v3 =	vor.u32 @!p0 v3, v7  }
0x95: {  	v4 =	vperm.xlane @!p0 v3, v4;
	_ =	sdelay $0x1  }
0x96: {  	v4 =	vadd.s32 @!p0 v6, v4;
	_ =	sdelay $0x3  }
0x97: {  	s26 =	simm.s32 @!p0 $0x4680  }
0x98: {  	[tilespmem:s26], [sflag:$0x1] =	stream.indirect_vreg.gather @!p0 [hbm4b:s3+s8], $0x80, v4, vm1, $0xb8;
	[tilespmem:$0x10680] =	vst v63  }
0x99: {  	v3 =	vperm.xlane @!p0 v3, v5;
	s26 =	simm.s32 @!p0 $0x4E80  }
0x9a: {  	[tilespmem:s26], [sflag:$0x1] =	stream.indirect_vreg.gather @!p0 [hbm4b:s5+s8], $0x80, v4, vm1, $0xb8;
	[tilespmem:$0x10680] =	vst v63  }
0x9b: {  	v3 =	vadd.s32 @!p0 v6, v3;
	s26 =	simm.s32 @!p0 $0x5680  }
0x9c: {  	[tilespmem:s26], [sflag:$0x1] =	stream.indirect_vreg.gather @!p0 [hbm4b:s6+s8], $0x80, v4, vm1, $0xb8;
	[tilespmem:$0x10680] =	vst v63  }
0x9d: {  	s26 =	simm.s32 @!p0 $0x5E80  }
0x9e: {  	[tilespmem:s26], [sflag:$0x1] =	stream.indirect_vreg.gather @!p0 [hbm4b:s7+s8], $0x80, v4, vm1, $0xb8;
	[tilespmem:$0x10680] =	vst v63  }
0x9f: {  	s26 =	simm.s32 @!p0 $0x6680  }
0xa0: {  	[tilespmem:s26], [sflag:$0x1] =	stream.indirect_vreg.gather @!p0 [hbm4b:s3+s8], $0x80, v3, vm1, $0xb8;
	[tilespmem:$0x10680] =	vst v63  }
0xa1: {  	s26 =	simm.s32 @!p0 $0x6E80  }
0xa2: {  	[tilespmem:s26], [sflag:$0x1] =	stream.indirect_vreg.gather @!p0 [hbm4b:s5+s8], $0x80, v3, vm1, $0xb8;
	[tilespmem:$0x10680] =	vst v63  }
0xa3: {  	s26 =	simm.s32 @!p0 $0x7680  }
0xa4: {  	[tilespmem:s26], [sflag:$0x1] =	stream.indirect_vreg.gather @!p0 [hbm4b:s6+s8], $0x80, v3, vm1, $0xb8;
	[tilespmem:$0x10680] =	vst v63  }
0xa5: {  	s26 =	simm.s32 @!p0 $0x7E80  }
0xa6: {  	[tilespmem:s26], [sflag:$0x1] =	stream.indirect_vreg.gather @!p0 [hbm4b:s7+s8], $0x80, v3, vm1, $0xb8;
	[tilespmem:$0x10680] =	vst v63  }
0xa7: {  	_ =	swait.ge [sflag:s25], $0x8000  }
0xa8: {  	[sflag:s25] =	ssyncset.done $0x0  }
.Ltmp2:
0xa9: {  	s26 =	sadd.s32 s4, s9;
	[sflag:s25] =	ssyncadd.s32 $0xFFFF8000;
	(pc) =	sbr.rel @p0 .LBB2_4-.Ltmp2, $4  }
0xaa: {  	[hbm4b:s26+s2] =	stream.linear.scatter [tilespmem:s29], [sflag:$0x3], $0x8000, $0x38;
	[tilespmem:$0x10680] =	vst v63  }
0xab: {  	_ =	swait.ge [sflag:s11], $0x8000  }
0xac: {  	[sflag:s11] =	ssyncset.done $0x0  }
0xad: {  	[sflag:s11] =	ssyncadd.s32 $0xFFFF8000  }
0xae: {  	v3 =	vld [tilespmem:s28+$0xFFFFFFF0];
	_ =	sdelay $0x4  }
0xaf: {  	v4 =	vshll.u32 v3, $0x3  }
0xb0: {  	v3 =	vand.u32 $0x7, v3;
	v4 =	vand.u32 $0xFFFFFFC0, v4  }
0xb1: {  	v3 =	vor.u32 v3, v4  }
0xb2: {  	v4 =	vperm.xlane v3, v0;
	_ =	sdelay $0x1  }
0xb3: {  	v4 =	vadd.s32 v1, v4;
	_ =	sdelay $0x4  }
0xb4: {  	[tilespmem:s29], [sflag:$0x2] =	stream.indirect_vreg.gather [hbm4b:s3+s2], $0x80, v4, vm0, $0xb8;
	[tilespmem:$0x10680] =	vst v63  }
0xb5: {  	v3 =	vperm.xlane v3, v2  }
0xb6: {  	[tilespmem:s30], [sflag:$0x2] =	stream.indirect_vreg.gather [hbm4b:s5+s2], $0x80, v4, vm0, $0xb8;
	[tilespmem:$0x10680] =	vst v63  }
0xb7: {  	v3 =	vadd.s32 v1, v3  }
0xb8: {  	[tilespmem:s31], [sflag:$0x2] =	stream.indirect_vreg.gather [hbm4b:s6+s2], $0x80, v4, vm0, $0xb8;
	[tilespmem:$0x10680] =	vst v63  }
0xb9: {  	_ = 	snop  }
0xba: {  	[tilespmem:s0], [sflag:$0x2] =	stream.indirect_vreg.gather [hbm4b:s7+s2], $0x80, v4, vm0, $0xb8;
	[tilespmem:$0x10680] =	vst v63  }
0xbb: {  	_ = 	snop  }
0xbc: {  	[tilespmem:s1], [sflag:$0x2] =	stream.indirect_vreg.gather [hbm4b:s3+s2], $0x80, v3, vm0, $0xb8;
	[tilespmem:$0x10680] =	vst v63  }
0xbd: {  	_ = 	snop  }
0xbe: {  	[tilespmem:s13], [sflag:$0x2] =	stream.indirect_vreg.gather [hbm4b:s5+s2], $0x80, v3, vm0, $0xb8;
	[tilespmem:$0x10680] =	vst v63  }
0xbf: {  	_ = 	snop  }
0xc0: {  	[tilespmem:s14], [sflag:$0x2] =	stream.indirect_vreg.gather [hbm4b:s6+s2], $0x80, v3, vm0, $0xb8;
	[tilespmem:$0x10680] =	vst v63  }
0xc1: {  	_ = 	snop  }
0xc2: {  	[tilespmem:s15], [sflag:$0x2] =	stream.indirect_vreg.gather [hbm4b:s7+s2], $0x80, v3, vm0, $0xb8;
	[tilespmem:$0x10680] =	vst v63  }
0xc3: {  	v3 =	vld [tilespmem:s28+$0x0];
	_ =	sdelay $0x4  }
0xc4: {  	v63 =	vshll.u32 v3, $0x3  }
0xc5: {  	v3 =	vand.u32 $0x7, v3;
	v4 =	vand.u32 $0xFFFFFFC0, v63  }
0xc6: {  	v3 =	vor.u32 v3, v4  }
0xc7: {  	v4 =	vperm.xlane v3, v0;
	_ =	sdelay $0x1  }
0xc8: {  	v4 =	vadd.s32 v1, v4;
	_ =	sdelay $0x4  }
0xc9: {  	[tilespmem:s16], [sflag:$0x2] =	stream.indirect_vreg.gather [hbm4b:s3+s2], $0x80, v4, vm0, $0xb8;
	[tilespmem:$0x10680] =	vst v63  }
0xca: {  	v3 =	vperm.xlane v3, v2  }
0xcb: {  	[tilespmem:s17], [sflag:$0x2] =	stream.indirect_vreg.gather [hbm4b:s5+s2], $0x80, v4, vm0, $0xb8;
	[tilespmem:$0x10680] =	vst v63  }
0xcc: {  	v3 =	vadd.s32 v1, v3  }
0xcd: {  	[tilespmem:s18], [sflag:$0x2] =	stream.indirect_vreg.gather [hbm4b:s6+s2], $0x80, v4, vm0, $0xb8;
	[tilespmem:$0x10680] =	vst v63  }
0xce: {  	_ = 	snop  }
0xcf: {  	[tilespmem:s19], [sflag:$0x2] =	stream.indirect_vreg.gather [hbm4b:s7+s2], $0x80, v4, vm0, $0xb8;
	[tilespmem:$0x10680] =	vst v63  }
0xd0: {  	_ = 	snop  }
0xd1: {  	[tilespmem:s20], [sflag:$0x2] =	stream.indirect_vreg.gather [hbm4b:s3+s2], $0x80, v3, vm0, $0xb8;
	[tilespmem:$0x10680] =	vst v63  }
0xd2: {  	_ = 	snop  }
0xd3: {  	[tilespmem:s21], [sflag:$0x2] =	stream.indirect_vreg.gather [hbm4b:s5+s2], $0x80, v3, vm0, $0xb8;
	[tilespmem:$0x10680] =	vst v63  }
.Ltmp3:
0xd4: {  	_ = 	snop;
	(pc) =	sbr.rel .LBB2_2-.Ltmp3, $4  }
0xd5: {  	_ = 	snop  }
0xd6: {  	[tilespmem:s22], [sflag:$0x2] =	stream.indirect_vreg.gather [hbm4b:s6+s2], $0x80, v3, vm0, $0xb8;
	[tilespmem:$0x10680] =	vst v63  }
0xd7: {  	s4 =	sadd.s32 $0x2000, s4;
	s28 =	sadd.s32 $0x40, s28  }
0xd8: {  	[tilespmem:s23], [sflag:$0x2] =	stream.indirect_vreg.gather [hbm4b:s7+s2], $0x80, v3, vm0, $0xb8;
	[tilespmem:$0x10680] =	vst v63  }
.LBB2_5:
0xd9: {  	_ =	sfence.sel $0x180000  }
0xda: {  	[bflag:$0x0] =	sbarrier.arrive $0xFFFF  }
0xdb: {  	_ =	strace $0x9000004D  }
0xdc: {  	s0 =	stileid.u32;
	[bflag:$0x2] =	sbarrier.arrive $0xFFFF  }
0xdd: {  	p0 =	sne.s32 s0, $0x0;
	s0 =	rddreg [dreg:$0x1]  }
0xde: {  	s0 =	sadd.s32 @!p0 $0x100000, s0  }
0xdf: {  	[sflag:s0] =	ssyncadd.tile.s32 @!p0 $0x1;
	_ =	shalt  }
.Lfunc_end2:
_tile_overlayer_lowered:
.L_overlay_start_2:
0xe0: {  	(tag) =	ssettag $0x2  }
0xe1: {  	s0 =	rddreg [dreg:$0x0];
	s2 =	stileid.u32  }
0xe2: {  	s1 =	rddreg [dreg:$0x1];
	p0 =	sne.s32 s2, $0x0  }
0xe3: {  	s3 =	rddreg [dreg:$0x2];
	[bflag:$0x3] =	sbarrier.arrive $0xFFFF;
	s2 =	simm.s32 @!p0 $0x1C03  }
0xe4: {  	[timem:s3], [sflag:s2] =	dma.local @!p0 [hbm:s0], s1  }
0xe5: {  	s0 =	simm.s32 @!p0 $0x3  }
0xe6: {  	_ =	swait.ge @!p0 [sflag:s0], s1  }
0xe7: {  	s1 =	ssub.s32 @!p0 $0x0, s1;
	[sflag:s0] =	ssyncset.done @!p0 $0x0  }
0xe8: {  	[sflag:s0] =	ssyncadd.s32 @!p0 s1  }
0xe9: {  	[bflag:$0x3] =	sbarrier.arrive $0xFFFF  }
0xea: {  	_ =	shalt  }

// kernel: kernel.18.cloned.1.call-start
scs
__scs_entry_jumppad:
0x0: {  	(pc) =	sbr.rel $0x88, $3  }
0x1: {  	(tag) =	ssettag $0x0;
	lr =	simm.s32 $0x1  }
0x2: {  	[smem:$0x3F9E] =	sst lr;
	_ =	strace $0xD0000000  }
0x3: {  	_ = 	snop  }
0x4: {  	_ = 	snop  }
0x5: {  	_ = 	snop  }
0x6: {  	_ = 	snop  }
0x7: {  	_ = 	snop  }
__scs_overlays_trampoline_lowered:
0x8: {  	[smem:$0x3FAD] =	sst s0  }
0x9: {  	[smem:$0x3FAE] =	sst s1  }
0xa: {  	[smem:$0x3FAF] =	sst s2  }
0xb: {  	[smem:$0x3FB0] =	sst s3  }
0xc: {  	[smem:$0x3FB1] =	sst s4  }
0xd: {  	[smem:$0x3FB2] =	sst s5  }
0xe: {  	[smem:$0x3FB3] =	sst s6  }
0xf: {  	[smem:$0x3FB4] =	sst s7  }
0x10: {  	[smem:$0x3FB5] =	sst s8  }
0x11: {  	[smem:$0x3FB6] =	sst s9;
	s0 =	simm.s32 @!p0 $0x0  }
0x12: {  	s1 =	sld [smem:$0x3F9C];
	s0 =	simm.s32 @p0 $0x1  }
0x13: {  	[smem:$0x3FB7] =	sst s0;
	s0 =	simm.s32 @!p1 $0x0  }
0x14: {  	s2 =	sld [smem:$0x3F9B];
	s0 =	simm.s32 @p1 $0x1  }
0x15: {  	[smem:$0x3FB8] =	sst s0;
	s0 =	simm.s32 @!p2 $0x0  }
0x16: {  	s3 =	sld [smem:$0x3FDB];
	s0 =	simm.s32 @p2 $0x1  }
0x17: {  	s4 =	simm.s32 $0x1BF5;
	[smem:$0x3FBA] =	sst s0  }
0x18: {  	s0 =	sld [smem:$0x3F9D];
	_ =	swait.ge [sflag:s4], $0x0  }
0x19: {  	s7 =	sld [smem:$0x3F9E]  }
0x1a: {  	s8 =	sadd.s32 $0xFFFFE003, lr  }
0x1b: {  	s9 =	sadd.s32 $0xFFFFFEF7, lr;
	s5 =	simm.s32 $0xFFFFFFFF;
	p2 =	slt.u32 s8, $0xFFFFF086  }
0x1c: {  	p1 =	slt.u32 s9, $0xF7A;
	s5 =	simm.s32 @!p2 $0x0  }
0x1d: {  	s5 =	simm.s32 @p1 $0x1;
	p0 =	seq.s32 s7, s2  }
0x1e: {  	s7 =	smul.u32 @!p0 $0xF7A, s2;
	p2 =	seq.s32 @!p0 s5, $0x0  }
0x1f: {  	s9 =	smul.u32 $0xF7A, s1;
	s8 =	simm.s32 @!p0 $0x1BF5;
	p2 =	por !p2, p0  }
0x20: {  	[sflag:s8] =	ssyncset.s32 @!p0 $0xFFFFF086;
	s6 =	sadd.s32 @!p0 s3, s7;
	s7 =	simm.s32 @!p0 $0x108  }
0x21: {  	s3 =	sadd.s32 s3, s9;
	s6 =	sadd.s32 @!p0 $0x88, s6;
	s7 =	simm.s32 @p2 $0x1082  }
0x22: {  	[simem:s7], [sflag:s8] =	dma.local @!p0 [hbm:s6], $0xF7A  }
0x23: {  	s9 =	sor.u32 $0xD0000000, s2;
	s6 =	simm.s32 $0x108;
	_ =	swait.ge @!p0 [sflag:s8], $0x0  }
0x24: {  	s3 =	sadd.s32 $0x88, s3;
	s6 =	simm.s32 @!p1 $0x1082;
	[sflag:s4] =	ssyncset.s32 $0xFFFFF086  }
0x25: {  	[simem:s6], [sflag:s4] =	dma.local [hbm:s3], $0xF7A  }
0x26: {  	[smem:$0x3F9E] =	sst s1;
	(tag) =	ssettag s2;
	_ =	strace s9  }
0x27: {  	s1 =	sld [smem:$0x3FAE]  }
0x28: {  	s2 =	sld [smem:$0x3FAF]  }
0x29: {  	s4 =	sld [smem:$0x3FB1]  }
0x2a: {  	p0 =	seq.s32 s5, $0x0;
	s5 =	sld [smem:$0x3FB2]  }
0x2b: {  	s6 =	sld [smem:$0x3FB3]  }
0x2c: {  	s7 =	sld [smem:$0x3FB4]  }
0x2d: {  	s3 =	simm.s32 $0x108;
	s8 =	sld [smem:$0x3FB5]  }
0x2e: {  	s3 =	simm.s32 @!p0 $0x1082;
	s9 =	sld [smem:$0x3FB6]  }
0x2f: {  	lr =	sadd.s32 s0, s3;
	s0 =	sld [smem:$0x3FAD]  }
0x30: {  	s3 =	sld [smem:$0x3FB0]  }
0x31: {  	[smem:$0x3FB9] =	sst s10  }
0x32: {  	s10 =	sld [smem:$0x3FB7];
	_ =	sdelay $0x3  }
0x33: {  	p0 =	seq.s32 s10, $0x1;
	s10 =	sld [smem:$0x3FB9];
	_ =	sdelay $0x3  }
0x34: {  	[smem:$0x3FB9] =	sst s10  }
0x35: {  	s10 =	sld [smem:$0x3FB8];
	_ =	sdelay $0x3  }
0x36: {  	p1 =	seq.s32 s10, $0x1;
	s10 =	sld [smem:$0x3FB9];
	_ =	sdelay $0x3  }
0x37: {  	[smem:$0x3FB9] =	sst s10  }
0x38: {  	s10 =	sld [smem:$0x3FBA]  }
0x39: {  	_ = 	snop;
	(pc) =	sbr.ind lr, $3  }
0x3a: {  	_ = 	snop  }
0x3b: {  	_ = 	snop  }
0x3c: {  	p2 =	seq.s32 s10, $0x1;
	s10 =	sld [smem:$0x3FB9]  }
0x3d: {  	_ =	shalt  }
0x3e: {  	_ =	shalt  }
0x3f: {  	_ =	shalt  }
0x40: {  	_ =	shalt  }
0x41: {  	_ =	shalt  }
0x42: {  	_ =	shalt  }
0x43: {  	_ =	shalt  }
0x44: {  	_ =	shalt  }
0x45: {  	_ =	shalt  }
0x46: {  	_ =	shalt  }
0x47: {  	_ =	shalt  }
0x48: {  	_ =	shalt  }
0x49: {  	_ =	shalt  }
0x4a: {  	_ =	shalt  }
0x4b: {  	_ =	shalt  }
0x4c: {  	_ =	shalt  }
0x4d: {  	_ =	shalt  }
0x4e: {  	_ =	shalt  }
0x4f: {  	_ =	shalt  }
0x50: {  	_ =	shalt  }
0x51: {  	_ =	shalt  }
0x52: {  	_ =	shalt  }
0x53: {  	_ =	shalt  }
0x54: {  	_ =	shalt  }
0x55: {  	_ =	shalt  }
0x56: {  	_ =	shalt  }
0x57: {  	_ =	shalt  }
0x58: {  	_ =	shalt  }
0x59: {  	_ =	shalt  }
0x5a: {  	_ =	shalt  }
0x5b: {  	_ =	shalt  }
0x5c: {  	_ =	shalt  }
0x5d: {  	_ =	shalt  }
0x5e: {  	_ =	shalt  }
0x5f: {  	_ =	shalt  }
0x60: {  	_ =	shalt  }
0x61: {  	_ =	shalt  }
0x62: {  	_ =	shalt  }
0x63: {  	_ =	shalt  }
0x64: {  	_ =	shalt  }
0x65: {  	_ =	shalt  }
0x66: {  	_ =	shalt  }
0x67: {  	_ =	shalt  }
0x68: {  	_ =	shalt  }
0x69: {  	_ =	shalt  }
0x6a: {  	_ =	shalt  }
0x6b: {  	_ =	shalt  }
0x6c: {  	_ =	shalt  }
0x6d: {  	_ =	shalt  }
0x6e: {  	_ =	shalt  }
0x6f: {  	_ =	shalt  }
0x70: {  	_ =	shalt  }
0x71: {  	_ =	shalt  }
0x72: {  	_ =	shalt  }
0x73: {  	_ =	shalt  }
0x74: {  	_ =	shalt  }
0x75: {  	_ =	shalt  }
0x76: {  	_ =	shalt  }
0x77: {  	_ =	shalt  }
0x78: {  	_ =	shalt  }
0x79: {  	_ =	shalt  }
0x7a: {  	_ =	shalt  }
0x7b: {  	_ =	shalt  }
0x7c: {  	_ =	shalt  }
0x7d: {  	_ =	shalt  }
0x7e: {  	_ =	shalt  }
0x7f: {  	_ =	shalt  }
0x80: {  	_ =	shalt  }
0x81: {  	_ =	shalt  }
0x82: {  	_ =	shalt  }
0x83: {  	_ =	shalt  }
0x84: {  	_ =	shalt  }
0x85: {  	_ =	shalt  }
0x86: {  	_ =	shalt  }
0x87: {  	_ =	shalt  }
.Lfunc_end0:
.L_simem_size_0:
called_computation.2_lowered:
.L_overlay_start_0:
0x88: {  	s2 =	sld [smem:$0x3FD9]  }
0x89: {  	s3 =	sld [smem:$0x3FFE];
	_ =	sdelay $0x1  }
0x8a: {  	s1 =	srdreg.scid  }
0x8b: {  	s0 =	sand.u32 $0x1, s1  }
0x8c: {  	s17 =	sshll.u32 s0, $0xA;
	s2 =	sadd.s32 s3, s2  }
0x8d: {  	s2 =	sadd.s32 s2, s17  }
0x8e: {  	[smem:$0x3FC5] =	sst s2  }
0x8f: {  	_ = 	snop  }
0x90: {  	(tm) =	ssettm $0x1  }
0x91: {  	s18 =	sld [smem:$0x3FFB];
	_ =	sdelay $0x3  }
0x92: {  	_ =	strace s18  }
0x93: {  	s2 =	sld [smem:$0x3FFC];
	_ =	sdelay $0x3  }
0x94: {  	_ =	strace s2  }
0x95: {  	s2 =	sld [smem:$0x3FFD];
	_ =	sdelay $0x3  }
0x96: {  	_ =	strace s2  }
0x97: {  	_ =	strace $0x8FFFFFFF  }
0x98: {  	s19 =	sld [smem:$0x3FDB];
	_ =	sdelay $0x1  }
0x99: {  	s20 =	simm.s32 $_scs_section_size  }
0x9a: {  	s4 =	simm.s32 $_size__tile_overlayer_lowered;
	s5 =	simm.s32 $_tile_overlayer_lowered  }
0x9b: {  	s6 =	simm.s32 $0x1BFF;
	s21 =	sshll.u32 s5, $0x1;
	s3 =	sadd.s32 s20, s19  }
0x9c: {  	s22 =	simm.s32 $0x0;
	s4 =	sshll.u32 s4, $0x1;
	s5 =	sadd.s32 s21, s3  }
0x9d: {  	[timem:s22], [sflag:s6] =	dma.local [hbm:s5], s4  }
0x9e: {  	_ =	swait.ge [sflag:s6], s4  }
0x9f: {  	s4 =	ssub.s32 $0x0, s4;
	[sflag:s6] =	ssyncset.done $0x0  }
0xa0: {  	[sflag:s6] =	ssyncadd.s32 s4;
	_ =	sdelay $0x1  }
0xa1: {  	s23 =	simm.s32 $0x1B8B  }
0xa2: {  	_ =	swait.ge [sflag:s23], $0x1  }
0xa3: {  	[sflag:s23] =	ssyncset.done $0x0  }
0xa4: {  	[sflag:s23] =	ssyncadd.s32 $0xFFFFFFFF  }
0xa5: {  	s4 =	sld [smem:$0x0]  }
0xa6: {  	s5 =	sand.u32 $0xFFFFFFFE, s1  }
0xa7: {  	p0 =	sne.s32 s1, s5  }
0xa8: {  	s5 =	sshll.u32 @p0 s5, $0xE  }
0xa9: {  	s5 =	sadd.s32 @p0 $0x11B8D, s5;
	s6 =	sshll.u32 @p0 s4, $0x11  }
0xaa: {  	s5 =	sor.u32 @p0 s6, s5  }
0xab: {  	[sflag:s5] =	ssyncadd.remote.s32 @p0 $0x1;
	_ =	sdelay $0x1  }
0xac: {  	s5 =	simm.s32 @p0 $0x1B8D  }
0xad: {  	_ =	swait.eq @p0 [sflag:s5], $0x1  }
0xae: {  	[sflag:s5] =	ssyncadd.s32 @p0 $0xFFFFFFFF  }
0xaf: {  	s6 =	sshll.u32 @!p0 s1, $0xE  }
0xb0: {  	s6 =	sor.u32 @!p0 $0x4000, s6;
	s5 =	simm.s32 @!p0 $0x1B8D  }
0xb1: {  	s4 =	sshll.u32 @!p0 s4, $0x11;
	s6 =	sadd.s32 @!p0 $0x11B8D, s6;
	_ =	swait.eq @!p0 [sflag:s5], $0x1  }
0xb2: {  	s4 =	sor.u32 @!p0 s4, s6;
	[sflag:s5] =	ssyncadd.s32 @!p0 $0xFFFFFFFF  }
0xb3: {  	s25 =	simm.s32 $0x1B8E;
	s24 =	sld [smem:$0x3FFE];
	[sflag:s4] =	ssyncadd.remote.s32 @!p0 $0x1  }
0xb4: {  	s26 =	simm.s32 $execute0_lowered;
	[smem:$0x3FD2] =	sst s25  }
0xb5: {  	s5 =	sshll.u32 s26, $0x1;
	_ =	strace $0x8000004F;
	[dreg:$0x1] =	wrdreg $0xFFFFFFFF  }
0xb6: {  	s28 =	simm.s32 $_size_execute0_lowered;
	s3 =	sadd.s32 s3, s5;
	[dreg:$0x0] =	wrdreg $0x0  }
0xb7: {  	s5 =	sshll.u32 s28, $0x1;
	[dreg:$0x2] =	wrdreg s3  }
0xb8: {  	[dreg:$0x3] =	wrdreg s5  }
0xb9: {  	[dreg:$0x4] =	wrdreg $0xC0  }
0xba: {  	_ =	task [dreg:s22], $0x5FFFF  }
0xbb: {  	[dreg:$0x1] =	wrdreg $0xFFFFFFFF  }
0xbc: {  	[dreg:$0x0] =	wrdreg $0x60  }
0xbd: {  	[dreg:$0x2] =	wrdreg s24  }
0xbe: {  	[dreg:$0x3] =	wrdreg $0xB  }
0xbf: {  	_ =	task.clear_ibuf [dreg:s22], $0x4FFFF;
	_ =	strace $0x9000004F  }
0xc0: {  	s29 =	simm.s32 $0xB;
	_ =	strace $0x80000051  }
0xc1: {  	_ =	swait.ge [sflag:s29], $0x1  }
0xc2: {  	[sflag:s29] =	ssyncadd.s32 $0xFFFFFFFF  }
0xc3: {  	_ =	strace $0x90000051  }
0xc4: {  	_ =	sfence  }
0xc5: {  	s30 =	sld [smem:$0x0];
	_ =	sdelay $0x2  }
0xc6: {  	s31 =	sshll.u32 s1, $0xD;
	s1 =	sshrl.u32 s1, $0x2  }
0xc7: {  	s4 =	sand.u32 $0x4000, s31;
	s1 =	sadd.s32 s1, s30  }
0xc8: {  	s0 =	sor.u32 s4, s0;
	s1 =	sshll.u32 s1, $0x11  }
0xc9: {  	s0 =	sor.u32 s1, s0  }
0xca: {  	s0 =	sadd.s32 $0x8F2B, s0  }
0xcb: {  	[sflag:s0] =	ssyncadd.remote.s32 $0x1  }
0xcc: {  	_ =	sfence.sel $0xFFFF  }
0xcd: {  	[dreg:$0x0] =	wrdreg $0xFFFFFFFF;
	(pc) =	sbr.abs _section_cstart, $3  }
0xce: {  	[dreg:$0x1] =	wrdreg $0xFFFFFFFF  }
0xcf: {  	_ =	task.clear_ibuf [dreg:s22], $0x2FFFF;
	_ =	strace $0x9FFFFFFF  }
0xd0: {  	(tm) =	ssettm $0x7FFFFFFF  }
0xd1: {  	_ =	shalt  }
tec
execute0_lowered:
.L_overlay_start_1:
0x0: {  	(tag) =	ssettag $0x1  }
0x1: {  	s0 =	rddreg [dreg:$0x0]  }
0x2: {  	s1 =	srdreg.scid;
	s8 =	stileid.u32;
	s2 =	simm.s32 $0x0  }
0x3: {  	s12 =	simm.s32 $0x680;
	s29 =	simm.s32 $0x8680;
	s30 =	simm.s32 $0x8E80  }
0x4: {  	s31 =	simm.s32 $0x9680;
	s13 =	simm.s32 $0xAE80;
	s14 =	simm.s32 $0xB680  }
0x5: {  	s15 =	simm.s32 $0xBE80;
	s16 =	simm.s32 $0xC680;
	s17 =	simm.s32 $0xCE80  }
0x6: {  	s18 =	simm.s32 $0xD680;
	s19 =	simm.s32 $0xDE80;
	s20 =	simm.s32 $0xE680  }
0x7: {  	s21 =	simm.s32 $0xEE80;
	s22 =	simm.s32 $0xF680;
	s7 =	smul.u32 $0x64000, s8  }
0x8: {  	s1 =	sand.u32 $0x1, s1;
	s3 =	sshll.u32 s8, $0x1;
	s8 =	smul.u32 $0x320000, s8  }
0x9: {  	s23 =	simm.s32 $0xFE80;
	[smem:$0x7FF] =	sst s2;
	s11 =	smul.u32 $0x190000, s1  }
0xa: {  	s3 =	sor.u32 s1, s3;
	s5 =	ssub.s32 $0x2, s1;
	s1 =	smul.u32 $0x32000, s1  }
0xb: {  	s10 =	sadd.s32 $0xCB4000, s0;
	_ =	strace $0x80000050;
	s4 =	smul.u32 $0xC8, s3  }
0xc: {  	s3 =	sadd.s32 $0xE400, s0;
	s6 =	sshrl.u32 s5, $0x1;
	s24 =	sadd.s32 s7, s10  }
0xd: {  	s7 =	sadd.s32 $0xE700, s0;
	s9 =	ssub.s32 s5, s6;
	s5 =	sadd.s32 $0xE500, s0  }
0xe: {  	s6 =	sadd.s32 $0xE600, s0;
	s8 =	sadd.s32 s11, s8;
	s25 =	sadd.s32 s1, s24  }
.Ltmp0:
0xf: {  	s11 =	simm.s32 $0x3;
	s1 =	simm.s32 $0xA680;
	(pc) =	sbr.rel .LBB2_1-.Ltmp0, $4  }
0x10: {  	s24 =	simm.s32 $0x1;
	s4 =	sadd.s32 s4, s0;
	s26 =	sshrl.u32 s8, $0x3  }
0x11: {  	v2 =	vlaneseq.u32;
	s28 =	smax.u32 s9, $0x1;
	s9 =	sadd.s32 $0x1000, s25;
	s0 =	simm.s32 $0x9E80  }
0x12: {  	vm0 =	vmmov $0xffff;
	v1 =	vshrl.u32 v2, $0x3;
	s25 =	simm.s32 $0x2;
	s4 =	sadd.s32 $0x670C00, s4;
	[dreg:$0x3] =	wrdreg s28  }
0x13: {  	v0 =	vand.u32 $0x7, v2;
	v2 =	vor.u32 $0x8, v2;
	v1 =	vmul.u32 $0x8, v1;
	s8 =	simm.s32 $0x0;
	s10 =	sadd.s32 s26, s10;
	[dreg:$0x2] =	wrdreg s4  }
.LBB2_4:
0x14: {  	s8 =	rddreg [dreg:$0x4]  }
0x15: {  	s4 =	rddreg [dreg:$0x3];
	s8 =	sadd.s32 $0x1, s8  }
0x16: {  	p0 =	sne.s32 s8, s4  }
.Ltmp1:
0x17: {  	_ = 	snop;
	(pc) =	sbr.rel @!p0 .LBB2_5-.Ltmp1, $1  }
0x18: {  	_ =	sdelay $0x3  }
.LBB2_1:
0x19: {  	[dreg:$0x4] =	wrdreg s8  }
0x1a: {  	s4 =	rddreg [dreg:$0x2]  }
0x1b: {  	[tilespmem:s2], [sflag:$0x3] =	stream.linear.gather [hbm4b:s4+s2], $0x640, $0x38;
	[tilespmem:$0x10680] =	vst v63  }
0x1c: {  	_ =	swait.ge [sflag:s11], $0x640  }
0x1d: {  	[sflag:s11] =	ssyncset.done $0x0  }
0x1e: {  	[sflag:s11] =	ssyncadd.s32 $0xFFFFF9C0  }
0x1f: {  	v3 =	vld [tilespmem:$0x0];
	_ =	sdelay $0x4  }
0x20: {  	v4 =	vshll.u32 v3, $0x3  }
0x21: {  	v3 =	vand.u32 $0x7, v3;
	v4 =	vand.u32 $0xFFFFFFC0, v4  }
0x22: {  	v3 =	vor.u32 v3, v4  }
0x23: {  	v4 =	vperm.xlane v3, v0;
	_ =	sdelay $0x1  }
0x24: {  	v4 =	vadd.s32 v1, v4;
	_ =	sdelay $0x4  }
0x25: {  	[tilespmem:s12], [sflag:$0x1] =	stream.indirect_vreg.gather [hbm4b:s3+s2], $0x80, v4, vm0, $0xb8;
	[tilespmem:$0x10680] =	vst v63  }
0x26: {  	s26 =	simm.s32 $0xE80;
	v3 =	vperm.xlane v3, v2  }
0x27: {  	[tilespmem:s26], [sflag:$0x1] =	stream.indirect_vreg.gather [hbm4b:s5+s2], $0x80, v4, vm0, $0xb8;
	[tilespmem:$0x10680] =	vst v63  }
0x28: {  	s8 =	simm.s32 $0x1680;
	v3 =	vadd.s32 v1, v3  }
0x29: {  	[tilespmem:s8], [sflag:$0x1] =	stream.indirect_vreg.gather [hbm4b:s6+s2], $0x80, v4, vm0, $0xb8;
	[tilespmem:$0x10680] =	vst v63  }
0x2a: {  	s26 =	simm.s32 $0x1E80  }
0x2b: {  	[tilespmem:s26], [sflag:$0x1] =	stream.indirect_vreg.gather [hbm4b:s7+s2], $0x80, v4, vm0, $0xb8;
	[tilespmem:$0x10680] =	vst v63  }
0x2c: {  	s8 =	simm.s32 $0x2680  }
0x2d: {  	[tilespmem:s8], [sflag:$0x1] =	stream.indirect_vreg.gather [hbm4b:s3+s2], $0x80, v3, vm0, $0xb8;
	[tilespmem:$0x10680] =	vst v63  }
0x2e: {  	s26 =	simm.s32 $0x2E80  }
0x2f: {  	[tilespmem:s26], [sflag:$0x1] =	stream.indirect_vreg.gather [hbm4b:s5+s2], $0x80, v3, vm0, $0xb8;
	[tilespmem:$0x10680] =	vst v63  }
0x30: {  	s8 =	simm.s32 $0x3680  }
0x31: {  	[tilespmem:s8], [sflag:$0x1] =	stream.indirect_vreg.gather [hbm4b:s6+s2], $0x80, v3, vm0, $0xb8;
	[tilespmem:$0x10680] =	vst v63  }
0x32: {  	s26 =	simm.s32 $0x3E80  }
0x33: {  	[tilespmem:s26], [sflag:$0x1] =	stream.indirect_vreg.gather [hbm4b:s7+s2], $0x80, v3, vm0, $0xb8;
	[tilespmem:$0x10680] =	vst v63  }
0x34: {  	v3 =	vld [tilespmem:$0x10];
	_ =	sdelay $0x4  }
0x35: {  	v61 =	vshll.u32 v3, $0x3  }
0x36: {  	v3 =	vand.u32 $0x7, v3;
	v4 =	vand.u32 $0xFFFFFFC0, v61  }
0x37: {  	v3 =	vor.u32 v3, v4  }
0x38: {  	v4 =	vperm.xlane v3, v0;
	_ =	sdelay $0x1  }
0x39: {  	v4 =	vadd.s32 v1, v4;
	_ =	sdelay $0x3  }
0x3a: {  	s8 =	simm.s32 $0x4680  }
0x3b: {  	[tilespmem:s8], [sflag:$0x1] =	stream.indirect_vreg.gather [hbm4b:s3+s2], $0x80, v4, vm0, $0xb8;
	[tilespmem:$0x10680] =	vst v63  }
0x3c: {  	s26 =	simm.s32 $0x4E80;
	v3 =	vperm.xlane v3, v2  }
0x3d: {  	[tilespmem:s26], [sflag:$0x1] =	stream.indirect_vreg.gather [hbm4b:s5+s2], $0x80, v4, vm0, $0xb8;
	[tilespmem:$0x10680] =	vst v63  }
0x3e: {  	v3 =	vadd.s32 v1, v3;
	s8 =	simm.s32 $0x5680  }
0x3f: {  	[tilespmem:s8], [sflag:$0x1] =	stream.indirect_vreg.gather [hbm4b:s6+s2], $0x80, v4, vm0, $0xb8;
	[tilespmem:$0x10680] =	vst v63  }
0x40: {  	s26 =	simm.s32 $0x5E80  }
0x41: {  	[tilespmem:s26], [sflag:$0x1] =	stream.indirect_vreg.gather [hbm4b:s7+s2], $0x80, v4, vm0, $0xb8;
	[tilespmem:$0x10680] =	vst v63  }
0x42: {  	s8 =	simm.s32 $0x6680  }
0x43: {  	[tilespmem:s8], [sflag:$0x1] =	stream.indirect_vreg.gather [hbm4b:s3+s2], $0x80, v3, vm0, $0xb8;
	[tilespmem:$0x10680] =	vst v63  }
0x44: {  	s26 =	simm.s32 $0x6E80  }
0x45: {  	[tilespmem:s26], [sflag:$0x1] =	stream.indirect_vreg.gather [hbm4b:s5+s2], $0x80, v3, vm0, $0xb8;
	[tilespmem:$0x10680] =	vst v63  }
0x46: {  	s8 =	simm.s32 $0x7680  }
0x47: {  	[tilespmem:s8], [sflag:$0x1] =	stream.indirect_vreg.gather [hbm4b:s6+s2], $0x80, v3, vm0, $0xb8;
	[tilespmem:$0x10680] =	vst v63  }
0x48: {  	s26 =	simm.s32 $0x7E80  }
0x49: {  	[tilespmem:s26], [sflag:$0x1] =	stream.indirect_vreg.gather [hbm4b:s7+s2], $0x80, v3, vm0, $0xb8;
	[tilespmem:$0x10680] =	vst v63  }
0x4a: {  	v3 =	vld [tilespmem:$0x20];
	_ =	sdelay $0x4  }
0x4b: {  	v62 =	vshll.u32 v3, $0x3  }
0x4c: {  	v3 =	vand.u32 $0x7, v3;
	v4 =	vand.u32 $0xFFFFFFC0, v62  }
0x4d: {  	v3 =	vor.u32 v3, v4  }
0x4e: {  	v4 =	vperm.xlane v3, v0;
	_ =	sdelay $0x1  }
0x4f: {  	v4 =	vadd.s32 v1, v4;
	_ =	sdelay $0x4  }
0x50: {  	[tilespmem:s29], [sflag:$0x2] =	stream.indirect_vreg.gather [hbm4b:s3+s2], $0x80, v4, vm0, $0xb8;
	[tilespmem:$0x10680] =	vst v63  }
0x51: {  	v3 =	vperm.xlane v3, v2  }
0x52: {  	[tilespmem:s30], [sflag:$0x2] =	stream.indirect_vreg.gather [hbm4b:s5+s2], $0x80, v4, vm0, $0xb8;
	[tilespmem:$0x10680] =	vst v63  }
0x53: {  	v3 =	vadd.s32 v1, v3  }
0x54: {  	[tilespmem:s31], [sflag:$0x2] =	stream.indirect_vreg.gather [hbm4b:s6+s2], $0x80, v4, vm0, $0xb8;
	[tilespmem:$0x10680] =	vst v63  }
0x55: {  	_ = 	snop  }
0x56: {  	[tilespmem:s0], [sflag:$0x2] =	stream.indirect_vreg.gather [hbm4b:s7+s2], $0x80, v4, vm0, $0xb8;
	[tilespmem:$0x10680] =	vst v63  }
0x57: {  	_ = 	snop  }
0x58: {  	[tilespmem:s1], [sflag:$0x2] =	stream.indirect_vreg.gather [hbm4b:s3+s2], $0x80, v3, vm0, $0xb8;
	[tilespmem:$0x10680] =	vst v63  }
0x59: {  	_ = 	snop  }
0x5a: {  	[tilespmem:s13], [sflag:$0x2] =	stream.indirect_vreg.gather [hbm4b:s5+s2], $0x80, v3, vm0, $0xb8;
	[tilespmem:$0x10680] =	vst v63  }
0x5b: {  	_ = 	snop  }
0x5c: {  	[tilespmem:s14], [sflag:$0x2] =	stream.indirect_vreg.gather [hbm4b:s6+s2], $0x80, v3, vm0, $0xb8;
	[tilespmem:$0x10680] =	vst v63  }
0x5d: {  	_ = 	snop  }
0x5e: {  	[tilespmem:s15], [sflag:$0x2] =	stream.indirect_vreg.gather [hbm4b:s7+s2], $0x80, v3, vm0, $0xb8;
	[tilespmem:$0x10680] =	vst v63  }
0x5f: {  	v3 =	vld [tilespmem:$0x30];
	_ =	sdelay $0x4  }
0x60: {  	v63 =	vshll.u32 v3, $0x3  }
0x61: {  	v3 =	vand.u32 $0x7, v3;
	v4 =	vand.u32 $0xFFFFFFC0, v63  }
0x62: {  	v3 =	vor.u32 v3, v4  }
0x63: {  	v4 =	vperm.xlane v3, v0;
	_ =	sdelay $0x1  }
0x64: {  	v4 =	vadd.s32 v1, v4;
	_ =	sdelay $0x4  }
0x65: {  	[tilespmem:s16], [sflag:$0x2] =	stream.indirect_vreg.gather [hbm4b:s3+s2], $0x80, v4, vm0, $0xb8;
	[tilespmem:$0x10680] =	vst v63  }
0x66: {  	v3 =	vperm.xlane v3, v2  }
0x67: {  	[tilespmem:s17], [sflag:$0x2] =	stream.indirect_vreg.gather [hbm4b:s5+s2], $0x80, v4, vm0, $0xb8;
	[tilespmem:$0x10680] =	vst v63  }
0x68: {  	v3 =	vadd.s32 v1, v3  }
0x69: {  	[tilespmem:s18], [sflag:$0x2] =	stream.indirect_vreg.gather [hbm4b:s6+s2], $0x80, v4, vm0, $0xb8;
	[tilespmem:$0x10680] =	vst v63  }
0x6a: {  	_ = 	snop  }
0x6b: {  	[tilespmem:s19], [sflag:$0x2] =	stream.indirect_vreg.gather [hbm4b:s7+s2], $0x80, v4, vm0, $0xb8;
	[tilespmem:$0x10680] =	vst v63  }
0x6c: {  	_ = 	snop  }
0x6d: {  	[tilespmem:s20], [sflag:$0x2] =	stream.indirect_vreg.gather [hbm4b:s3+s2], $0x80, v3, vm0, $0xb8;
	[tilespmem:$0x10680] =	vst v63  }
0x6e: {  	_ = 	snop  }
0x6f: {  	[tilespmem:s21], [sflag:$0x2] =	stream.indirect_vreg.gather [hbm4b:s5+s2], $0x80, v3, vm0, $0xb8;
	[tilespmem:$0x10680] =	vst v63  }
0x70: {  	_ = 	snop  }
0x71: {  	[tilespmem:s22], [sflag:$0x2] =	stream.indirect_vreg.gather [hbm4b:s6+s2], $0x80, v3, vm0, $0xb8;
	[tilespmem:$0x10680] =	vst v63  }
0x72: {  	s28 =	simm.s32 $0x70;
	s4 =	simm.s32 $0x0  }
0x73: {  	[tilespmem:s23], [sflag:$0x2] =	stream.indirect_vreg.gather [hbm4b:s7+s2], $0x80, v3, vm0, $0xb8;
	[tilespmem:$0x10680] =	vst v63  }
.LBB2_2:
0x74: {  	_ =	swait.ge [sflag:s24], $0x8000  }
0x75: {  	[sflag:s24] =	ssyncset.done $0x0  }
0x76: {  	s8 =	sadd.s32 s4, s10;
	[sflag:s24] =	ssyncadd.s32 $0xFFFF8000  }
0x77: {  	[hbm4b:s8+s2] =	stream.linear.scatter [tilespmem:s12], [sflag:$0x3], $0x8000, $0x38;
	[tilespmem:$0x10680] =	vst v63  }
0x78: {  	_ =	swait.ge [sflag:s11], $0x8000  }
0x79: {  	[sflag:s11] =	ssyncset.done $0x0  }
0x7a: {  	p0 =	seq.s32 s4, $0x30000;
	[sflag:s11] =	ssyncadd.s32 $0xFFFF8000  }
0x7b: {  	v3 =	vld @!p0 [tilespmem:s28+$0xFFFFFFD0];
	_ =	sdelay $0x4  }
0x7c: {  	v4 =	vshll.u32 @!p0 v3, $0x3  }
0x7d: {  	v5 =	vlaneseq.u32 @!p0;
	v3 =	vand.u32 @!p0 $0x7, v3;
	v4 =	vand.u32 @!p0 $0xFFFFFFC0, v4  }
0x7e: {  	v6 =	vshrl.u32 @!p0 v5, $0x3;
	v3 =	vor.u32 @!p0 v3, v4;
	v4 =	vand.u32 @!p0 $0x7, v5  }
0x7f: {  	v6 =	vmul.u32 @!p0 $0x8, v6;
	v7 =	vperm.xlane @!p0 v3, v4;
	_ =	sdelay $0x1  }
0x80: {  	v7 =	vadd.s32 @!p0 v6, v7;
	_ =	sdelay $0x3  }
0x81: {  	vm1 =	vmmov @!p0 $0xffff;
	s26 =	simm.s32 @!p0 $0x680;
	s8 =	simm.s32 @!p0 $0x0  }
0x82: {  	v5 =	vor.u32 @!p0 $0x8, v5;
	[tilespmem:s26], [sflag:$0x1] =	stream.indirect_vreg.gather @!p0 [hbm4b:s3+s8], $0x80, v7, vm1, $0xb8;
	[tilespmem:$0x10680] =	vst v63  }
0x83: {  	v3 =	vperm.xlane @!p0 v3, v5;
	s26 =	simm.s32 @!p0 $0xE80  }
0x84: {  	[tilespmem:s26], [sflag:$0x1] =	stream.indirect_vreg.gather @!p0 [hbm4b:s5+s8], $0x80, v7, vm1, $0xb8;
	[tilespmem:$0x10680] =	vst v63  }
0x85: {  	v3 =	vadd.s32 @!p0 v6, v3;
	s26 =	simm.s32 @!p0 $0x1680  }
0x86: {  	[tilespmem:s26], [sflag:$0x1] =	stream.indirect_vreg.gather @!p0 [hbm4b:s6+s8], $0x80, v7, vm1, $0xb8;
	[tilespmem:$0x10680] =	vst v63  }
0x87: {  	s26 =	simm.s32 @!p0 $0x1E80  }
0x88: {  	[tilespmem:s26], [sflag:$0x1] =	stream.indirect_vreg.gather @!p0 [hbm4b:s7+s8], $0x80, v7, vm1, $0xb8;
	[tilespmem:$0x10680] =	vst v63  }
0x89: {  	s26 =	simm.s32 @!p0 $0x2680  }
0x8a: {  	[tilespmem:s26], [sflag:$0x1] =	stream.indirect_vreg.gather @!p0 [hbm4b:s3+s8], $0x80, v3, vm1, $0xb8;
	[tilespmem:$0x10680] =	vst v63  }
0x8b: {  	s26 =	simm.s32 @!p0 $0x2E80  }
0x8c: {  	[tilespmem:s26], [sflag:$0x1] =	stream.indirect_vreg.gather @!p0 [hbm4b:s5+s8], $0x80, v3, vm1, $0xb8;
	[tilespmem:$0x10680] =	vst v63  }
0x8d: {  	s26 =	simm.s32 @!p0 $0x3680  }
0x8e: {  	[tilespmem:s26], [sflag:$0x1] =	stream.indirect_vreg.gather @!p0 [hbm4b:s6+s8], $0x80, v3, vm1, $0xb8;
	[tilespmem:$0x10680] =	vst v63  }
0x8f: {  	s26 =	simm.s32 @!p0 $0x3E80  }
0x90: {  	[tilespmem:s26], [sflag:$0x1] =	stream.indirect_vreg.gather @!p0 [hbm4b:s7+s8], $0x80, v3, vm1, $0xb8;
	[tilespmem:$0x10680] =	vst v63  }
0x91: {  	v3 =	vld @!p0 [tilespmem:s28+$0xFFFFFFE0];
	_ =	sdelay $0x4  }
0x92: {  	v7 =	vshll.u32 @!p0 v3, $0x3  }
0x93: {  	v3 =	vand.u32 @!p0 $0x7, v3;
	v7 =	vand.u32 @!p0 $0xFFFFFFC0, v7  }
0x94: {  	v3 =	vor.u32 @!p0 v3, v7  }
0x95: {  	v4 =	vperm.xlane @!p0 v3, v4;
	_ =	sdelay $0x1  }
0x96: {  	v4 =	vadd.s32 @!p0 v6, v4;
	_ =	sdelay $0x3  }
0x97: {  	s26 =	simm.s32 @!p0 $0x4680  }
0x98: {  	[tilespmem:s26], [sflag:$0x1] =	stream.indirect_vreg.gather @!p0 [hbm4b:s3+s8], $0x80, v4, vm1, $0xb8;
	[tilespmem:$0x10680] =	vst v63  }
0x99: {  	v3 =	vperm.xlane @!p0 v3, v5;
	s26 =	simm.s32 @!p0 $0x4E80  }
0x9a: {  	[tilespmem:s26], [sflag:$0x1] =	stream.indirect_vreg.gather @!p0 [hbm4b:s5+s8], $0x80, v4, vm1, $0xb8;
	[tilespmem:$0x10680] =	vst v63  }
0x9b: {  	v3 =	vadd.s32 @!p0 v6, v3;
	s26 =	simm.s32 @!p0 $0x5680  }
0x9c: {  	[tilespmem:s26], [sflag:$0x1] =	stream.indirect_vreg.gather @!p0 [hbm4b:s6+s8], $0x80, v4, vm1, $0xb8;
	[tilespmem:$0x10680] =	vst v63  }
0x9d: {  	s26 =	simm.s32 @!p0 $0x5E80  }
0x9e: {  	[tilespmem:s26], [sflag:$0x1] =	stream.indirect_vreg.gather @!p0 [hbm4b:s7+s8], $0x80, v4, vm1, $0xb8;
	[tilespmem:$0x10680] =	vst v63  }
0x9f: {  	s26 =	simm.s32 @!p0 $0x6680  }
0xa0: {  	[tilespmem:s26], [sflag:$0x1] =	stream.indirect_vreg.gather @!p0 [hbm4b:s3+s8], $0x80, v3, vm1, $0xb8;
	[tilespmem:$0x10680] =	vst v63  }
0xa1: {  	s26 =	simm.s32 @!p0 $0x6E80  }
0xa2: {  	[tilespmem:s26], [sflag:$0x1] =	stream.indirect_vreg.gather @!p0 [hbm4b:s5+s8], $0x80, v3, vm1, $0xb8;
	[tilespmem:$0x10680] =	vst v63  }
0xa3: {  	s26 =	simm.s32 @!p0 $0x7680  }
0xa4: {  	[tilespmem:s26], [sflag:$0x1] =	stream.indirect_vreg.gather @!p0 [hbm4b:s6+s8], $0x80, v3, vm1, $0xb8;
	[tilespmem:$0x10680] =	vst v63  }
0xa5: {  	s26 =	simm.s32 @!p0 $0x7E80  }
0xa6: {  	[tilespmem:s26], [sflag:$0x1] =	stream.indirect_vreg.gather @!p0 [hbm4b:s7+s8], $0x80, v3, vm1, $0xb8;
	[tilespmem:$0x10680] =	vst v63  }
0xa7: {  	_ =	swait.ge [sflag:s25], $0x8000  }
0xa8: {  	[sflag:s25] =	ssyncset.done $0x0  }
.Ltmp2:
0xa9: {  	s26 =	sadd.s32 s4, s9;
	[sflag:s25] =	ssyncadd.s32 $0xFFFF8000;
	(pc) =	sbr.rel @p0 .LBB2_4-.Ltmp2, $4  }
0xaa: {  	[hbm4b:s26+s2] =	stream.linear.scatter [tilespmem:s29], [sflag:$0x3], $0x8000, $0x38;
	[tilespmem:$0x10680] =	vst v63  }
0xab: {  	_ =	swait.ge [sflag:s11], $0x8000  }
0xac: {  	[sflag:s11] =	ssyncset.done $0x0  }
0xad: {  	[sflag:s11] =	ssyncadd.s32 $0xFFFF8000  }
0xae: {  	v3 =	vld [tilespmem:s28+$0xFFFFFFF0];
	_ =	sdelay $0x4  }
0xaf: {  	v4 =	vshll.u32 v3, $0x3  }
0xb0: {  	v3 =	vand.u32 $0x7, v3;
	v4 =	vand.u32 $0xFFFFFFC0, v4  }
0xb1: {  	v3 =	vor.u32 v3, v4  }
0xb2: {  	v4 =	vperm.xlane v3, v0;
	_ =	sdelay $0x1  }
0xb3: {  	v4 =	vadd.s32 v1, v4;
	_ =	sdelay $0x4  }
0xb4: {  	[tilespmem:s29], [sflag:$0x2] =	stream.indirect_vreg.gather [hbm4b:s3+s2], $0x80, v4, vm0, $0xb8;
	[tilespmem:$0x10680] =	vst v63  }
0xb5: {  	v3 =	vperm.xlane v3, v2  }
0xb6: {  	[tilespmem:s30], [sflag:$0x2] =	stream.indirect_vreg.gather [hbm4b:s5+s2], $0x80, v4, vm0, $0xb8;
	[tilespmem:$0x10680] =	vst v63  }
0xb7: {  	v3 =	vadd.s32 v1, v3  }
0xb8: {  	[tilespmem:s31], [sflag:$0x2] =	stream.indirect_vreg.gather [hbm4b:s6+s2], $0x80, v4, vm0, $0xb8;
	[tilespmem:$0x10680] =	vst v63  }
0xb9: {  	_ = 	snop  }
0xba: {  	[tilespmem:s0], [sflag:$0x2] =	stream.indirect_vreg.gather [hbm4b:s7+s2], $0x80, v4, vm0, $0xb8;
	[tilespmem:$0x10680] =	vst v63  }
0xbb: {  	_ = 	snop  }
0xbc: {  	[tilespmem:s1], [sflag:$0x2] =	stream.indirect_vreg.gather [hbm4b:s3+s2], $0x80, v3, vm0, $0xb8;
	[tilespmem:$0x10680] =	vst v63  }
0xbd: {  	_ = 	snop  }
0xbe: {  	[tilespmem:s13], [sflag:$0x2] =	stream.indirect_vreg.gather [hbm4b:s5+s2], $0x80, v3, vm0, $0xb8;
	[tilespmem:$0x10680] =	vst v63  }
0xbf: {  	_ = 	snop  }
0xc0: {  	[tilespmem:s14], [sflag:$0x2] =	stream.indirect_vreg.gather [hbm4b:s6+s2], $0x80, v3, vm0, $0xb8;
	[tilespmem:$0x10680] =	vst v63  }
0xc1: {  	_ = 	snop  }
0xc2: {  	[tilespmem:s15], [sflag:$0x2] =	stream.indirect_vreg.gather [hbm4b:s7+s2], $0x80, v3, vm0, $0xb8;
	[tilespmem:$0x10680] =	vst v63  }
0xc3: {  	v3 =	vld [tilespmem:s28+$0x0];
	_ =	sdelay $0x4  }
0xc4: {  	v63 =	vshll.u32 v3, $0x3  }
0xc5: {  	v3 =	vand.u32 $0x7, v3;
	v4 =	vand.u32 $0xFFFFFFC0, v63  }
0xc6: {  	v3 =	vor.u32 v3, v4  }
0xc7: {  	v4 =	vperm.xlane v3, v0;
	_ =	sdelay $0x1  }
0xc8: {  	v4 =	vadd.s32 v1, v4;
	_ =	sdelay $0x4  }
0xc9: {  	[tilespmem:s16], [sflag:$0x2] =	stream.indirect_vreg.gather [hbm4b:s3+s2], $0x80, v4, vm0, $0xb8;
	[tilespmem:$0x10680] =	vst v63  }
0xca: {  	v3 =	vperm.xlane v3, v2  }
0xcb: {  	[tilespmem:s17], [sflag:$0x2] =	stream.indirect_vreg.gather [hbm4b:s5+s2], $0x80, v4, vm0, $0xb8;
	[tilespmem:$0x10680] =	vst v63  }
0xcc: {  	v3 =	vadd.s32 v1, v3  }
0xcd: {  	[tilespmem:s18], [sflag:$0x2] =	stream.indirect_vreg.gather [hbm4b:s6+s2], $0x80, v4, vm0, $0xb8;
	[tilespmem:$0x10680] =	vst v63  }
0xce: {  	_ = 	snop  }
0xcf: {  	[tilespmem:s19], [sflag:$0x2] =	stream.indirect_vreg.gather [hbm4b:s7+s2], $0x80, v4, vm0, $0xb8;
	[tilespmem:$0x10680] =	vst v63  }
0xd0: {  	_ = 	snop  }
0xd1: {  	[tilespmem:s20], [sflag:$0x2] =	stream.indirect_vreg.gather [hbm4b:s3+s2], $0x80, v3, vm0, $0xb8;
	[tilespmem:$0x10680] =	vst v63  }
0xd2: {  	_ = 	snop  }
0xd3: {  	[tilespmem:s21], [sflag:$0x2] =	stream.indirect_vreg.gather [hbm4b:s5+s2], $0x80, v3, vm0, $0xb8;
	[tilespmem:$0x10680] =	vst v63  }
.Ltmp3:
0xd4: {  	_ = 	snop;
	(pc) =	sbr.rel .LBB2_2-.Ltmp3, $4  }
0xd5: {  	_ = 	snop  }
0xd6: {  	[tilespmem:s22], [sflag:$0x2] =	stream.indirect_vreg.gather [hbm4b:s6+s2], $0x80, v3, vm0, $0xb8;
	[tilespmem:$0x10680] =	vst v63  }
0xd7: {  	s4 =	sadd.s32 $0x2000, s4;
	s28 =	sadd.s32 $0x40, s28  }
0xd8: {  	[tilespmem:s23], [sflag:$0x2] =	stream.indirect_vreg.gather [hbm4b:s7+s2], $0x80, v3, vm0, $0xb8;
	[tilespmem:$0x10680] =	vst v63  }
.LBB2_5:
0xd9: {  	_ =	sfence.sel $0x180000  }
0xda: {  	[bflag:$0x0] =	sbarrier.arrive $0xFFFF  }
0xdb: {  	_ =	strace $0x90000050  }
0xdc: {  	s0 =	stileid.u32;
	[bflag:$0x2] =	sbarrier.arrive $0xFFFF  }
0xdd: {  	p0 =	sne.s32 s0, $0x0;
	s0 =	rddreg [dreg:$0x1]  }
0xde: {  	s0 =	sadd.s32 @!p0 $0x100000, s0  }
0xdf: {  	[sflag:s0] =	ssyncadd.tile.s32 @!p0 $0x1;
	_ =	shalt  }
.Lfunc_end2:
_tile_overlayer_lowered:
.L_overlay_start_2:
0xe0: {  	(tag) =	ssettag $0x2  }
0xe1: {  	s0 =	rddreg [dreg:$0x0];
	s2 =	stileid.u32  }
0xe2: {  	s1 =	rddreg [dreg:$0x1];
	p0 =	sne.s32 s2, $0x0  }
0xe3: {  	s3 =	rddreg [dreg:$0x2];
	[bflag:$0x3] =	sbarrier.arrive $0xFFFF;
	s2 =	simm.s32 @!p0 $0x1C03  }
0xe4: {  	[timem:s3], [sflag:s2] =	dma.local @!p0 [hbm:s0], s1  }
0xe5: {  	s0 =	simm.s32 @!p0 $0x3  }
0xe6: {  	_ =	swait.ge @!p0 [sflag:s0], s1  }
0xe7: {  	s1 =	ssub.s32 @!p0 $0x0, s1;
	[sflag:s0] =	ssyncset.done @!p0 $0x0  }
0xe8: {  	[sflag:s0] =	ssyncadd.s32 @!p0 s1  }
0xe9: {  	[bflag:$0x3] =	sbarrier.arrive $0xFFFF  }
0xea: {  	_ =	shalt  }

// kernel: kernel.21.cloned.1.call-start
scs
__scs_entry_jumppad:
0x0: {  	(pc) =	sbr.rel $0x88, $3  }
0x1: {  	(tag) =	ssettag $0x0;
	lr =	simm.s32 $0x1  }
0x2: {  	[smem:$0x3F9E] =	sst lr;
	_ =	strace $0xD0000000  }
0x3: {  	_ = 	snop  }
0x4: {  	_ = 	snop  }
0x5: {  	_ = 	snop  }
0x6: {  	_ = 	snop  }
0x7: {  	_ = 	snop  }
__scs_overlays_trampoline_lowered:
0x8: {  	[smem:$0x3FAD] =	sst s0  }
0x9: {  	[smem:$0x3FAE] =	sst s1  }
0xa: {  	[smem:$0x3FAF] =	sst s2  }
0xb: {  	[smem:$0x3FB0] =	sst s3  }
0xc: {  	[smem:$0x3FB1] =	sst s4  }
0xd: {  	[smem:$0x3FB2] =	sst s5  }
0xe: {  	[smem:$0x3FB3] =	sst s6  }
0xf: {  	[smem:$0x3FB4] =	sst s7  }
0x10: {  	[smem:$0x3FB5] =	sst s8  }
0x11: {  	[smem:$0x3FB6] =	sst s9;
	s0 =	simm.s32 @!p0 $0x0  }
0x12: {  	s1 =	sld [smem:$0x3F9C];
	s0 =	simm.s32 @p0 $0x1  }
0x13: {  	[smem:$0x3FB7] =	sst s0;
	s0 =	simm.s32 @!p1 $0x0  }
0x14: {  	s2 =	sld [smem:$0x3F9B];
	s0 =	simm.s32 @p1 $0x1  }
0x15: {  	[smem:$0x3FB8] =	sst s0;
	s0 =	simm.s32 @!p2 $0x0  }
0x16: {  	s3 =	sld [smem:$0x3FDB];
	s0 =	simm.s32 @p2 $0x1  }
0x17: {  	s4 =	simm.s32 $0x1BF5;
	[smem:$0x3FBA] =	sst s0  }
0x18: {  	s0 =	sld [smem:$0x3F9D];
	_ =	swait.ge [sflag:s4], $0x0  }
0x19: {  	s7 =	sld [smem:$0x3F9E]  }
0x1a: {  	s8 =	sadd.s32 $0xFFFFE003, lr  }
0x1b: {  	s9 =	sadd.s32 $0xFFFFFEF7, lr;
	s5 =	simm.s32 $0xFFFFFFFF;
	p2 =	slt.u32 s8, $0xFFFFF086  }
0x1c: {  	p1 =	slt.u32 s9, $0xF7A;
	s5 =	simm.s32 @!p2 $0x0  }
0x1d: {  	s5 =	simm.s32 @p1 $0x1;
	p0 =	seq.s32 s7, s2  }
0x1e: {  	s7 =	smul.u32 @!p0 $0xF7A, s2;
	p2 =	seq.s32 @!p0 s5, $0x0  }
0x1f: {  	s9 =	smul.u32 $0xF7A, s1;
	s8 =	simm.s32 @!p0 $0x1BF5;
	p2 =	por !p2, p0  }
0x20: {  	[sflag:s8] =	ssyncset.s32 @!p0 $0xFFFFF086;
	s6 =	sadd.s32 @!p0 s3, s7;
	s7 =	simm.s32 @!p0 $0x108  }
0x21: {  	s3 =	sadd.s32 s3, s9;
	s6 =	sadd.s32 @!p0 $0x88, s6;
	s7 =	simm.s32 @p2 $0x1082  }
0x22: {  	[simem:s7], [sflag:s8] =	dma.local @!p0 [hbm:s6], $0xF7A  }
0x23: {  	s9 =	sor.u32 $0xD0000000, s2;
	s6 =	simm.s32 $0x108;
	_ =	swait.ge @!p0 [sflag:s8], $0x0  }
0x24: {  	s3 =	sadd.s32 $0x88, s3;
	s6 =	simm.s32 @!p1 $0x1082;
	[sflag:s4] =	ssyncset.s32 $0xFFFFF086  }
0x25: {  	[simem:s6], [sflag:s4] =	dma.local [hbm:s3], $0xF7A  }
0x26: {  	[smem:$0x3F9E] =	sst s1;
	(tag) =	ssettag s2;
	_ =	strace s9  }
0x27: {  	s1 =	sld [smem:$0x3FAE]  }
0x28: {  	s2 =	sld [smem:$0x3FAF]  }
0x29: {  	s4 =	sld [smem:$0x3FB1]  }
0x2a: {  	p0 =	seq.s32 s5, $0x0;
	s5 =	sld [smem:$0x3FB2]  }
0x2b: {  	s6 =	sld [smem:$0x3FB3]  }
0x2c: {  	s7 =	sld [smem:$0x3FB4]  }
0x2d: {  	s3 =	simm.s32 $0x108;
	s8 =	sld [smem:$0x3FB5]  }
0x2e: {  	s3 =	simm.s32 @!p0 $0x1082;
	s9 =	sld [smem:$0x3FB6]  }
0x2f: {  	lr =	sadd.s32 s0, s3;
	s0 =	sld [smem:$0x3FAD]  }
0x30: {  	s3 =	sld [smem:$0x3FB0]  }
0x31: {  	[smem:$0x3FB9] =	sst s10  }
0x32: {  	s10 =	sld [smem:$0x3FB7];
	_ =	sdelay $0x3  }
0x33: {  	p0 =	seq.s32 s10, $0x1;
	s10 =	sld [smem:$0x3FB9];
	_ =	sdelay $0x3  }
0x34: {  	[smem:$0x3FB9] =	sst s10  }
0x35: {  	s10 =	sld [smem:$0x3FB8];
	_ =	sdelay $0x3  }
0x36: {  	p1 =	seq.s32 s10, $0x1;
	s10 =	sld [smem:$0x3FB9];
	_ =	sdelay $0x3  }
0x37: {  	[smem:$0x3FB9] =	sst s10  }
0x38: {  	s10 =	sld [smem:$0x3FBA]  }
0x39: {  	_ = 	snop;
	(pc) =	sbr.ind lr, $3  }
0x3a: {  	_ = 	snop  }
0x3b: {  	_ = 	snop  }
0x3c: {  	p2 =	seq.s32 s10, $0x1;
	s10 =	sld [smem:$0x3FB9]  }
0x3d: {  	_ =	shalt  }
0x3e: {  	_ =	shalt  }
0x3f: {  	_ =	shalt  }
0x40: {  	_ =	shalt  }
0x41: {  	_ =	shalt  }
0x42: {  	_ =	shalt  }
0x43: {  	_ =	shalt  }
0x44: {  	_ =	shalt  }
0x45: {  	_ =	shalt  }
0x46: {  	_ =	shalt  }
0x47: {  	_ =	shalt  }
0x48: {  	_ =	shalt  }
0x49: {  	_ =	shalt  }
0x4a: {  	_ =	shalt  }
0x4b: {  	_ =	shalt  }
0x4c: {  	_ =	shalt  }
0x4d: {  	_ =	shalt  }
0x4e: {  	_ =	shalt  }
0x4f: {  	_ =	shalt  }
0x50: {  	_ =	shalt  }
0x51: {  	_ =	shalt  }
0x52: {  	_ =	shalt  }
0x53: {  	_ =	shalt  }
0x54: {  	_ =	shalt  }
0x55: {  	_ =	shalt  }
0x56: {  	_ =	shalt  }
0x57: {  	_ =	shalt  }
0x58: {  	_ =	shalt  }
0x59: {  	_ =	shalt  }
0x5a: {  	_ =	shalt  }
0x5b: {  	_ =	shalt  }
0x5c: {  	_ =	shalt  }
0x5d: {  	_ =	shalt  }
0x5e: {  	_ =	shalt  }
0x5f: {  	_ =	shalt  }
0x60: {  	_ =	shalt  }
0x61: {  	_ =	shalt  }
0x62: {  	_ =	shalt  }
0x63: {  	_ =	shalt  }
0x64: {  	_ =	shalt  }
0x65: {  	_ =	shalt  }
0x66: {  	_ =	shalt  }
0x67: {  	_ =	shalt  }
0x68: {  	_ =	shalt  }
0x69: {  	_ =	shalt  }
0x6a: {  	_ =	shalt  }
0x6b: {  	_ =	shalt  }
0x6c: {  	_ =	shalt  }
0x6d: {  	_ =	shalt  }
0x6e: {  	_ =	shalt  }
0x6f: {  	_ =	shalt  }
0x70: {  	_ =	shalt  }
0x71: {  	_ =	shalt  }
0x72: {  	_ =	shalt  }
0x73: {  	_ =	shalt  }
0x74: {  	_ =	shalt  }
0x75: {  	_ =	shalt  }
0x76: {  	_ =	shalt  }
0x77: {  	_ =	shalt  }
0x78: {  	_ =	shalt  }
0x79: {  	_ =	shalt  }
0x7a: {  	_ =	shalt  }
0x7b: {  	_ =	shalt  }
0x7c: {  	_ =	shalt  }
0x7d: {  	_ =	shalt  }
0x7e: {  	_ =	shalt  }
0x7f: {  	_ =	shalt  }
0x80: {  	_ =	shalt  }
0x81: {  	_ =	shalt  }
0x82: {  	_ =	shalt  }
0x83: {  	_ =	shalt  }
0x84: {  	_ =	shalt  }
0x85: {  	_ =	shalt  }
0x86: {  	_ =	shalt  }
0x87: {  	_ =	shalt  }
.Lfunc_end0:
.L_simem_size_0:
called_computation.3_lowered:
.L_overlay_start_0:
0x88: {  	s2 =	sld [smem:$0x3FD9]  }
0x89: {  	s3 =	sld [smem:$0x3FFE];
	_ =	sdelay $0x1  }
0x8a: {  	s1 =	srdreg.scid  }
0x8b: {  	s0 =	sand.u32 $0x1, s1  }
0x8c: {  	s17 =	sshll.u32 s0, $0xA;
	s2 =	sadd.s32 s3, s2  }
0x8d: {  	s2 =	sadd.s32 s2, s17  }
0x8e: {  	[smem:$0x3FC5] =	sst s2  }
0x8f: {  	_ = 	snop  }
0x90: {  	(tm) =	ssettm $0x1  }
0x91: {  	s18 =	sld [smem:$0x3FFB];
	_ =	sdelay $0x3  }
0x92: {  	_ =	strace s18  }
0x93: {  	s2 =	sld [smem:$0x3FFC];
	_ =	sdelay $0x3  }
0x94: {  	_ =	strace s2  }
0x95: {  	s2 =	sld [smem:$0x3FFD];
	_ =	sdelay $0x3  }
0x96: {  	_ =	strace s2  }
0x97: {  	_ =	strace $0x8FFFFFFF  }
0x98: {  	s19 =	sld [smem:$0x3FDB];
	_ =	sdelay $0x1  }
0x99: {  	s20 =	simm.s32 $_scs_section_size  }
0x9a: {  	s4 =	simm.s32 $_size__tile_overlayer_lowered;
	s5 =	simm.s32 $_tile_overlayer_lowered  }
0x9b: {  	s6 =	simm.s32 $0x1BFF;
	s21 =	sshll.u32 s5, $0x1;
	s3 =	sadd.s32 s20, s19  }
0x9c: {  	s22 =	simm.s32 $0x0;
	s4 =	sshll.u32 s4, $0x1;
	s5 =	sadd.s32 s21, s3  }
0x9d: {  	[timem:s22], [sflag:s6] =	dma.local [hbm:s5], s4  }
0x9e: {  	_ =	swait.ge [sflag:s6], s4  }
0x9f: {  	s4 =	ssub.s32 $0x0, s4;
	[sflag:s6] =	ssyncset.done $0x0  }
0xa0: {  	[sflag:s6] =	ssyncadd.s32 s4;
	_ =	sdelay $0x1  }
0xa1: {  	s23 =	simm.s32 $0x1B8B  }
0xa2: {  	_ =	swait.ge [sflag:s23], $0x1  }
0xa3: {  	[sflag:s23] =	ssyncset.done $0x0  }
0xa4: {  	[sflag:s23] =	ssyncadd.s32 $0xFFFFFFFF  }
0xa5: {  	s4 =	sld [smem:$0x0]  }
0xa6: {  	s5 =	sand.u32 $0xFFFFFFFE, s1  }
0xa7: {  	p0 =	sne.s32 s1, s5  }
0xa8: {  	s5 =	sshll.u32 @p0 s5, $0xE  }
0xa9: {  	s5 =	sadd.s32 @p0 $0x11B8D, s5;
	s6 =	sshll.u32 @p0 s4, $0x11  }
0xaa: {  	s5 =	sor.u32 @p0 s6, s5  }
0xab: {  	[sflag:s5] =	ssyncadd.remote.s32 @p0 $0x1;
	_ =	sdelay $0x1  }
0xac: {  	s5 =	simm.s32 @p0 $0x1B8D  }
0xad: {  	_ =	swait.eq @p0 [sflag:s5], $0x1  }
0xae: {  	[sflag:s5] =	ssyncadd.s32 @p0 $0xFFFFFFFF  }
0xaf: {  	s6 =	sshll.u32 @!p0 s1, $0xE  }
0xb0: {  	s6 =	sor.u32 @!p0 $0x4000, s6;
	s5 =	simm.s32 @!p0 $0x1B8D  }
0xb1: {  	s4 =	sshll.u32 @!p0 s4, $0x11;
	s6 =	sadd.s32 @!p0 $0x11B8D, s6;
	_ =	swait.eq @!p0 [sflag:s5], $0x1  }
0xb2: {  	s4 =	sor.u32 @!p0 s4, s6;
	[sflag:s5] =	ssyncadd.s32 @!p0 $0xFFFFFFFF  }
0xb3: {  	s25 =	simm.s32 $0x1B8E;
	s24 =	sld [smem:$0x3FFE];
	[sflag:s4] =	ssyncadd.remote.s32 @!p0 $0x1  }
0xb4: {  	s26 =	simm.s32 $execute0_lowered;
	[smem:$0x3FD2] =	sst s25  }
0xb5: {  	s5 =	sshll.u32 s26, $0x1;
	_ =	strace $0x80000052;
	[dreg:$0x1] =	wrdreg $0xFFFFFFFF  }
0xb6: {  	s28 =	simm.s32 $_size_execute0_lowered;
	s3 =	sadd.s32 s3, s5;
	[dreg:$0x0] =	wrdreg $0x0  }
0xb7: {  	s5 =	sshll.u32 s28, $0x1;
	[dreg:$0x2] =	wrdreg s3  }
0xb8: {  	[dreg:$0x3] =	wrdreg s5  }
0xb9: {  	[dreg:$0x4] =	wrdreg $0xC0  }
0xba: {  	_ =	task [dreg:s22], $0x5FFFF  }
0xbb: {  	[dreg:$0x1] =	wrdreg $0xFFFFFFFF  }
0xbc: {  	[dreg:$0x0] =	wrdreg $0x60  }
0xbd: {  	[dreg:$0x2] =	wrdreg s24  }
0xbe: {  	[dreg:$0x3] =	wrdreg $0xC  }
0xbf: {  	_ =	task.clear_ibuf [dreg:s22], $0x4FFFF;
	_ =	strace $0x90000052  }
0xc0: {  	s29 =	simm.s32 $0xC;
	_ =	strace $0x80000054  }
0xc1: {  	_ =	swait.ge [sflag:s29], $0x1  }
0xc2: {  	[sflag:s29] =	ssyncadd.s32 $0xFFFFFFFF  }
0xc3: {  	_ =	strace $0x90000054  }
0xc4: {  	_ =	sfence  }
0xc5: {  	s30 =	sld [smem:$0x0];
	_ =	sdelay $0x2  }
0xc6: {  	s31 =	sshll.u32 s1, $0xD;
	s1 =	sshrl.u32 s1, $0x2  }
0xc7: {  	s4 =	sand.u32 $0x4000, s31;
	s1 =	sadd.s32 s1, s30  }
0xc8: {  	s0 =	sor.u32 s4, s0;
	s1 =	sshll.u32 s1, $0x11  }
0xc9: {  	s0 =	sor.u32 s1, s0  }
0xca: {  	s0 =	sadd.s32 $0x8F2B, s0  }
0xcb: {  	[sflag:s0] =	ssyncadd.remote.s32 $0x1  }
0xcc: {  	_ =	sfence.sel $0xFFFF  }
0xcd: {  	[dreg:$0x0] =	wrdreg $0xFFFFFFFF;
	(pc) =	sbr.abs _section_cstart, $3  }
0xce: {  	[dreg:$0x1] =	wrdreg $0xFFFFFFFF  }
0xcf: {  	_ =	task.clear_ibuf [dreg:s22], $0x2FFFF;
	_ =	strace $0x9FFFFFFF  }
0xd0: {  	(tm) =	ssettm $0x7FFFFFFF  }
0xd1: {  	_ =	shalt  }
tec
execute0_lowered:
.L_overlay_start_1:
0x0: {  	(tag) =	ssettag $0x1  }
0x1: {  	s0 =	rddreg [dreg:$0x0]  }
0x2: {  	s1 =	srdreg.scid;
	s8 =	stileid.u32;
	s2 =	simm.s32 $0x0  }
0x3: {  	s12 =	simm.s32 $0x680;
	s29 =	simm.s32 $0x8680;
	s30 =	simm.s32 $0x8E80  }
0x4: {  	s31 =	simm.s32 $0x9680;
	s13 =	simm.s32 $0xAE80;
	s14 =	simm.s32 $0xB680  }
0x5: {  	s15 =	simm.s32 $0xBE80;
	s16 =	simm.s32 $0xC680;
	s17 =	simm.s32 $0xCE80  }
0x6: {  	s18 =	simm.s32 $0xD680;
	s19 =	simm.s32 $0xDE80;
	s20 =	simm.s32 $0xE680  }
0x7: {  	s21 =	simm.s32 $0xEE80;
	s22 =	simm.s32 $0xF680;
	s7 =	smul.u32 $0x64000, s8  }
0x8: {  	s1 =	sand.u32 $0x1, s1;
	s3 =	sshll.u32 s8, $0x1;
	s8 =	smul.u32 $0x320000, s8  }
0x9: {  	s23 =	simm.s32 $0xFE80;
	[smem:$0x7FF] =	sst s2;
	s11 =	smul.u32 $0x190000, s1  }
0xa: {  	s3 =	sor.u32 s1, s3;
	s5 =	ssub.s32 $0x2, s1;
	s1 =	smul.u32 $0x32000, s1  }
0xb: {  	s10 =	sadd.s32 $0x12F4000, s0;
	_ =	strace $0x80000053;
	s4 =	smul.u32 $0xC8, s3  }
0xc: {  	s3 =	sadd.s32 $0xE400, s0;
	s6 =	sshrl.u32 s5, $0x1;
	s24 =	sadd.s32 s7, s10  }
0xd: {  	s7 =	sadd.s32 $0xE700, s0;
	s9 =	ssub.s32 s5, s6;
	s5 =	sadd.s32 $0xE500, s0  }
0xe: {  	s6 =	sadd.s32 $0xE600, s0;
	s8 =	sadd.s32 s11, s8;
	s25 =	sadd.s32 s1, s24  }
.Ltmp0:
0xf: {  	s11 =	simm.s32 $0x3;
	s1 =	simm.s32 $0xA680;
	(pc) =	sbr.rel .LBB2_1-.Ltmp0, $4  }
0x10: {  	s24 =	simm.s32 $0x1;
	s4 =	sadd.s32 s4, s0;
	s26 =	sshrl.u32 s8, $0x3  }
0x11: {  	v2 =	vlaneseq.u32;
	s28 =	smax.u32 s9, $0x1;
	s9 =	sadd.s32 $0x1000, s25;
	s0 =	simm.s32 $0x9E80  }
0x12: {  	vm0 =	vmmov $0xffff;
	v1 =	vshrl.u32 v2, $0x3;
	s25 =	simm.s32 $0x2;
	s4 =	sadd.s32 $0x672600, s4;
	[dreg:$0x3] =	wrdreg s28  }
0x13: {  	v0 =	vand.u32 $0x7, v2;
	v2 =	vor.u32 $0x8, v2;
	v1 =	vmul.u32 $0x8, v1;
	s8 =	simm.s32 $0x0;
	s10 =	sadd.s32 s26, s10;
	[dreg:$0x2] =	wrdreg s4  }
.LBB2_4:
0x14: {  	s8 =	rddreg [dreg:$0x4]  }
0x15: {  	s4 =	rddreg [dreg:$0x3];
	s8 =	sadd.s32 $0x1, s8  }
0x16: {  	p0 =	sne.s32 s8, s4  }
.Ltmp1:
0x17: {  	_ = 	snop;
	(pc) =	sbr.rel @!p0 .LBB2_5-.Ltmp1, $1  }
0x18: {  	_ =	sdelay $0x3  }
.LBB2_1:
0x19: {  	[dreg:$0x4] =	wrdreg s8  }
0x1a: {  	s4 =	rddreg [dreg:$0x2]  }
0x1b: {  	[tilespmem:s2], [sflag:$0x3] =	stream.linear.gather [hbm4b:s4+s2], $0x640, $0x38;
	[tilespmem:$0x10680] =	vst v63  }
0x1c: {  	_ =	swait.ge [sflag:s11], $0x640  }
0x1d: {  	[sflag:s11] =	ssyncset.done $0x0  }
0x1e: {  	[sflag:s11] =	ssyncadd.s32 $0xFFFFF9C0  }
0x1f: {  	v3 =	vld [tilespmem:$0x0];
	_ =	sdelay $0x4  }
0x20: {  	v4 =	vshll.u32 v3, $0x3  }
0x21: {  	v3 =	vand.u32 $0x7, v3;
	v4 =	vand.u32 $0xFFFFFFC0, v4  }
0x22: {  	v3 =	vor.u32 v3, v4  }
0x23: {  	v4 =	vperm.xlane v3, v0;
	_ =	sdelay $0x1  }
0x24: {  	v4 =	vadd.s32 v1, v4;
	_ =	sdelay $0x4  }
0x25: {  	[tilespmem:s12], [sflag:$0x1] =	stream.indirect_vreg.gather [hbm4b:s3+s2], $0x80, v4, vm0, $0xb8;
	[tilespmem:$0x10680] =	vst v63  }
0x26: {  	s26 =	simm.s32 $0xE80;
	v3 =	vperm.xlane v3, v2  }
0x27: {  	[tilespmem:s26], [sflag:$0x1] =	stream.indirect_vreg.gather [hbm4b:s5+s2], $0x80, v4, vm0, $0xb8;
	[tilespmem:$0x10680] =	vst v63  }
0x28: {  	s8 =	simm.s32 $0x1680;
	v3 =	vadd.s32 v1, v3  }
0x29: {  	[tilespmem:s8], [sflag:$0x1] =	stream.indirect_vreg.gather [hbm4b:s6+s2], $0x80, v4, vm0, $0xb8;
	[tilespmem:$0x10680] =	vst v63  }
0x2a: {  	s26 =	simm.s32 $0x1E80  }
0x2b: {  	[tilespmem:s26], [sflag:$0x1] =	stream.indirect_vreg.gather [hbm4b:s7+s2], $0x80, v4, vm0, $0xb8;
	[tilespmem:$0x10680] =	vst v63  }
0x2c: {  	s8 =	simm.s32 $0x2680  }
0x2d: {  	[tilespmem:s8], [sflag:$0x1] =	stream.indirect_vreg.gather [hbm4b:s3+s2], $0x80, v3, vm0, $0xb8;
	[tilespmem:$0x10680] =	vst v63  }
0x2e: {  	s26 =	simm.s32 $0x2E80  }
0x2f: {  	[tilespmem:s26], [sflag:$0x1] =	stream.indirect_vreg.gather [hbm4b:s5+s2], $0x80, v3, vm0, $0xb8;
	[tilespmem:$0x10680] =	vst v63  }
0x30: {  	s8 =	simm.s32 $0x3680  }
0x31: {  	[tilespmem:s8], [sflag:$0x1] =	stream.indirect_vreg.gather [hbm4b:s6+s2], $0x80, v3, vm0, $0xb8;
	[tilespmem:$0x10680] =	vst v63  }
0x32: {  	s26 =	simm.s32 $0x3E80  }
0x33: {  	[tilespmem:s26], [sflag:$0x1] =	stream.indirect_vreg.gather [hbm4b:s7+s2], $0x80, v3, vm0, $0xb8;
	[tilespmem:$0x10680] =	vst v63  }
0x34: {  	v3 =	vld [tilespmem:$0x10];
	_ =	sdelay $0x4  }
0x35: {  	v61 =	vshll.u32 v3, $0x3  }
0x36: {  	v3 =	vand.u32 $0x7, v3;
	v4 =	vand.u32 $0xFFFFFFC0, v61  }
0x37: {  	v3 =	vor.u32 v3, v4  }
0x38: {  	v4 =	vperm.xlane v3, v0;
	_ =	sdelay $0x1  }
0x39: {  	v4 =	vadd.s32 v1, v4;
	_ =	sdelay $0x3  }
0x3a: {  	s8 =	simm.s32 $0x4680  }
0x3b: {  	[tilespmem:s8], [sflag:$0x1] =	stream.indirect_vreg.gather [hbm4b:s3+s2], $0x80, v4, vm0, $0xb8;
	[tilespmem:$0x10680] =	vst v63  }
0x3c: {  	s26 =	simm.s32 $0x4E80;
	v3 =	vperm.xlane v3, v2  }
0x3d: {  	[tilespmem:s26], [sflag:$0x1] =	stream.indirect_vreg.gather [hbm4b:s5+s2], $0x80, v4, vm0, $0xb8;
	[tilespmem:$0x10680] =	vst v63  }
0x3e: {  	v3 =	vadd.s32 v1, v3;
	s8 =	simm.s32 $0x5680  }
0x3f: {  	[tilespmem:s8], [sflag:$0x1] =	stream.indirect_vreg.gather [hbm4b:s6+s2], $0x80, v4, vm0, $0xb8;
	[tilespmem:$0x10680] =	vst v63  }
0x40: {  	s26 =	simm.s32 $0x5E80  }
0x41: {  	[tilespmem:s26], [sflag:$0x1] =	stream.indirect_vreg.gather [hbm4b:s7+s2], $0x80, v4, vm0, $0xb8;
	[tilespmem:$0x10680] =	vst v63  }
0x42: {  	s8 =	simm.s32 $0x6680  }
0x43: {  	[tilespmem:s8], [sflag:$0x1] =	stream.indirect_vreg.gather [hbm4b:s3+s2], $0x80, v3, vm0, $0xb8;
	[tilespmem:$0x10680] =	vst v63  }
0x44: {  	s26 =	simm.s32 $0x6E80  }
0x45: {  	[tilespmem:s26], [sflag:$0x1] =	stream.indirect_vreg.gather [hbm4b:s5+s2], $0x80, v3, vm0, $0xb8;
	[tilespmem:$0x10680] =	vst v63  }
0x46: {  	s8 =	simm.s32 $0x7680  }
0x47: {  	[tilespmem:s8], [sflag:$0x1] =	stream.indirect_vreg.gather [hbm4b:s6+s2], $0x80, v3, vm0, $0xb8;
	[tilespmem:$0x10680] =	vst v63  }
0x48: {  	s26 =	simm.s32 $0x7E80  }
0x49: {  	[tilespmem:s26], [sflag:$0x1] =	stream.indirect_vreg.gather [hbm4b:s7+s2], $0x80, v3, vm0, $0xb8;
	[tilespmem:$0x10680] =	vst v63  }
0x4a: {  	v3 =	vld [tilespmem:$0x20];
	_ =	sdelay $0x4  }
0x4b: {  	v62 =	vshll.u32 v3, $0x3  }
0x4c: {  	v3 =	vand.u32 $0x7, v3;
	v4 =	vand.u32 $0xFFFFFFC0, v62  }
0x4d: {  	v3 =	vor.u32 v3, v4  }
0x4e: {  	v4 =	vperm.xlane v3, v0;
	_ =	sdelay $0x1  }
0x4f: {  	v4 =	vadd.s32 v1, v4;
	_ =	sdelay $0x4  }
0x50: {  	[tilespmem:s29], [sflag:$0x2] =	stream.indirect_vreg.gather [hbm4b:s3+s2], $0x80, v4, vm0, $0xb8;
	[tilespmem:$0x10680] =	vst v63  }
0x51: {  	v3 =	vperm.xlane v3, v2  }
0x52: {  	[tilespmem:s30], [sflag:$0x2] =	stream.indirect_vreg.gather [hbm4b:s5+s2], $0x80, v4, vm0, $0xb8;
	[tilespmem:$0x10680] =	vst v63  }
0x53: {  	v3 =	vadd.s32 v1, v3  }
0x54: {  	[tilespmem:s31], [sflag:$0x2] =	stream.indirect_vreg.gather [hbm4b:s6+s2], $0x80, v4, vm0, $0xb8;
	[tilespmem:$0x10680] =	vst v63  }
0x55: {  	_ = 	snop  }
0x56: {  	[tilespmem:s0], [sflag:$0x2] =	stream.indirect_vreg.gather [hbm4b:s7+s2], $0x80, v4, vm0, $0xb8;
	[tilespmem:$0x10680] =	vst v63  }
0x57: {  	_ = 	snop  }
0x58: {  	[tilespmem:s1], [sflag:$0x2] =	stream.indirect_vreg.gather [hbm4b:s3+s2], $0x80, v3, vm0, $0xb8;
	[tilespmem:$0x10680] =	vst v63  }
0x59: {  	_ = 	snop  }
0x5a: {  	[tilespmem:s13], [sflag:$0x2] =	stream.indirect_vreg.gather [hbm4b:s5+s2], $0x80, v3, vm0, $0xb8;
	[tilespmem:$0x10680] =	vst v63  }
0x5b: {  	_ = 	snop  }
0x5c: {  	[tilespmem:s14], [sflag:$0x2] =	stream.indirect_vreg.gather [hbm4b:s6+s2], $0x80, v3, vm0, $0xb8;
	[tilespmem:$0x10680] =	vst v63  }
0x5d: {  	_ = 	snop  }
0x5e: {  	[tilespmem:s15], [sflag:$0x2] =	stream.indirect_vreg.gather [hbm4b:s7+s2], $0x80, v3, vm0, $0xb8;
	[tilespmem:$0x10680] =	vst v63  }
0x5f: {  	v3 =	vld [tilespmem:$0x30];
	_ =	sdelay $0x4  }
0x60: {  	v63 =	vshll.u32 v3, $0x3  }
0x61: {  	v3 =	vand.u32 $0x7, v3;
	v4 =	vand.u32 $0xFFFFFFC0, v63  }
0x62: {  	v3 =	vor.u32 v3, v4  }
0x63: {  	v4 =	vperm.xlane v3, v0;
	_ =	sdelay $0x1  }
0x64: {  	v4 =	vadd.s32 v1, v4;
	_ =	sdelay $0x4  }
0x65: {  	[tilespmem:s16], [sflag:$0x2] =	stream.indirect_vreg.gather [hbm4b:s3+s2], $0x80, v4, vm0, $0xb8;
	[tilespmem:$0x10680] =	vst v63  }
0x66: {  	v3 =	vperm.xlane v3, v2  }
0x67: {  	[tilespmem:s17], [sflag:$0x2] =	stream.indirect_vreg.gather [hbm4b:s5+s2], $0x80, v4, vm0, $0xb8;
	[tilespmem:$0x10680] =	vst v63  }
0x68: {  	v3 =	vadd.s32 v1, v3  }
0x69: {  	[tilespmem:s18], [sflag:$0x2] =	stream.indirect_vreg.gather [hbm4b:s6+s2], $0x80, v4, vm0, $0xb8;
	[tilespmem:$0x10680] =	vst v63  }
0x6a: {  	_ = 	snop  }
0x6b: {  	[tilespmem:s19], [sflag:$0x2] =	stream.indirect_vreg.gather [hbm4b:s7+s2], $0x80, v4, vm0, $0xb8;
	[tilespmem:$0x10680] =	vst v63  }
0x6c: {  	_ = 	snop  }
0x6d: {  	[tilespmem:s20], [sflag:$0x2] =	stream.indirect_vreg.gather [hbm4b:s3+s2], $0x80, v3, vm0, $0xb8;
	[tilespmem:$0x10680] =	vst v63  }
0x6e: {  	_ = 	snop  }
0x6f: {  	[tilespmem:s21], [sflag:$0x2] =	stream.indirect_vreg.gather [hbm4b:s5+s2], $0x80, v3, vm0, $0xb8;
	[tilespmem:$0x10680] =	vst v63  }
0x70: {  	_ = 	snop  }
0x71: {  	[tilespmem:s22], [sflag:$0x2] =	stream.indirect_vreg.gather [hbm4b:s6+s2], $0x80, v3, vm0, $0xb8;
	[tilespmem:$0x10680] =	vst v63  }
0x72: {  	s28 =	simm.s32 $0x70;
	s4 =	simm.s32 $0x0  }
0x73: {  	[tilespmem:s23], [sflag:$0x2] =	stream.indirect_vreg.gather [hbm4b:s7+s2], $0x80, v3, vm0, $0xb8;
	[tilespmem:$0x10680] =	vst v63  }
.LBB2_2:
0x74: {  	_ =	swait.ge [sflag:s24], $0x8000  }
0x75: {  	[sflag:s24] =	ssyncset.done $0x0  }
0x76: {  	s8 =	sadd.s32 s4, s10;
	[sflag:s24] =	ssyncadd.s32 $0xFFFF8000  }
0x77: {  	[hbm4b:s8+s2] =	stream.linear.scatter [tilespmem:s12], [sflag:$0x3], $0x8000, $0x38;
	[tilespmem:$0x10680] =	vst v63  }
0x78: {  	_ =	swait.ge [sflag:s11], $0x8000  }
0x79: {  	[sflag:s11] =	ssyncset.done $0x0  }
0x7a: {  	p0 =	seq.s32 s4, $0x30000;
	[sflag:s11] =	ssyncadd.s32 $0xFFFF8000  }
0x7b: {  	v3 =	vld @!p0 [tilespmem:s28+$0xFFFFFFD0];
	_ =	sdelay $0x4  }
0x7c: {  	v4 =	vshll.u32 @!p0 v3, $0x3  }
0x7d: {  	v5 =	vlaneseq.u32 @!p0;
	v3 =	vand.u32 @!p0 $0x7, v3;
	v4 =	vand.u32 @!p0 $0xFFFFFFC0, v4  }
0x7e: {  	v6 =	vshrl.u32 @!p0 v5, $0x3;
	v3 =	vor.u32 @!p0 v3, v4;
	v4 =	vand.u32 @!p0 $0x7, v5  }
0x7f: {  	v6 =	vmul.u32 @!p0 $0x8, v6;
	v7 =	vperm.xlane @!p0 v3, v4;
	_ =	sdelay $0x1  }
0x80: {  	v7 =	vadd.s32 @!p0 v6, v7;
	_ =	sdelay $0x3  }
0x81: {  	vm1 =	vmmov @!p0 $0xffff;
	s26 =	simm.s32 @!p0 $0x680;
	s8 =	simm.s32 @!p0 $0x0  }
0x82: {  	v5 =	vor.u32 @!p0 $0x8, v5;
	[tilespmem:s26], [sflag:$0x1] =	stream.indirect_vreg.gather @!p0 [hbm4b:s3+s8], $0x80, v7, vm1, $0xb8;
	[tilespmem:$0x10680] =	vst v63  }
0x83: {  	v3 =	vperm.xlane @!p0 v3, v5;
	s26 =	simm.s32 @!p0 $0xE80  }
0x84: {  	[tilespmem:s26], [sflag:$0x1] =	stream.indirect_vreg.gather @!p0 [hbm4b:s5+s8], $0x80, v7, vm1, $0xb8;
	[tilespmem:$0x10680] =	vst v63  }
0x85: {  	v3 =	vadd.s32 @!p0 v6, v3;
	s26 =	simm.s32 @!p0 $0x1680  }
0x86: {  	[tilespmem:s26], [sflag:$0x1] =	stream.indirect_vreg.gather @!p0 [hbm4b:s6+s8], $0x80, v7, vm1, $0xb8;
	[tilespmem:$0x10680] =	vst v63  }
0x87: {  	s26 =	simm.s32 @!p0 $0x1E80  }
0x88: {  	[tilespmem:s26], [sflag:$0x1] =	stream.indirect_vreg.gather @!p0 [hbm4b:s7+s8], $0x80, v7, vm1, $0xb8;
	[tilespmem:$0x10680] =	vst v63  }
0x89: {  	s26 =	simm.s32 @!p0 $0x2680  }
0x8a: {  	[tilespmem:s26], [sflag:$0x1] =	stream.indirect_vreg.gather @!p0 [hbm4b:s3+s8], $0x80, v3, vm1, $0xb8;
	[tilespmem:$0x10680] =	vst v63  }
0x8b: {  	s26 =	simm.s32 @!p0 $0x2E80  }
0x8c: {  	[tilespmem:s26], [sflag:$0x1] =	stream.indirect_vreg.gather @!p0 [hbm4b:s5+s8], $0x80, v3, vm1, $0xb8;
	[tilespmem:$0x10680] =	vst v63  }
0x8d: {  	s26 =	simm.s32 @!p0 $0x3680  }
0x8e: {  	[tilespmem:s26], [sflag:$0x1] =	stream.indirect_vreg.gather @!p0 [hbm4b:s6+s8], $0x80, v3, vm1, $0xb8;
	[tilespmem:$0x10680] =	vst v63  }
0x8f: {  	s26 =	simm.s32 @!p0 $0x3E80  }
0x90: {  	[tilespmem:s26], [sflag:$0x1] =	stream.indirect_vreg.gather @!p0 [hbm4b:s7+s8], $0x80, v3, vm1, $0xb8;
	[tilespmem:$0x10680] =	vst v63  }
0x91: {  	v3 =	vld @!p0 [tilespmem:s28+$0xFFFFFFE0];
	_ =	sdelay $0x4  }
0x92: {  	v7 =	vshll.u32 @!p0 v3, $0x3  }
0x93: {  	v3 =	vand.u32 @!p0 $0x7, v3;
	v7 =	vand.u32 @!p0 $0xFFFFFFC0, v7  }
0x94: {  	v3 =	vor.u32 @!p0 v3, v7  }
0x95: {  	v4 =	vperm.xlane @!p0 v3, v4;
	_ =	sdelay $0x1  }
0x96: {  	v4 =	vadd.s32 @!p0 v6, v4;
	_ =	sdelay $0x3  }
0x97: {  	s26 =	simm.s32 @!p0 $0x4680  }
0x98: {  	[tilespmem:s26], [sflag:$0x1] =	stream.indirect_vreg.gather @!p0 [hbm4b:s3+s8], $0x80, v4, vm1, $0xb8;
	[tilespmem:$0x10680] =	vst v63  }
0x99: {  	v3 =	vperm.xlane @!p0 v3, v5;
	s26 =	simm.s32 @!p0 $0x4E80  }
0x9a: {  	[tilespmem:s26], [sflag:$0x1] =	stream.indirect_vreg.gather @!p0 [hbm4b:s5+s8], $0x80, v4, vm1, $0xb8;
	[tilespmem:$0x10680] =	vst v63  }
0x9b: {  	v3 =	vadd.s32 @!p0 v6, v3;
	s26 =	simm.s32 @!p0 $0x5680  }
0x9c: {  	[tilespmem:s26], [sflag:$0x1] =	stream.indirect_vreg.gather @!p0 [hbm4b:s6+s8], $0x80, v4, vm1, $0xb8;
	[tilespmem:$0x10680] =	vst v63  }
0x9d: {  	s26 =	simm.s32 @!p0 $0x5E80  }
0x9e: {  	[tilespmem:s26], [sflag:$0x1] =	stream.indirect_vreg.gather @!p0 [hbm4b:s7+s8], $0x80, v4, vm1, $0xb8;
	[tilespmem:$0x10680] =	vst v63  }
0x9f: {  	s26 =	simm.s32 @!p0 $0x6680  }
0xa0: {  	[tilespmem:s26], [sflag:$0x1] =	stream.indirect_vreg.gather @!p0 [hbm4b:s3+s8], $0x80, v3, vm1, $0xb8;
	[tilespmem:$0x10680] =	vst v63  }
0xa1: {  	s26 =	simm.s32 @!p0 $0x6E80  }
0xa2: {  	[tilespmem:s26], [sflag:$0x1] =	stream.indirect_vreg.gather @!p0 [hbm4b:s5+s8], $0x80, v3, vm1, $0xb8;
	[tilespmem:$0x10680] =	vst v63  }
0xa3: {  	s26 =	simm.s32 @!p0 $0x7680  }
0xa4: {  	[tilespmem:s26], [sflag:$0x1] =	stream.indirect_vreg.gather @!p0 [hbm4b:s6+s8], $0x80, v3, vm1, $0xb8;
	[tilespmem:$0x10680] =	vst v63  }
0xa5: {  	s26 =	simm.s32 @!p0 $0x7E80  }
0xa6: {  	[tilespmem:s26], [sflag:$0x1] =	stream.indirect_vreg.gather @!p0 [hbm4b:s7+s8], $0x80, v3, vm1, $0xb8;
	[tilespmem:$0x10680] =	vst v63  }
0xa7: {  	_ =	swait.ge [sflag:s25], $0x8000  }
0xa8: {  	[sflag:s25] =	ssyncset.done $0x0  }
.Ltmp2:
0xa9: {  	s26 =	sadd.s32 s4, s9;
	[sflag:s25] =	ssyncadd.s32 $0xFFFF8000;
	(pc) =	sbr.rel @p0 .LBB2_4-.Ltmp2, $4  }
0xaa: {  	[hbm4b:s26+s2] =	stream.linear.scatter [tilespmem:s29], [sflag:$0x3], $0x8000, $0x38;
	[tilespmem:$0x10680] =	vst v63  }
0xab: {  	_ =	swait.ge [sflag:s11], $0x8000  }
0xac: {  	[sflag:s11] =	ssyncset.done $0x0  }
0xad: {  	[sflag:s11] =	ssyncadd.s32 $0xFFFF8000  }
0xae: {  	v3 =	vld [tilespmem:s28+$0xFFFFFFF0];
	_ =	sdelay $0x4  }
0xaf: {  	v4 =	vshll.u32 v3, $0x3  }
0xb0: {  	v3 =	vand.u32 $0x7, v3;
	v4 =	vand.u32 $0xFFFFFFC0, v4  }
0xb1: {  	v3 =	vor.u32 v3, v4  }
0xb2: {  	v4 =	vperm.xlane v3, v0;
	_ =	sdelay $0x1  }
0xb3: {  	v4 =	vadd.s32 v1, v4;
	_ =	sdelay $0x4  }
0xb4: {  	[tilespmem:s29], [sflag:$0x2] =	stream.indirect_vreg.gather [hbm4b:s3+s2], $0x80, v4, vm0, $0xb8;
	[tilespmem:$0x10680] =	vst v63  }
0xb5: {  	v3 =	vperm.xlane v3, v2  }
0xb6: {  	[tilespmem:s30], [sflag:$0x2] =	stream.indirect_vreg.gather [hbm4b:s5+s2], $0x80, v4, vm0, $0xb8;
	[tilespmem:$0x10680] =	vst v63  }
0xb7: {  	v3 =	vadd.s32 v1, v3  }
0xb8: {  	[tilespmem:s31], [sflag:$0x2] =	stream.indirect_vreg.gather [hbm4b:s6+s2], $0x80, v4, vm0, $0xb8;
	[tilespmem:$0x10680] =	vst v63  }
0xb9: {  	_ = 	snop  }
0xba: {  	[tilespmem:s0], [sflag:$0x2] =	stream.indirect_vreg.gather [hbm4b:s7+s2], $0x80, v4, vm0, $0xb8;
	[tilespmem:$0x10680] =	vst v63  }
0xbb: {  	_ = 	snop  }
0xbc: {  	[tilespmem:s1], [sflag:$0x2] =	stream.indirect_vreg.gather [hbm4b:s3+s2], $0x80, v3, vm0, $0xb8;
	[tilespmem:$0x10680] =	vst v63  }
0xbd: {  	_ = 	snop  }
0xbe: {  	[tilespmem:s13], [sflag:$0x2] =	stream.indirect_vreg.gather [hbm4b:s5+s2], $0x80, v3, vm0, $0xb8;
	[tilespmem:$0x10680] =	vst v63  }
0xbf: {  	_ = 	snop  }
0xc0: {  	[tilespmem:s14], [sflag:$0x2] =	stream.indirect_vreg.gather [hbm4b:s6+s2], $0x80, v3, vm0, $0xb8;
	[tilespmem:$0x10680] =	vst v63  }
0xc1: {  	_ = 	snop  }
0xc2: {  	[tilespmem:s15], [sflag:$0x2] =	stream.indirect_vreg.gather [hbm4b:s7+s2], $0x80, v3, vm0, $0xb8;
	[tilespmem:$0x10680] =	vst v63  }
0xc3: {  	v3 =	vld [tilespmem:s28+$0x0];
	_ =	sdelay $0x4  }
0xc4: {  	v63 =	vshll.u32 v3, $0x3  }
0xc5: {  	v3 =	vand.u32 $0x7, v3;
	v4 =	vand.u32 $0xFFFFFFC0, v63  }
0xc6: {  	v3 =	vor.u32 v3, v4  }
0xc7: {  	v4 =	vperm.xlane v3, v0;
	_ =	sdelay $0x1  }
0xc8: {  	v4 =	vadd.s32 v1, v4;
	_ =	sdelay $0x4  }
0xc9: {  	[tilespmem:s16], [sflag:$0x2] =	stream.indirect_vreg.gather [hbm4b:s3+s2], $0x80, v4, vm0, $0xb8;
	[tilespmem:$0x10680] =	vst v63  }
0xca: {  	v3 =	vperm.xlane v3, v2  }
0xcb: {  	[tilespmem:s17], [sflag:$0x2] =	stream.indirect_vreg.gather [hbm4b:s5+s2], $0x80, v4, vm0, $0xb8;
	[tilespmem:$0x10680] =	vst v63  }
0xcc: {  	v3 =	vadd.s32 v1, v3  }
0xcd: {  	[tilespmem:s18], [sflag:$0x2] =	stream.indirect_vreg.gather [hbm4b:s6+s2], $0x80, v4, vm0, $0xb8;
	[tilespmem:$0x10680] =	vst v63  }
0xce: {  	_ = 	snop  }
0xcf: {  	[tilespmem:s19], [sflag:$0x2] =	stream.indirect_vreg.gather [hbm4b:s7+s2], $0x80, v4, vm0, $0xb8;
	[tilespmem:$0x10680] =	vst v63  }
0xd0: {  	_ = 	snop  }
0xd1: {  	[tilespmem:s20], [sflag:$0x2] =	stream.indirect_vreg.gather [hbm4b:s3+s2], $0x80, v3, vm0, $0xb8;
	[tilespmem:$0x10680] =	vst v63  }
0xd2: {  	_ = 	snop  }
0xd3: {  	[tilespmem:s21], [sflag:$0x2] =	stream.indirect_vreg.gather [hbm4b:s5+s2], $0x80, v3, vm0, $0xb8;
	[tilespmem:$0x10680] =	vst v63  }
.Ltmp3:
0xd4: {  	_ = 	snop;
	(pc) =	sbr.rel .LBB2_2-.Ltmp3, $4  }
0xd5: {  	_ = 	snop  }
0xd6: {  	[tilespmem:s22], [sflag:$0x2] =	stream.indirect_vreg.gather [hbm4b:s6+s2], $0x80, v3, vm0, $0xb8;
	[tilespmem:$0x10680] =	vst v63  }
0xd7: {  	s4 =	sadd.s32 $0x2000, s4;
	s28 =	sadd.s32 $0x40, s28  }
0xd8: {  	[tilespmem:s23], [sflag:$0x2] =	stream.indirect_vreg.gather [hbm4b:s7+s2], $0x80, v3, vm0, $0xb8;
	[tilespmem:$0x10680] =	vst v63  }
.LBB2_5:
0xd9: {  	_ =	sfence.sel $0x180000  }
0xda: {  	[bflag:$0x0] =	sbarrier.arrive $0xFFFF  }
0xdb: {  	_ =	strace $0x90000053  }
0xdc: {  	s0 =	stileid.u32;
	[bflag:$0x2] =	sbarrier.arrive $0xFFFF  }
0xdd: {  	p0 =	sne.s32 s0, $0x0;
	s0 =	rddreg [dreg:$0x1]  }
0xde: {  	s0 =	sadd.s32 @!p0 $0x100000, s0  }
0xdf: {  	[sflag:s0] =	ssyncadd.tile.s32 @!p0 $0x1;
	_ =	shalt  }
.Lfunc_end2:
_tile_overlayer_lowered:
.L_overlay_start_2:
0xe0: {  	(tag) =	ssettag $0x2  }
0xe1: {  	s0 =	rddreg [dreg:$0x0];
	s2 =	stileid.u32  }
0xe2: {  	s1 =	rddreg [dreg:$0x1];
	p0 =	sne.s32 s2, $0x0  }
0xe3: {  	s3 =	rddreg [dreg:$0x2];
	[bflag:$0x3] =	sbarrier.arrive $0xFFFF;
	s2 =	simm.s32 @!p0 $0x1C03  }
0xe4: {  	[timem:s3], [sflag:s2] =	dma.local @!p0 [hbm:s0], s1  }
0xe5: {  	s0 =	simm.s32 @!p0 $0x3  }
0xe6: {  	_ =	swait.ge @!p0 [sflag:s0], s1  }
0xe7: {  	s1 =	ssub.s32 @!p0 $0x0, s1;
	[sflag:s0] =	ssyncset.done @!p0 $0x0  }
0xe8: {  	[sflag:s0] =	ssyncadd.s32 @!p0 s1  }
0xe9: {  	[bflag:$0x3] =	sbarrier.arrive $0xFFFF  }
0xea: {  	_ =	shalt  }

// kernel: kernel.24.cloned.1.call-start
scs
__scs_entry_jumppad:
0x0: {  	(pc) =	sbr.rel $0x88, $3  }
0x1: {  	(tag) =	ssettag $0x0;
	lr =	simm.s32 $0x1  }
0x2: {  	[smem:$0x3F9E] =	sst lr;
	_ =	strace $0xD0000000  }
0x3: {  	_ = 	snop  }
0x4: {  	_ = 	snop  }
0x5: {  	_ = 	snop  }
0x6: {  	_ = 	snop  }
0x7: {  	_ = 	snop  }
__scs_overlays_trampoline_lowered:
0x8: {  	[smem:$0x3FAD] =	sst s0  }
0x9: {  	[smem:$0x3FAE] =	sst s1  }
0xa: {  	[smem:$0x3FAF] =	sst s2  }
0xb: {  	[smem:$0x3FB0] =	sst s3  }
0xc: {  	[smem:$0x3FB1] =	sst s4  }
0xd: {  	[smem:$0x3FB2] =	sst s5  }
0xe: {  	[smem:$0x3FB3] =	sst s6  }
0xf: {  	[smem:$0x3FB4] =	sst s7  }
0x10: {  	[smem:$0x3FB5] =	sst s8  }
0x11: {  	[smem:$0x3FB6] =	sst s9;
	s0 =	simm.s32 @!p0 $0x0  }
0x12: {  	s1 =	sld [smem:$0x3F9C];
	s0 =	simm.s32 @p0 $0x1  }
0x13: {  	[smem:$0x3FB7] =	sst s0;
	s0 =	simm.s32 @!p1 $0x0  }
0x14: {  	s2 =	sld [smem:$0x3F9B];
	s0 =	simm.s32 @p1 $0x1  }
0x15: {  	[smem:$0x3FB8] =	sst s0;
	s0 =	simm.s32 @!p2 $0x0  }
0x16: {  	s3 =	sld [smem:$0x3FDB];
	s0 =	simm.s32 @p2 $0x1  }
0x17: {  	s4 =	simm.s32 $0x1BF5;
	[smem:$0x3FBA] =	sst s0  }
0x18: {  	s0 =	sld [smem:$0x3F9D];
	_ =	swait.ge [sflag:s4], $0x0  }
0x19: {  	s7 =	sld [smem:$0x3F9E]  }
0x1a: {  	s8 =	sadd.s32 $0xFFFFE003, lr  }
0x1b: {  	s9 =	sadd.s32 $0xFFFFFEF7, lr;
	s5 =	simm.s32 $0xFFFFFFFF;
	p2 =	slt.u32 s8, $0xFFFFF086  }
0x1c: {  	p1 =	slt.u32 s9, $0xF7A;
	s5 =	simm.s32 @!p2 $0x0  }
0x1d: {  	s5 =	simm.s32 @p1 $0x1;
	p0 =	seq.s32 s7, s2  }
0x1e: {  	s7 =	smul.u32 @!p0 $0xF7A, s2;
	p2 =	seq.s32 @!p0 s5, $0x0  }
0x1f: {  	s9 =	smul.u32 $0xF7A, s1;
	s8 =	simm.s32 @!p0 $0x1BF5;
	p2 =	por !p2, p0  }
0x20: {  	[sflag:s8] =	ssyncset.s32 @!p0 $0xFFFFF086;
	s6 =	sadd.s32 @!p0 s3, s7;
	s7 =	simm.s32 @!p0 $0x108  }
0x21: {  	s3 =	sadd.s32 s3, s9;
	s6 =	sadd.s32 @!p0 $0x88, s6;
	s7 =	simm.s32 @p2 $0x1082  }
0x22: {  	[simem:s7], [sflag:s8] =	dma.local @!p0 [hbm:s6], $0xF7A  }
0x23: {  	s9 =	sor.u32 $0xD0000000, s2;
	s6 =	simm.s32 $0x108;
	_ =	swait.ge @!p0 [sflag:s8], $0x0  }
0x24: {  	s3 =	sadd.s32 $0x88, s3;
	s6 =	simm.s32 @!p1 $0x1082;
	[sflag:s4] =	ssyncset.s32 $0xFFFFF086  }
0x25: {  	[simem:s6], [sflag:s4] =	dma.local [hbm:s3], $0xF7A  }
0x26: {  	[smem:$0x3F9E] =	sst s1;
	(tag) =	ssettag s2;
	_ =	strace s9  }
0x27: {  	s1 =	sld [smem:$0x3FAE]  }
0x28: {  	s2 =	sld [smem:$0x3FAF]  }
0x29: {  	s4 =	sld [smem:$0x3FB1]  }
0x2a: {  	p0 =	seq.s32 s5, $0x0;
	s5 =	sld [smem:$0x3FB2]  }
0x2b: {  	s6 =	sld [smem:$0x3FB3]  }
0x2c: {  	s7 =	sld [smem:$0x3FB4]  }
0x2d: {  	s3 =	simm.s32 $0x108;
	s8 =	sld [smem:$0x3FB5]  }
0x2e: {  	s3 =	simm.s32 @!p0 $0x1082;
	s9 =	sld [smem:$0x3FB6]  }
0x2f: {  	lr =	sadd.s32 s0, s3;
	s0 =	sld [smem:$0x3FAD]  }
0x30: {  	s3 =	sld [smem:$0x3FB0]  }
0x31: {  	[smem:$0x3FB9] =	sst s10  }
0x32: {  	s10 =	sld [smem:$0x3FB7];
	_ =	sdelay $0x3  }
0x33: {  	p0 =	seq.s32 s10, $0x1;
	s10 =	sld [smem:$0x3FB9];
	_ =	sdelay $0x3  }
0x34: {  	[smem:$0x3FB9] =	sst s10  }
0x35: {  	s10 =	sld [smem:$0x3FB8];
	_ =	sdelay $0x3  }
0x36: {  	p1 =	seq.s32 s10, $0x1;
	s10 =	sld [smem:$0x3FB9];
	_ =	sdelay $0x3  }
0x37: {  	[smem:$0x3FB9] =	sst s10  }
0x38: {  	s10 =	sld [smem:$0x3FBA]  }
0x39: {  	_ = 	snop;
	(pc) =	sbr.ind lr, $3  }
0x3a: {  	_ = 	snop  }
0x3b: {  	_ = 	snop  }
0x3c: {  	p2 =	seq.s32 s10, $0x1;
	s10 =	sld [smem:$0x3FB9]  }
0x3d: {  	_ =	shalt  }
0x3e: {  	_ =	shalt  }
0x3f: {  	_ =	shalt  }
0x40: {  	_ =	shalt  }
0x41: {  	_ =	shalt  }
0x42: {  	_ =	shalt  }
0x43: {  	_ =	shalt  }
0x44: {  	_ =	shalt  }
0x45: {  	_ =	shalt  }
0x46: {  	_ =	shalt  }
0x47: {  	_ =	shalt  }
0x48: {  	_ =	shalt  }
0x49: {  	_ =	shalt  }
0x4a: {  	_ =	shalt  }
0x4b: {  	_ =	shalt  }
0x4c: {  	_ =	shalt  }
0x4d: {  	_ =	shalt  }
0x4e: {  	_ =	shalt  }
0x4f: {  	_ =	shalt  }
0x50: {  	_ =	shalt  }
0x51: {  	_ =	shalt  }
0x52: {  	_ =	shalt  }
0x53: {  	_ =	shalt  }
0x54: {  	_ =	shalt  }
0x55: {  	_ =	shalt  }
0x56: {  	_ =	shalt  }
0x57: {  	_ =	shalt  }
0x58: {  	_ =	shalt  }
0x59: {  	_ =	shalt  }
0x5a: {  	_ =	shalt  }
0x5b: {  	_ =	shalt  }
0x5c: {  	_ =	shalt  }
0x5d: {  	_ =	shalt  }
0x5e: {  	_ =	shalt  }
0x5f: {  	_ =	shalt  }
0x60: {  	_ =	shalt  }
0x61: {  	_ =	shalt  }
0x62: {  	_ =	shalt  }
0x63: {  	_ =	shalt  }
0x64: {  	_ =	shalt  }
0x65: {  	_ =	shalt  }
0x66: {  	_ =	shalt  }
0x67: {  	_ =	shalt  }
0x68: {  	_ =	shalt  }
0x69: {  	_ =	shalt  }
0x6a: {  	_ =	shalt  }
0x6b: {  	_ =	shalt  }
0x6c: {  	_ =	shalt  }
0x6d: {  	_ =	shalt  }
0x6e: {  	_ =	shalt  }
0x6f: {  	_ =	shalt  }
0x70: {  	_ =	shalt  }
0x71: {  	_ =	shalt  }
0x72: {  	_ =	shalt  }
0x73: {  	_ =	shalt  }
0x74: {  	_ =	shalt  }
0x75: {  	_ =	shalt  }
0x76: {  	_ =	shalt  }
0x77: {  	_ =	shalt  }
0x78: {  	_ =	shalt  }
0x79: {  	_ =	shalt  }
0x7a: {  	_ =	shalt  }
0x7b: {  	_ =	shalt  }
0x7c: {  	_ =	shalt  }
0x7d: {  	_ =	shalt  }
0x7e: {  	_ =	shalt  }
0x7f: {  	_ =	shalt  }
0x80: {  	_ =	shalt  }
0x81: {  	_ =	shalt  }
0x82: {  	_ =	shalt  }
0x83: {  	_ =	shalt  }
0x84: {  	_ =	shalt  }
0x85: {  	_ =	shalt  }
0x86: {  	_ =	shalt  }
0x87: {  	_ =	shalt  }
.Lfunc_end0:
.L_simem_size_0:
called_computation.4_lowered:
.L_overlay_start_0:
0x88: {  	s2 =	sld [smem:$0x3FD9]  }
0x89: {  	s3 =	sld [smem:$0x3FFE];
	_ =	sdelay $0x1  }
0x8a: {  	s1 =	srdreg.scid  }
0x8b: {  	s0 =	sand.u32 $0x1, s1  }
0x8c: {  	s14 =	sshll.u32 s0, $0xA;
	s2 =	sadd.s32 s3, s2  }
0x8d: {  	s2 =	sadd.s32 s2, s14  }
0x8e: {  	[smem:$0x3FC5] =	sst s2  }
0x8f: {  	_ = 	snop  }
0x90: {  	s2 =	sld [smem:$0x3FD0];
	_ =	sdelay $0x2  }
0x91: {  	s15 =	simm.s32 $0xE;
	s4 =	simm.s32 $0x10  }
0x92: {  	[smem:s4], [sflag:s15] =	dma.local [hbm:s2], $0x1  }
0x93: {  	_ =	swait.eq [sflag:s15], $0x1  }
0x94: {  	[sflag:s15] =	ssyncset.done $0x0  }
0x95: {  	[sflag:s15] =	ssyncadd.s32 $0xFFFFFFFF  }
0x96: {  	s16 =	sld [smem:$0x10];
	(tm) =	ssettm $0x1  }
0x97: {  	s17 =	sld [smem:$0x3FFB];
	_ =	sdelay $0x3  }
0x98: {  	_ =	strace s17  }
0x99: {  	s3 =	sld [smem:$0x3FFC];
	_ =	sdelay $0x3  }
0x9a: {  	_ =	strace s3  }
0x9b: {  	s3 =	sld [smem:$0x3FFD];
	_ =	sdelay $0x3  }
0x9c: {  	_ =	strace s3  }
0x9d: {  	_ =	strace $0x8FFFFFFF  }
0x9e: {  	s18 =	sld [smem:$0x3FDB];
	_ =	sdelay $0x1  }
0x9f: {  	s19 =	simm.s32 $_scs_section_size  }
0xa0: {  	s5 =	simm.s32 $_size__tile_overlayer_lowered;
	s6 =	simm.s32 $_tile_overlayer_lowered  }
0xa1: {  	s22 =	simm.s32 $0x1BFF;
	s21 =	sshll.u32 s6, $0x1;
	s3 =	sadd.s32 s19, s18  }
0xa2: {  	s7 =	simm.s32 $0x0;
	s20 =	sshll.u32 s5, $0x1;
	s5 =	sadd.s32 s21, s3  }
0xa3: {  	[timem:s7], [sflag:s22] =	dma.local [hbm:s5], s20  }
0xa4: {  	_ =	swait.ge [sflag:s22], s20  }
0xa5: {  	s4 =	ssub.s32 $0x0, s20;
	[sflag:s22] =	ssyncset.done $0x0  }
0xa6: {  	[sflag:s22] =	ssyncadd.s32 s4;
	_ =	sdelay $0x1  }
0xa7: {  	s23 =	simm.s32 $0x1B8B  }
0xa8: {  	_ =	swait.ge [sflag:s23], $0x1  }
0xa9: {  	[sflag:s23] =	ssyncset.done $0x0  }
0xaa: {  	s25 =	simm.s32 $0x1B8E;
	s24 =	sld [smem:$0x3FFE];
	[sflag:s23] =	ssyncadd.s32 $0xFFFFFFFF  }
0xab: {  	s26 =	simm.s32 $execute0_lowered;
	[smem:$0x3FD2] =	sst s25  }
0xac: {  	s5 =	sshll.u32 s26, $0x1;
	_ =	strace $0x80000046;
	[dreg:$0x1] =	wrdreg $0xFFFFFFFF  }
0xad: {  	s28 =	simm.s32 $_size_execute0_lowered;
	s3 =	sadd.s32 s3, s5;
	[dreg:$0x0] =	wrdreg $0x0  }
0xae: {  	s5 =	sshll.u32 s28, $0x1;
	[dreg:$0x2] =	wrdreg s3  }
0xaf: {  	[dreg:$0x3] =	wrdreg s5  }
0xb0: {  	[dreg:$0x4] =	wrdreg $0xC0  }
0xb1: {  	_ =	task [dreg:s7], $0x5FFFF  }
0xb2: {  	[dreg:$0x1] =	wrdreg $0xFFFFFFFF  }
0xb3: {  	[dreg:$0x0] =	wrdreg $0x60  }
0xb4: {  	[dreg:$0x2] =	wrdreg s16  }
0xb5: {  	[dreg:$0x3] =	wrdreg s24  }
0xb6: {  	[dreg:$0x4] =	wrdreg $0xD  }
0xb7: {  	_ =	task.clear_ibuf [dreg:s7], $0x5FFFF;
	_ =	strace $0x90000046  }
0xb8: {  	s29 =	simm.s32 $0xD;
	_ =	strace $0x80000048  }
0xb9: {  	_ =	swait.ge [sflag:s29], $0x1  }
0xba: {  	[sflag:s29] =	ssyncadd.s32 $0xFFFFFFFF  }
0xbb: {  	_ =	strace $0x90000048  }
0xbc: {  	_ =	sfence  }
0xbd: {  	s30 =	sld [smem:$0x0];
	_ =	sdelay $0x2  }
0xbe: {  	s31 =	sshll.u32 s1, $0xD;
	s1 =	sshrl.u32 s1, $0x2  }
0xbf: {  	s3 =	sand.u32 $0x4000, s31;
	s1 =	sadd.s32 s1, s30  }
0xc0: {  	s0 =	sor.u32 s3, s0;
	s1 =	sshll.u32 s1, $0x11  }
0xc1: {  	s0 =	sor.u32 s1, s0  }
0xc2: {  	s0 =	sadd.s32 $0x8F2B, s0  }
0xc3: {  	[sflag:s0] =	ssyncadd.remote.s32 $0x1  }
0xc4: {  	_ =	sfence.sel $0xFFFF  }
0xc5: {  	[dreg:$0x0] =	wrdreg $0xFFFFFFFF;
	(pc) =	sbr.abs _section_cstart, $3  }
0xc6: {  	[dreg:$0x1] =	wrdreg $0xFFFFFFFF  }
0xc7: {  	_ =	task.clear_ibuf [dreg:s7], $0x2FFFF;
	_ =	strace $0x9FFFFFFF  }
0xc8: {  	(tm) =	ssettm $0x7FFFFFFF  }
0xc9: {  	_ =	shalt  }
tec
execute0_lowered:
.L_overlay_start_1:
0x0: {  	(tag) =	ssettag $0x1  }
0x1: {  	s2 =	rddreg [dreg:$0x0]  }
0x2: {  	s1 =	srdreg.scid;
	s0 =	stileid.u32  }
0x3: {  	s5 =	rddreg [dreg:$0x1];
	s3 =	simm.s32 $0x0;
	s10 =	simm.s32 $0x1900  }
0x4: {  	s11 =	simm.s32 $0x6400;
	s12 =	simm.s32 $0x80;
	s13 =	simm.s32 $0x1  }
0x5: {  	s14 =	simm.s32 $0x67E8;
	s4 =	sand.u32 $0x1, s1;
	s6 =	sshll.u32 s0, $0x1  }
0x6: {  	s15 =	simm.s32 $0x0;
	s1 =	rddreg [dreg:$0x2];
	s6 =	sor.u32 s4, s6  }
0x7: {  	[smem:$0x7FF] =	sst s3;
	s8 =	ssub.s32 $0x2, s4;
	s7 =	smul.u32 $0x320, s6  }
0x8: {  	_ =	strace $0x80000047;
	s4 =	sadd.s32 $0x1800, s5;
	s31 =	sshrl.u32 s8, $0x1  }
0x9: {  	s6 =	sshll.u32 s6, $0x1;
	s8 =	ssub.s32 s8, s31;
	s7 =	sadd.s32 s7, s5  }
0xa: {  	s9 =	sadd.s32 s6, s5;
	s8 =	smax.u32 s8, $0x1;
	s5 =	sadd.s32 $0x1A00, s7  }
0xb: {  	s6 =	sadd.s32 $0x7E00, s7;
	s7 =	sadd.s32 $0xE200, s9;
	s9 =	simm.s32 $0x2  }
.LBB2_1:
0xc: {  	[tilespmem:s3], [sflag:$0x2] =	stream.linear.gather [hbm4b:s5+s3], $0x1900, $0x38;
	[tilespmem:$0x67F8] =	vst v63  }
0xd: {  	_ =	swait.ge [sflag:s9], $0x1900  }
0xe: {  	[sflag:s9] =	ssyncset.done $0x0  }
0xf: {  	[sflag:s9] =	ssyncadd.s32 $0xFFFFE700  }
0x10: {  	[tilespmem:s10], [sflag:$0x2] =	stream.linear.gather [hbm4b:s6+s3], $0x1900, $0x38;
	[tilespmem:$0x67F8] =	vst v63  }
0x11: {  	_ =	swait.ge [sflag:s9], $0x1900  }
0x12: {  	[sflag:s9] =	ssyncset.done $0x0  }
0x13: {  	[sflag:s9] =	ssyncadd.s32 $0xFFFFE700  }
0x14: {  	[tilespmem:s11], [sflag:$0x2] =	stream.linear.gather [hbm4b:s4+s3], $0x3E8, $0x38;
	[tilespmem:$0x67F8] =	vst v63  }
0x15: {  	_ =	swait.ge [sflag:s9], $0x3E8  }
0x16: {  	[sflag:s9] =	ssyncset.done $0x0  }
0x17: {  	s16 =	simm.s32 $0x0;
	[sflag:s9] =	ssyncadd.s32 $0xFFFFFC18  }
0x18: {  	v0 =	vld [tilespmem:s16+$0x0]  }
0x19: {  	s17 =	simm.s32 $0x40;
	v1 =	vld [tilespmem:s16+$0x1900]  }
.LBB2_2:
0x1a: {  	_ = 	snop  }
0x1b: {  	p0 =	sne.s32 s17, $0x63C0  }
.Ltmp0:
0x1c: {  	_ = 	snop;
	(pc) =	sbr.rel @p0 .LBB2_2-.Ltmp0, $4  }
0x1d: {  	v2 =	vmul.u32 $0x3E8, v0  }
0x1e: {  	s18 =	sshra.s32 s17, $0x2  }
0x1f: {  	v0 =	vld [tilespmem:s18+$0x0];
	v2 =	vadd.s32 v1, v2  }
0x20: {  	s17 =	sadd.s32 $0x40, s17;
	v1 =	vld [tilespmem:s18+$0x1900];
	[tilespmem:s16+$0x3200] =	vst v2;
	s16 =	smov.u32 s18  }
0x21: {  	_ =	sdelay $0x2  }
0x22: {  	v0 =	vmul.u32 $0x3E8, v0;
	_ =	sdelay $0x1  }
0x23: {  	v0 =	vadd.s32 v1, v0  }
0x24: {  	s31 =	simm.s32 $0x4B00;
	s17 =	simm.s32 $0x3200;
	[tilespmem:s16+$0x3200] =	vst v0  }
0x25: {  	[tilespmem:s31], [sflag:$0x1] =	stream.indirect.gather [hbm4b:s2+s12], $0x1, s17, s12, $0xb8;
	[tilespmem:$0x67F8] =	vst v63  }
0x26: {  	s16 =	simm.s32 $0x0;
	s17 =	simm.s32 $0x200;
	_ =	swait.ge [sflag:s13], $0x80  }
.LBB2_4:
0x27: {  	s18 =	sshra.s32 s17, $0x2  }
0x28: {  	[sflag:s13] =	ssyncset.done $0x0;
	p0 =	sne.s32 s17, $0x6200;
	s19 =	sadd.s32 $0x4B00, s18  }
.Ltmp1:
0x29: {  	s18 =	sadd.s32 $0x3200, s18;
	[sflag:s13] =	ssyncadd.s32 $0xFFFFFF80;
	(pc) =	sbr.rel @p0 .LBB2_4-.Ltmp1, $3  }
0x2a: {  	[tilespmem:s19], [sflag:$0x1] =	stream.indirect.gather [hbm4b:s2+s12], $0x1, s18, s12, $0xb8;
	[tilespmem:$0x67F8] =	vst v63  }
0x2b: {  	s17 =	sadd.s32 $0x200, s17;
	_ =	sdelay $0x1  }
0x2c: {  	_ =	swait.ge [sflag:s13], $0x80  }
0x2d: {  	[sflag:s13] =	ssyncset.done $0x0  }
0x2e: {  	[sflag:s13] =	ssyncadd.s32 $0xFFFFFF80  }
0x2f: {  	v2 =	vld [tilespmem:s16+$0x0];
	_ =	sdelay $0x6  }
0x30: {  	v1 =	vld [tilespmem:s16+$0x4B00]  }
0x31: {  	v0 =	vimm.f32 $0.0e+00;
	s17 =	simm.s32 $0x80;
	s16 =	simm.s32 $0x10;
	v2 =	vld.idx.msk [tilespmem:v2+s11+$0x0], $0xffff  }
.LBB2_6:
0x32: {  	p0 =	sne.s32 s17, $0x63C0;
	v3 =	vld [tilespmem:s16+$0x0];
	_ =	sdelay $0x3  }
.Ltmp2:
0x33: {  	(pc) =	sbr.rel @p0 .LBB2_6-.Ltmp2, $3  }
0x34: {  	v2 =	vsub.f32 v2, v1;
	_ =	sdelay $0x1  }
0x35: {  	v0 =	vadd.f32 v2, v0;
	v1 =	vld [tilespmem:s16+$0x4B00]  }
0x36: {  	s16 =	sshra.s32 s17, $0x2;
	s17 =	sadd.s32 $0x40, s17;
	v2 =	vld.idx.msk [tilespmem:v3+s11+$0x0], $0xffff  }
0x37: {  	v3 =	vld [tilespmem:s16+$0x0];
	_ =	sdelay $0x6  }
0x38: {  	v4 =	vld [tilespmem:s16+$0x4B00]  }
0x39: {  	v3 =	vld.idx.msk [tilespmem:v3+s11+$0x0], $0xffff;
	_ =	sdelay $0x2  }
0x3a: {  	v1 =	vsub.f32 v2, v1;
	_ =	sdelay $0x1  }
0x3b: {  	v0 =	vadd.f32 v1, v0;
	v63 =	vsub.f32 v3, v4;
	_ =	sdelay $0x1  }
0x3c: {  	s15 =	sadd.s32 $0x1, s15;
	v0 =	vadd.f32 v63, v0  }
0x3d: {  	p0 =	sne.s32 s15, s8  }
.Ltmp3:
0x3e: {  	[tilespmem:$0x67E8] =	vst v0;
	(pc) =	sbr.rel @p0 .LBB2_1-.Ltmp3, $4  }
0x3f: {  	[hbm4b:s7+s3] =	stream.linear.scatter [tilespmem:s14], [sflag:$0x2], $0x10, $0x38;
	[tilespmem:$0x67F8] =	vst v63  }
0x40: {  	_ =	swait.ge [sflag:s9], $0x10  }
0x41: {  	[sflag:s9] =	ssyncset.done $0x0  }
0x42: {  	[sflag:s9] =	ssyncadd.s32 $0xFFFFFFF0  }
0x43: {  	_ =	sfence.sel $0x180000  }
0x44: {  	[bflag:$0x0] =	sbarrier.arrive $0xFFFF  }
0x45: {  	p0 =	sne.s32 s0, $0x0;
	_ =	strace $0x90000047  }
0x46: {  	s0 =	sadd.s32 @!p0 $0x100000, s1;
	[bflag:$0x2] =	sbarrier.arrive $0xFFFF  }
0x47: {  	[sflag:s0] =	ssyncadd.tile.s32 @!p0 $0x1;
	_ =	shalt  }
.Lfunc_end2:
_tile_overlayer_lowered:
.L_overlay_start_2:
0x48: {  	(tag) =	ssettag $0x2  }
0x49: {  	s0 =	rddreg [dreg:$0x0];
	s2 =	stileid.u32  }
0x4a: {  	s1 =	rddreg [dreg:$0x1];
	p0 =	sne.s32 s2, $0x0  }
0x4b: {  	s3 =	rddreg [dreg:$0x2];
	[bflag:$0x3] =	sbarrier.arrive $0xFFFF;
	s2 =	simm.s32 @!p0 $0x1C02  }
0x4c: {  	[timem:s3], [sflag:s2] =	dma.local @!p0 [hbm:s0], s1  }
0x4d: {  	s0 =	simm.s32 @!p0 $0x2  }
0x4e: {  	_ =	swait.ge @!p0 [sflag:s0], s1  }
0x4f: {  	s1 =	ssub.s32 @!p0 $0x0, s1;
	[sflag:s0] =	ssyncset.done @!p0 $0x0  }
0x50: {  	[sflag:s0] =	ssyncadd.s32 @!p0 s1  }
0x51: {  	[bflag:$0x3] =	sbarrier.arrive $0xFFFF  }
0x52: {  	_ =	shalt  }

</sc_bundles>
